<compile_context>
chip_gen: v7x
topology: tpu7x:2x2x1
jax: 0.10.2.dev20260603
libtpu: 0.0.44.dev20260713+nightly
codegen_flags: <defaults>
</compile_context>

<pallas_src>
import functools
import math

import jax
import jax.numpy as jnp
import numpy as np
from jax import lax
from jax.experimental import pallas as pl
from jax.experimental.pallas import tpu as pltpu
from jax.experimental.pallas import tpu_sc as plsc

B, C, H, W = 8, 19, 512, 512
N = B * H * W
MIN_KEPT = 100000
THRESH_NLL = float(np.float32(-math.log(float(np.float32(0.7)))))

ROWS = 256

NW = 32
CROWS = 64
NB = 2048
LANES = 16


def _nll_body(pred_ref, tgt_ref, nll_ref, cnt_ref, sum_ref, loss_ref):
    x = pred_ref[0]
    t = tgt_ref[0]
    s = jnp.sum(jnp.exp(x), axis=0)
    xt = jnp.zeros_like(s)
    for c in range(C):
        xt += jnp.where(t == c, x[c], 0.0)
    nll = jnp.log(s) - xt
    nll_ref[0] = nll
    kept = nll >= THRESH_NLL
    blk_cnt = jnp.sum(kept.astype(jnp.float32))
    blk_sum = jnp.sum(jnp.where(kept, nll, 0.0))

    @pl.when((pl.program_id(0) == 0) & (pl.program_id(1) == 0))
    def _init():
        cnt_ref[0, 0] = 0.0
        sum_ref[0, 0] = 0.0

    cnt_ref[0, 0] += blk_cnt
    sum_ref[0, 0] += blk_sum

    @pl.when((pl.program_id(0) == B - 1) & (pl.program_id(1) == H // ROWS - 1))
    def _final():
        loss_ref[0, 0] = sum_ref[0, 0] / jnp.maximum(cnt_ref[0, 0], 1.0)


def _nll_pass(pred, target, interpret=False):
    return pl.pallas_call(
        _nll_body,
        grid=(B, H // ROWS),
        in_specs=[
            pl.BlockSpec((1, C, ROWS, W), lambda b, r: (b, 0, r, 0)),
            pl.BlockSpec((1, ROWS, W), lambda b, r: (b, r, 0)),
        ],
        out_specs=[
            pl.BlockSpec((1, ROWS, W), lambda b, r: (b, r, 0)),
            pl.BlockSpec((1, 1), lambda b, r: (0, 0), memory_space=pltpu.SMEM),
            pl.BlockSpec((1, 1), lambda b, r: (0, 0), memory_space=pltpu.SMEM),
            pl.BlockSpec((1, 1), lambda b, r: (0, 0), memory_space=pltpu.SMEM),
        ],
        out_shape=[
            jax.ShapeDtypeStruct((B, H, W), jnp.float32),
            jax.ShapeDtypeStruct((1, 1), jnp.float32),
            jax.ShapeDtypeStruct((1, 1), jnp.float32),
            jax.ShapeDtypeStruct((1, 1), jnp.float32),
        ],
        interpret=interpret,
    )(pred, target)


def _hist_common(nll_hbm, cnt_out, data_v, ch_v, rc_v, wid, bucket_of):
    img = wid // 4
    r0 = (wid % 4) * 128
    zeros = jnp.zeros((LANES,), jnp.float32)
    ones = jnp.ones((LANES,), jnp.float32)
    lanes = lax.iota(jnp.int32, LANES)

    @plsc.parallel_loop(0, NB * LANES // LANES, unroll=8)
    def _(i):
        ch_v[pl.ds(i * LANES, LANES)] = zeros

    def chunk_body(cidx, _):
        pltpu.sync_copy(nll_hbm.at[img, pl.ds(r0 + cidx * CROWS, CROWS)], data_v)

        @plsc.parallel_loop(0, CROWS * 512 // LANES, unroll=8)
        def _(i):
            row = lax.shift_right_logical(i, 5)
            col = (i & 31) * LANES
            v = data_v[row, pl.ds(col, LANES)]
            bi_raw, mask = bucket_of(v)
            bi = jnp.minimum(jnp.maximum(bi_raw, 0), NB - 1)
            idx = bi * LANES + lanes
            plsc.addupdate_scatter(ch_v, [idx], ones, mask=mask)

        return 0

    lax.fori_loop(0, 128 // CROWS, chunk_body, 0)

    diag = [lanes * LANES + ((l + lanes) & (LANES - 1)) for l in range(LANES)]

    @plsc.parallel_loop(0, NB // LANES, unroll=2)
    def _(j):
        base = j * (LANES * LANES)
        acc_c = zeros
        for l in range(LANES):
            acc_c += plsc.load_gather(ch_v, [diag[l] + base])
        rc_v[pl.ds(j * LANES, LANES)] = acc_c

    pltpu.sync_copy(rc_v, cnt_out.at[wid])


def _sc_hist_body(nll_hbm, cnt_out, data_v, ch_v, rc_v):
    wid = lax.axis_index("s") * 2 + lax.axis_index("c")

    def bucket_of(v):
        bits = lax.bitcast_convert_type(jnp.maximum(v, 0.0), jnp.int32)
        bi = lax.shift_right_logical(bits, 19)
        return bi, v < THRESH_NLL

    _hist_common(nll_hbm, cnt_out, data_v, ch_v, rc_v, wid, bucket_of)


def _sc_refine_body(nll_hbm, pfx_hbm, cnt_out, data_v, ch_v, rc_v, pfx_v):
    wid = lax.axis_index("s") * 2 + lax.axis_index("c")
    pltpu.sync_copy(pfx_hbm, pfx_v)
    pfx = pfx_v[...]

    def bucket_of(v):
        bits = lax.bitcast_convert_type(jnp.maximum(v, 0.0), jnp.int32)
        match = jnp.logical_and(
            lax.shift_right_logical(bits, 19) == pfx, v < THRESH_NLL
        )
        bi = lax.shift_right_logical(bits, 8) & (NB - 1)
        return bi, match

    _hist_common(nll_hbm, cnt_out, data_v, ch_v, rc_v, wid, bucket_of)


def _sc_sum_body(nll_hbm, thr_hbm, sum_out, cnt_out, data_v, thr_v):
    wid = lax.axis_index("s") * 2 + lax.axis_index("c")
    img = wid // 4
    r0 = (wid % 4) * 128
    pltpu.sync_copy(thr_hbm, thr_v)
    thr = thr_v[...]
    zeros = jnp.zeros((LANES,), jnp.float32)
    ones = jnp.ones((LANES,), jnp.float32)

    def chunk_body(cidx, carry):
        pltpu.sync_copy(nll_hbm.at[img, pl.ds(r0 + cidx * CROWS, CROWS)], data_v)

        def body(i, carry):
            acc_s, acc_c = carry
            for u in range(4):
                ii = i * 4 + u
                row = lax.shift_right_logical(ii, 5)
                col = (ii & 31) * LANES
                v = data_v[row, pl.ds(col, LANES)]
                mask = jnp.logical_and(v >= thr, v < THRESH_NLL)
                acc_s = acc_s + jnp.where(mask, v, 0.0)
                acc_c = acc_c + jnp.where(mask, ones, 0.0)
            return acc_s, acc_c

        return lax.fori_loop(0, CROWS * 512 // (LANES * 4), body, carry)

    acc_s, acc_c = lax.fori_loop(0, 128 // CROWS, chunk_body, (zeros, zeros))
    thr_v[...] = acc_s
    pltpu.sync_copy(thr_v, sum_out.at[wid])
    thr_v[...] = acc_c
    pltpu.sync_copy(thr_v, cnt_out.at[wid])


_SC_SCRATCH = [
    pltpu.VMEM((CROWS, 512), jnp.float32),
    pltpu.VMEM((LANES * NB,), jnp.float32),
    pltpu.VMEM((NB,), jnp.float32),
]


@functools.cache
def _sc_hist():
    return functools.partial(
        pl.kernel,
        mesh=plsc.VectorSubcoreMesh(core_axis_name="c", subcore_axis_name="s"),
        out_type=jax.ShapeDtypeStruct((NW, NB), jnp.float32),
        scratch_types=list(_SC_SCRATCH),
        compiler_params=pltpu.CompilerParams(needs_layout_passes=False),
    )(_sc_hist_body)


@functools.cache
def _sc_refine():
    return functools.partial(
        pl.kernel,
        mesh=plsc.VectorSubcoreMesh(core_axis_name="c", subcore_axis_name="s"),
        out_type=jax.ShapeDtypeStruct((NW, NB), jnp.float32),
        scratch_types=list(_SC_SCRATCH) + [pltpu.VMEM((LANES,), jnp.int32)],
        compiler_params=pltpu.CompilerParams(needs_layout_passes=False),
    )(_sc_refine_body)


@functools.cache
def _sc_sum():
    return functools.partial(
        pl.kernel,
        mesh=plsc.VectorSubcoreMesh(core_axis_name="c", subcore_axis_name="s"),
        out_type=[
            jax.ShapeDtypeStruct((NW, LANES), jnp.float32),
            jax.ShapeDtypeStruct((NW, LANES), jnp.float32),
        ],
        scratch_types=[
            pltpu.VMEM((CROWS, 512), jnp.float32),
            pltpu.VMEM((LANES,), jnp.float32),
        ],
        compiler_params=pltpu.CompilerParams(needs_layout_passes=False),
    )(_sc_sum_body)


def _suffix(cnt):
    row = lax.broadcasted_iota(jnp.int32, (NB, NB), 0)
    col = lax.broadcasted_iota(jnp.int32, (NB, NB), 1)
    tri = (row >= col).astype(jnp.float32)
    return jnp.dot(cnt, tri, preferred_element_type=jnp.float32)


def _pick(arr, b):
    cidx = lax.broadcasted_iota(jnp.int32, (1, NB), 1)
    return jnp.sum(arr * (cidx == b).astype(jnp.float32))


def _rare_pre_body(cnt_ref, nc_ref, pfx_ref, cge_ref):
    cnt = jnp.sum(cnt_ref[...], axis=0, keepdims=True)
    s_cnt = _suffix(cnt)
    kf = jnp.float32(MIN_KEPT)
    ncv = nc_ref[0, 0]
    nb_mask = (ncv + s_cnt >= kf).astype(jnp.float32)
    bstar = jnp.sum(nb_mask).astype(jnp.int32) - 1
    pfx_ref[0, 0] = bstar
    cge_ref[0, 0] = ncv + _pick(s_cnt, bstar) - _pick(cnt, bstar)


def _rare_pre(cnt_h, nc, interpret=False):
    return pl.pallas_call(
        _rare_pre_body,
        in_specs=[
            pl.BlockSpec(memory_space=pltpu.VMEM),
            pl.BlockSpec(memory_space=pltpu.SMEM),
        ],
        out_specs=[pl.BlockSpec(memory_space=pltpu.SMEM)] * 2,
        out_shape=[
            jax.ShapeDtypeStruct((1, 1), jnp.int32),
            jax.ShapeDtypeStruct((1, 1), jnp.float32),
        ],
        interpret=interpret,
    )(cnt_h, nc)


def _rare_pre2_body(cnt_ref, pfx_ref, cge_ref, thr_ref):
    cnt = jnp.sum(cnt_ref[...], axis=0, keepdims=True)
    s_cnt = _suffix(cnt)
    kf = jnp.float32(MIN_KEPT)
    cge = cge_ref[0, 0]
    nb_mask = (cge + s_cnt >= kf).astype(jnp.float32)
    b2 = jnp.sum(nb_mask).astype(jnp.int32) - 1
    b2 = jnp.maximum(b2, 0)
    tbits = lax.shift_left(pfx_ref[0, 0], 19) | lax.shift_left(b2, 8)
    thr_ref[0, 0] = lax.bitcast_convert_type(tbits, jnp.float32)


def _rare_pre2(cnt2_h, pfx, cge, interpret=False):
    return pl.pallas_call(
        _rare_pre2_body,
        in_specs=[
            pl.BlockSpec(memory_space=pltpu.VMEM),
            pl.BlockSpec(memory_space=pltpu.SMEM),
            pl.BlockSpec(memory_space=pltpu.SMEM),
        ],
        out_specs=pl.BlockSpec(memory_space=pltpu.SMEM),
        out_shape=jax.ShapeDtypeStruct((1, 1), jnp.float32),
        interpret=interpret,
    )(cnt2_h, pfx, cge)


def _rare_div_body(sum_ref, cnt_ref, nc_ref, sc_ref, out_ref):
    tail_s = jnp.sum(sum_ref[...])
    tail_c = jnp.sum(cnt_ref[...])
    rare_sum = sc_ref[0, 0] + tail_s
    rare_cnt = nc_ref[0, 0] + tail_c
    out_ref[0, 0] = rare_sum / jnp.maximum(rare_cnt, 1.0)


def _rare_div(sum_w, cnt_w, nc, sc, interpret=False):
    return pl.pallas_call(
        _rare_div_body,
        in_specs=[pl.BlockSpec(memory_space=pltpu.VMEM)] * 2
        + [pl.BlockSpec(memory_space=pltpu.SMEM)] * 2,
        out_specs=pl.BlockSpec(memory_space=pltpu.SMEM),
        out_shape=jax.ShapeDtypeStruct((1, 1), jnp.float32),
        interpret=interpret,
    )(sum_w, cnt_w, nc, sc)


def kernel(pred, target):
    nll3, nc, sc, loss_c = _nll_pass(pred, target)
    cnt_h = _sc_hist()(nll3)

    def common_fn(ops):
        return ops[4]

    def rare_fn(ops):
        cnt_h, nc, sc, nll3, _ = ops
        pfx, cge = _rare_pre(cnt_h, nc)
        pfx_vec = jnp.broadcast_to(pfx.reshape(()), (LANES,))
        cnt2_h = _sc_refine()(nll3, pfx_vec)
        thr = _rare_pre2(cnt2_h, pfx, cge)
        thr_vec = jnp.broadcast_to(thr.reshape(()), (LANES,))
        sum_w, cnt_w = _sc_sum()(nll3, thr_vec)
        return _rare_div(sum_w, cnt_w, nc, sc)

    loss = lax.cond(
        nc[0, 0] >= jnp.float32(MIN_KEPT),
        common_fn,
        rare_fn,
        (cnt_h, nc, sc, nll3, loss_c),
    )
    return loss[0, 0]

# --- scband reference (transcript-rebuilt; emitter-appended) ---
"""Pipeline reference for scband-ohem-cross-entropy2-d-27092653703559 (READ-ONLY COPY).

The authoritative reference and input builder live on the scoring server;
editing this copy changes nothing except your own understanding.
"""

import jax, jax.numpy as jnp
import numpy as np

IGNORE_INDEX = -1
THRESH = 0.7
MIN_KEPT = 100000


def setup_inputs(seed: int = 0) -> dict:
    key = jax.random.key(seed)
    k1, k2 = jax.random.split(key)
    pred = jax.random.normal(k1, (8, 19, 512, 512), dtype=jnp.float32)
    target = jax.random.randint(k2, (8, 512, 512), 0, 19, dtype=jnp.int32)
    return {"pred": pred, "target": target}


def reference(pred, target):
    b, c, h, w = pred.shape
    tflat = target.reshape(-1).astype(jnp.int32)
    valid_mask = tflat != IGNORE_INDEX
    t = tflat * valid_mask.astype(tflat.dtype)
    num_valid = valid_mask.sum()
    # softmax probabilities, gather per-pixel prob of the target class
    prob = jax.nn.softmax(pred, axis=1)
    prob = jnp.transpose(prob, (1, 0, 2, 3)).reshape(c, -1)
    prob = jnp.where(valid_mask[None, :], prob, 1.0)
    mask_prob = prob[t, jnp.arange(t.shape[0])]
    # OHEM threshold: k-th smallest target-class probability, floored at THRESH
    sorted_mp = jnp.sort(mask_prob)
    kth = min(mask_prob.shape[0], MIN_KEPT) - 1
    kth_val = sorted_mp[kth]
    threshold = jnp.maximum(kth_val, THRESH)
    kept_mask = mask_prob <= threshold
    apply_ohem = jnp.logical_and(jnp.asarray(MIN_KEPT) <= num_valid, num_valid > 0)
    valid_final = jnp.where(apply_ohem, jnp.logical_and(valid_mask, kept_mask), valid_mask)
    t_final = jnp.where(valid_final, t, IGNORE_INDEX)
    # cross entropy with ignore_index, mean over kept pixels
    logp = jax.nn.log_softmax(pred, axis=1)
    t_img = t_final.reshape(b, h, w)
    valid = t_img != IGNORE_INDEX
    t_clip = jnp.where(valid, t_img, 0)
    nll = -jnp.take_along_axis(logp, t_clip[:, None, :, :], axis=1)[:, 0]
    loss = jnp.sum(nll * valid.astype(nll.dtype)) / jnp.maximum(valid.sum().astype(nll.dtype), 1.0)
    return loss

if __name__ == "__main__":
    import jax
    _d = setup_inputs()
    print(jax.jit(kernel)(*tuple(_d.values())))

</pallas_src>

<mosaic_0001>
#map = affine_map<(d0, d1) -> (0, 0, 0)>
#map1 = affine_map<(d0, d1) -> (0, 0)>
module attributes {stable_mosaic.version = 14 : i64} {
  func.func @_sc_hist_body(%arg0: i32, %arg1: i32, %arg2: memref<8x512x512xf32, #tpu.memory_space<hbm>>, %arg3: memref<32x2048xf32, #tpu.memory_space<hbm>>, %arg4: memref<64x512xf32, #tpu.memory_space<vmem>>, %arg5: memref<32768xf32, #tpu.memory_space<vmem>>, %arg6: memref<2048xf32, #tpu.memory_space<vmem>>) attributes {dimension_semantics = [#tpu.dimension_semantics<core_parallel>, #tpu.dimension_semantics<subcore_parallel>], iteration_bounds = array<i64: 2, 16>, scalar_prefetch = 0 : i64, scratch_operands = 3 : i64, tpu.core_type = #tpu.core_type<sc_vector_subcore>, window_params = [{transform_indices = #map}, {transform_indices = #map1}]} {
    %mul3A = arith.constant 2 : i32
    %mul3A_0 = arith.muli %arg1, %mul3A : i32
    %add3A = arith.addi %mul3A_0, %arg0 : i32
    %jit3A = arith.constant 4 : i32
    %div3A = arith.divsi %add3A, %jit3A : i32
    %sign3A = arith.constant 0 : i32
    %sign3A_1 = arith.cmpi sgt, %add3A, %sign3A : i32
    %sign3A_2 = arith.extui %sign3A_1 : i1 to i32
    %sign3A_3 = arith.constant 0 : i32
    %sign3A_4 = arith.cmpi slt, %add3A, %sign3A_3 : i32
    %sign3A_5 = arith.extui %sign3A_4 : i1 to i32
    %sign3A_6 = arith.subi %sign3A_2, %sign3A_5 : i32
    %sign3A_7 = arith.constant 0 : i32
    %sign3A_8 = arith.cmpi sgt, %jit3A, %sign3A_7 : i32
    %sign3A_9 = arith.extui %sign3A_8 : i1 to i32
    %sign3A_10 = arith.constant 0 : i32
    %sign3A_11 = arith.cmpi slt, %jit3A, %sign3A_10 : i32
    %sign3A_12 = arith.extui %sign3A_11 : i1 to i32
    %sign3A_13 = arith.subi %sign3A_9, %sign3A_12 : i32
    %ne3A = arith.cmpi ne, %sign3A_6, %sign3A_13 : i32
    %rem3A = arith.remsi %add3A, %jit3A : i32
    %ne3A_14 = arith.constant 0 : i32
    %ne3A_15 = arith.cmpi ne, %rem3A, %ne3A_14 : i32
    %and3A = arith.andi %ne3A, %ne3A_15 : i1
    %sub3A = arith.constant 1 : i32
    %sub3A_16 = arith.subi %div3A, %sub3A : i32
    %select_n3A = arith.select %and3A, %sub3A_16, %div3A : i32
    %jit3A_17 = arith.constant 4 : i32
    %eq3A = arith.constant 0 : i32
    %eq3A_18 = arith.cmpi eq, %jit3A_17, %eq3A : i32
    %jit3A_19 = arith.constant 1 : i32
    %select_n3A_20 = arith.select %eq3A_18, %jit3A_19, %jit3A_17 : i32
    %rem3A_21 = arith.remsi %add3A, %select_n3A_20 : i32
    %ne3A_22 = arith.constant 0 : i32
    %ne3A_23 = arith.cmpi ne, %rem3A_21, %ne3A_22 : i32
    %lt3A = arith.constant 0 : i32
    %lt3A_24 = arith.cmpi slt, %rem3A_21, %lt3A : i32
    %lt3A_25 = arith.constant 0 : i32
    %lt3A_26 = arith.cmpi slt, %select_n3A_20, %lt3A_25 : i32
    %ne3A_27 = arith.xori %lt3A_24, %lt3A_26 : i1
    %and3A_28 = arith.andi %ne3A_27, %ne3A_23 : i1
    %add3A_29 = arith.addi %rem3A_21, %select_n3A_20 : i32
    %select_n3A_30 = arith.select %and3A_28, %add3A_29, %rem3A_21 : i32
    %mul3A_31 = arith.constant 128 : i32
    %mul3A_32 = arith.muli %select_n3A_30, %mul3A_31 : i32
    %broadcast_in_dim3A = arith.constant 0.000000e+00 : f32
    %broadcast_in_dim3A_33 = vector.broadcast %broadcast_in_dim3A : f32 to vector<16xf32>
    %broadcast_in_dim3A_34 = arith.constant 1.000000e+00 : f32
    %broadcast_in_dim3A_35 = vector.broadcast %broadcast_in_dim3A_34 : f32 to vector<16xf32>
    %iota3A = tpu.iota {dimensions = array<i32: 0>} : vector<16xi32>
    %parallel_loop3A = arith.constant 0 : i32
    %parallel_loop3A_36 = arith.constant 2048 : i32
    %parallel_loop3A_37 = arith.constant 1 : i32
    scf.for %parallel_loop3A_207 = %parallel_loop3A to %parallel_loop3A_36 step %parallel_loop3A_37  : i32 {
      %parallel_loop3A_208 = arith.constant 16 : i32
      %parallel_loop3A_209 = arith.muli %parallel_loop3A_207, %parallel_loop3A_208 : i32
      %parallel_loop3A_210 = arith.index_cast %parallel_loop3A_209 : i32 to index
      %parallel_loop3A_211 = tpu.vector_load %arg5[%parallel_loop3A_210] {strides = array<i32>} : memref<32768xf32, #tpu.memory_space<vmem>>, vector<16xf32>,
      tpu.vector_store %arg5[%parallel_loop3A_210], %broadcast_in_dim3A_33 {strides = array<i32>} : memref<32768xf32, #tpu.memory_space<vmem>>, vector<16xf32>,
    } {sc.loop_unroll_factor = 8 : i64, sc.parallel_access}
    %scan3A = arith.constant 0 : i32
    %scan3A_38 = arith.constant 0 : i32
    %scan3A_39 = arith.constant 2 : i32
    %scan3A_40 = arith.addi %scan3A_38, %scan3A_39 : i32
    %scan3A_41 = arith.constant 1 : i32
    %scan3A_42 = scf.for %scan3A_207 = %scan3A_38 to %scan3A_40 step %scan3A_41 iter_args(%scan3A_208 = %scan3A) -> (i32)  : i32 {
      %mul3A_209 = arith.constant 64 : i32
      %mul3A_210 = arith.muli %scan3A_207, %mul3A_209 : i32
      %add3A_211 = arith.addi %mul3A_32, %mul3A_210 : i32
      "tpu.region"() ({
        %run_scoped3A = tpu.sem_alloc : memref<!tpu.dma_semaphore, #tpu.memory_space<semaphore_mem>>
        %dma_start3A = arith.constant 0 : i32
        %dma_start3A_216 = tpu.memref_slice %arg2[%select_n3A, %add3A_211, %dma_start3A] : memref<8x512x512xf32, #tpu.memory_space<hbm>> -> memref<1x64x512xf32, #tpu.memory_space<hbm>>
        %dma_start3A_217 = tpu.memref_squeeze %dma_start3A_216 : memref<1x64x512xf32, #tpu.memory_space<hbm>> -> memref<64x512xf32, #tpu.memory_space<hbm>>
        %dma_start3A_218 = arith.constant 0 : i32
        %dma_start3A_219 = tpu.memref_slice %arg2[%select_n3A, %add3A_211, %dma_start3A_218] : memref<8x512x512xf32, #tpu.memory_space<hbm>> -> memref<1x64x512xf32, #tpu.memory_space<hbm>>
        %dma_start3A_220 = tpu.memref_squeeze %dma_start3A_219 : memref<1x64x512xf32, #tpu.memory_space<hbm>> -> memref<64x512xf32, #tpu.memory_space<hbm>>
        tpu.enqueue_dma source(%dma_start3A_220 : memref<64x512xf32, #tpu.memory_space<hbm>>) target(%arg4 : memref<64x512xf32, #tpu.memory_space<vmem>>) target_semaphore(%run_scoped3A : memref<!tpu.dma_semaphore, #tpu.memory_space<semaphore_mem>>)
        %dma_wait3A = arith.constant 0 : i32
        %dma_wait3A_221 = tpu.memref_slice %arg2[%select_n3A, %add3A_211, %dma_wait3A] : memref<8x512x512xf32, #tpu.memory_space<hbm>> -> memref<1x64x512xf32, #tpu.memory_space<hbm>>
        %dma_wait3A_222 = tpu.memref_squeeze %dma_wait3A_221 : memref<1x64x512xf32, #tpu.memory_space<hbm>> -> memref<64x512xf32, #tpu.memory_space<hbm>>
        %dma_wait3A_223 = arith.constant 0 : i32
        %dma_wait3A_224 = tpu.memref_slice %arg2[%select_n3A, %add3A_211, %dma_wait3A_223] : memref<8x512x512xf32, #tpu.memory_space<hbm>> -> memref<1x64x512xf32, #tpu.memory_space<hbm>>
        %dma_wait3A_225 = tpu.memref_squeeze %dma_wait3A_224 : memref<1x64x512xf32, #tpu.memory_space<hbm>> -> memref<64x512xf32, #tpu.memory_space<hbm>>
        tpu.wait_dma2 semaphore(%run_scoped3A : memref<!tpu.dma_semaphore, #tpu.memory_space<semaphore_mem>>) src(%dma_wait3A_225 : memref<64x512xf32, #tpu.memory_space<hbm>>) dst(%arg4 : memref<64x512xf32, #tpu.memory_space<vmem>>)
        tpu.yield
      }) : () -> ()
      %parallel_loop3A_212 = arith.constant 0 : i32
      %parallel_loop3A_213 = arith.constant 2048 : i32
      %parallel_loop3A_214 = arith.constant 1 : i32
      scf.for %parallel_loop3A_216 = %parallel_loop3A_212 to %parallel_loop3A_213 step %parallel_loop3A_214  : i32 {
        %parallel_loop3A_217 = arith.constant 5 : i32
        %parallel_loop3A_218 = arith.shrui %parallel_loop3A_216, %parallel_loop3A_217 : i32
        %parallel_loop3A_219 = arith.constant 31 : i32
        %parallel_loop3A_220 = arith.andi %parallel_loop3A_216, %parallel_loop3A_219 : i32
        %parallel_loop3A_221 = arith.constant 16 : i32
        %parallel_loop3A_222 = arith.muli %parallel_loop3A_220, %parallel_loop3A_221 : i32
        %parallel_loop3A_223 = arith.index_cast %parallel_loop3A_218 : i32 to index
        %parallel_loop3A_224 = arith.index_cast %parallel_loop3A_222 : i32 to index
        %parallel_loop3A_225 = tpu.vector_load %arg4[%parallel_loop3A_223, %parallel_loop3A_224] {strides = array<i32>} : memref<64x512xf32, #tpu.memory_space<vmem>>, vector<16xf32>,
        %parallel_loop3A_226 = arith.constant 0.000000e+00 : f32
        %parallel_loop3A_227 = vector.broadcast %parallel_loop3A_226 : f32 to vector<16xf32>
        %parallel_loop3A_228 = arith.maximumf %parallel_loop3A_225, %parallel_loop3A_227 : vector<16xf32>
        %parallel_loop3A_229 = tpu.bitcast %parallel_loop3A_228 : vector<16xf32> -> vector<16xi32>
        %parallel_loop3A_230 = arith.constant 19 : i32
        %parallel_loop3A_231 = vector.broadcast %parallel_loop3A_230 : i32 to vector<16xi32>
        %parallel_loop3A_232 = arith.shrui %parallel_loop3A_229, %parallel_loop3A_231 : vector<16xi32>
        %parallel_loop3A_233 = arith.constant 0.356674969 : f32
        %parallel_loop3A_234 = vector.broadcast %parallel_loop3A_233 : f32 to vector<16xf32>
        %parallel_loop3A_235 = arith.cmpf olt, %parallel_loop3A_225, %parallel_loop3A_234 : vector<16xf32>
        %parallel_loop3A_236 = arith.constant 0 : i32
        %parallel_loop3A_237 = vector.broadcast %parallel_loop3A_236 : i32 to vector<16xi32>
        %parallel_loop3A_238 = arith.maxsi %parallel_loop3A_232, %parallel_loop3A_237 : vector<16xi32>
        %parallel_loop3A_239 = arith.constant 2047 : i32
        %parallel_loop3A_240 = vector.broadcast %parallel_loop3A_239 : i32 to vector<16xi32>
        %parallel_loop3A_241 = arith.minsi %parallel_loop3A_238, %parallel_loop3A_240 : vector<16xi32>
        %parallel_loop3A_242 = arith.constant 16 : i32
        %parallel_loop3A_243 = vector.broadcast %parallel_loop3A_242 : i32 to vector<16xi32>
        %parallel_loop3A_244 = arith.muli %parallel_loop3A_241, %parallel_loop3A_243 : vector<16xi32>
        %parallel_loop3A_245 = arith.addi %parallel_loop3A_244, %iota3A : vector<16xi32>
        tpu.vector_store_idx %arg5[%parallel_loop3A_245], %broadcast_in_dim3A_35 masked %parallel_loop3A_235 {add = true} : memref<32768xf32, #tpu.memory_space<vmem>>[vector<16xi32>], vector<16xf32>, vector<16xi1>
      } {sc.loop_unroll_factor = 8 : i64, sc.parallel_access}
      %scan3A_215 = arith.constant 0 : i32
      scf.yield %scan3A_215 : i32
    }
    %scan3A_43 = arith.constant 2 : i32
    %mul3A_44 = arith.constant 16 : i32
    %mul3A_45 = vector.broadcast %mul3A_44 : i32 to vector<16xi32>
    %mul3A_46 = arith.muli %iota3A, %mul3A_45 : vector<16xi32>
    %add3A_47 = arith.constant 0 : i32
    %add3A_48 = vector.broadcast %add3A_47 : i32 to vector<16xi32>
    %add3A_49 = arith.addi %add3A_48, %iota3A : vector<16xi32>
    %and3A_50 = arith.constant 15 : i32
    %and3A_51 = vector.broadcast %and3A_50 : i32 to vector<16xi32>
    %and3A_52 = arith.andi %add3A_49, %and3A_51 : vector<16xi32>
    %add3A_53 = arith.addi %mul3A_46, %and3A_52 : vector<16xi32>
    %mul3A_54 = arith.constant 16 : i32
    %mul3A_55 = vector.broadcast %mul3A_54 : i32 to vector<16xi32>
    %mul3A_56 = arith.muli %iota3A, %mul3A_55 : vector<16xi32>
    %add3A_57 = arith.constant 1 : i32
    %add3A_58 = vector.broadcast %add3A_57 : i32 to vector<16xi32>
    %add3A_59 = arith.addi %add3A_58, %iota3A : vector<16xi32>
    %and3A_60 = arith.constant 15 : i32
    %and3A_61 = vector.broadcast %and3A_60 : i32 to vector<16xi32>
    %and3A_62 = arith.andi %add3A_59, %and3A_61 : vector<16xi32>
    %add3A_63 = arith.addi %mul3A_56, %and3A_62 : vector<16xi32>
    %mul3A_64 = arith.constant 16 : i32
    %mul3A_65 = vector.broadcast %mul3A_64 : i32 to vector<16xi32>
    %mul3A_66 = arith.muli %iota3A, %mul3A_65 : vector<16xi32>
    %add3A_67 = arith.constant 2 : i32
    %add3A_68 = vector.broadcast %add3A_67 : i32 to vector<16xi32>
    %add3A_69 = arith.addi %add3A_68, %iota3A : vector<16xi32>
    %and3A_70 = arith.constant 15 : i32
    %and3A_71 = vector.broadcast %and3A_70 : i32 to vector<16xi32>
    %and3A_72 = arith.andi %add3A_69, %and3A_71 : vector<16xi32>
    %add3A_73 = arith.addi %mul3A_66, %and3A_72 : vector<16xi32>
    %mul3A_74 = arith.constant 16 : i32
    %mul3A_75 = vector.broadcast %mul3A_74 : i32 to vector<16xi32>
    %mul3A_76 = arith.muli %iota3A, %mul3A_75 : vector<16xi32>
    %add3A_77 = arith.constant 3 : i32
    %add3A_78 = vector.broadcast %add3A_77 : i32 to vector<16xi32>
    %add3A_79 = arith.addi %add3A_78, %iota3A : vector<16xi32>
    %and3A_80 = arith.constant 15 : i32
    %and3A_81 = vector.broadcast %and3A_80 : i32 to vector<16xi32>
    %and3A_82 = arith.andi %add3A_79, %and3A_81 : vector<16xi32>
    %add3A_83 = arith.addi %mul3A_76, %and3A_82 : vector<16xi32>
    %mul3A_84 = arith.constant 16 : i32
    %mul3A_85 = vector.broadcast %mul3A_84 : i32 to vector<16xi32>
    %mul3A_86 = arith.muli %iota3A, %mul3A_85 : vector<16xi32>
    %add3A_87 = arith.constant 4 : i32
    %add3A_88 = vector.broadcast %add3A_87 : i32 to vector<16xi32>
    %add3A_89 = arith.addi %add3A_88, %iota3A : vector<16xi32>
    %and3A_90 = arith.constant 15 : i32
    %and3A_91 = vector.broadcast %and3A_90 : i32 to vector<16xi32>
    %and3A_92 = arith.andi %add3A_89, %and3A_91 : vector<16xi32>
    %add3A_93 = arith.addi %mul3A_86, %and3A_92 : vector<16xi32>
    %mul3A_94 = arith.constant 16 : i32
    %mul3A_95 = vector.broadcast %mul3A_94 : i32 to vector<16xi32>
    %mul3A_96 = arith.muli %iota3A, %mul3A_95 : vector<16xi32>
    %add3A_97 = arith.constant 5 : i32
    %add3A_98 = vector.broadcast %add3A_97 : i32 to vector<16xi32>
    %add3A_99 = arith.addi %add3A_98, %iota3A : vector<16xi32>
    %and3A_100 = arith.constant 15 : i32
    %and3A_101 = vector.broadcast %and3A_100 : i32 to vector<16xi32>
    %and3A_102 = arith.andi %add3A_99, %and3A_101 : vector<16xi32>
    %add3A_103 = arith.addi %mul3A_96, %and3A_102 : vector<16xi32>
    %mul3A_104 = arith.constant 16 : i32
    %mul3A_105 = vector.broadcast %mul3A_104 : i32 to vector<16xi32>
    %mul3A_106 = arith.muli %iota3A, %mul3A_105 : vector<16xi32>
    %add3A_107 = arith.constant 6 : i32
    %add3A_108 = vector.broadcast %add3A_107 : i32 to vector<16xi32>
    %add3A_109 = arith.addi %add3A_108, %iota3A : vector<16xi32>
    %and3A_110 = arith.constant 15 : i32
    %and3A_111 = vector.broadcast %and3A_110 : i32 to vector<16xi32>
    %and3A_112 = arith.andi %add3A_109, %and3A_111 : vector<16xi32>
    %add3A_113 = arith.addi %mul3A_106, %and3A_112 : vector<16xi32>
    %mul3A_114 = arith.constant 16 : i32
    %mul3A_115 = vector.broadcast %mul3A_114 : i32 to vector<16xi32>
    %mul3A_116 = arith.muli %iota3A, %mul3A_115 : vector<16xi32>
    %add3A_117 = arith.constant 7 : i32
    %add3A_118 = vector.broadcast %add3A_117 : i32 to vector<16xi32>
    %add3A_119 = arith.addi %add3A_118, %iota3A : vector<16xi32>
    %and3A_120 = arith.constant 15 : i32
    %and3A_121 = vector.broadcast %and3A_120 : i32 to vector<16xi32>
    %and3A_122 = arith.andi %add3A_119, %and3A_121 : vector<16xi32>
    %add3A_123 = arith.addi %mul3A_116, %and3A_122 : vector<16xi32>
    %mul3A_124 = arith.constant 16 : i32
    %mul3A_125 = vector.broadcast %mul3A_124 : i32 to vector<16xi32>
    %mul3A_126 = arith.muli %iota3A, %mul3A_125 : vector<16xi32>
    %add3A_127 = arith.constant 8 : i32
    %add3A_128 = vector.broadcast %add3A_127 : i32 to vector<16xi32>
    %add3A_129 = arith.addi %add3A_128, %iota3A : vector<16xi32>
    %and3A_130 = arith.constant 15 : i32
    %and3A_131 = vector.broadcast %and3A_130 : i32 to vector<16xi32>
    %and3A_132 = arith.andi %add3A_129, %and3A_131 : vector<16xi32>
    %add3A_133 = arith.addi %mul3A_126, %and3A_132 : vector<16xi32>
    %mul3A_134 = arith.constant 16 : i32
    %mul3A_135 = vector.broadcast %mul3A_134 : i32 to vector<16xi32>
    %mul3A_136 = arith.muli %iota3A, %mul3A_135 : vector<16xi32>
    %add3A_137 = arith.constant 9 : i32
    %add3A_138 = vector.broadcast %add3A_137 : i32 to vector<16xi32>
    %add3A_139 = arith.addi %add3A_138, %iota3A : vector<16xi32>
    %and3A_140 = arith.constant 15 : i32
    %and3A_141 = vector.broadcast %and3A_140 : i32 to vector<16xi32>
    %and3A_142 = arith.andi %add3A_139, %and3A_141 : vector<16xi32>
    %add3A_143 = arith.addi %mul3A_136, %and3A_142 : vector<16xi32>
    %mul3A_144 = arith.constant 16 : i32
    %mul3A_145 = vector.broadcast %mul3A_144 : i32 to vector<16xi32>
    %mul3A_146 = arith.muli %iota3A, %mul3A_145 : vector<16xi32>
    %add3A_147 = arith.constant 10 : i32
    %add3A_148 = vector.broadcast %add3A_147 : i32 to vector<16xi32>
    %add3A_149 = arith.addi %add3A_148, %iota3A : vector<16xi32>
    %and3A_150 = arith.constant 15 : i32
    %and3A_151 = vector.broadcast %and3A_150 : i32 to vector<16xi32>
    %and3A_152 = arith.andi %add3A_149, %and3A_151 : vector<16xi32>
    %add3A_153 = arith.addi %mul3A_146, %and3A_152 : vector<16xi32>
    %mul3A_154 = arith.constant 16 : i32
    %mul3A_155 = vector.broadcast %mul3A_154 : i32 to vector<16xi32>
    %mul3A_156 = arith.muli %iota3A, %mul3A_155 : vector<16xi32>
    %add3A_157 = arith.constant 11 : i32
    %add3A_158 = vector.broadcast %add3A_157 : i32 to vector<16xi32>
    %add3A_159 = arith.addi %add3A_158, %iota3A : vector<16xi32>
    %and3A_160 = arith.constant 15 : i32
    %and3A_161 = vector.broadcast %and3A_160 : i32 to vector<16xi32>
    %and3A_162 = arith.andi %add3A_159, %and3A_161 : vector<16xi32>
    %add3A_163 = arith.addi %mul3A_156, %and3A_162 : vector<16xi32>
    %mul3A_164 = arith.constant 16 : i32
    %mul3A_165 = vector.broadcast %mul3A_164 : i32 to vector<16xi32>
    %mul3A_166 = arith.muli %iota3A, %mul3A_165 : vector<16xi32>
    %add3A_167 = arith.constant 12 : i32
    %add3A_168 = vector.broadcast %add3A_167 : i32 to vector<16xi32>
    %add3A_169 = arith.addi %add3A_168, %iota3A : vector<16xi32>
    %and3A_170 = arith.constant 15 : i32
    %and3A_171 = vector.broadcast %and3A_170 : i32 to vector<16xi32>
    %and3A_172 = arith.andi %add3A_169, %and3A_171 : vector<16xi32>
    %add3A_173 = arith.addi %mul3A_166, %and3A_172 : vector<16xi32>
    %mul3A_174 = arith.constant 16 : i32
    %mul3A_175 = vector.broadcast %mul3A_174 : i32 to vector<16xi32>
    %mul3A_176 = arith.muli %iota3A, %mul3A_175 : vector<16xi32>
    %add3A_177 = arith.constant 13 : i32
    %add3A_178 = vector.broadcast %add3A_177 : i32 to vector<16xi32>
    %add3A_179 = arith.addi %add3A_178, %iota3A : vector<16xi32>
    %and3A_180 = arith.constant 15 : i32
    %and3A_181 = vector.broadcast %and3A_180 : i32 to vector<16xi32>
    %and3A_182 = arith.andi %add3A_179, %and3A_181 : vector<16xi32>
    %add3A_183 = arith.addi %mul3A_176, %and3A_182 : vector<16xi32>
    %mul3A_184 = arith.constant 16 : i32
    %mul3A_185 = vector.broadcast %mul3A_184 : i32 to vector<16xi32>
    %mul3A_186 = arith.muli %iota3A, %mul3A_185 : vector<16xi32>
    %add3A_187 = arith.constant 14 : i32
    %add3A_188 = vector.broadcast %add3A_187 : i32 to vector<16xi32>
    %add3A_189 = arith.addi %add3A_188, %iota3A : vector<16xi32>
    %and3A_190 = arith.constant 15 : i32
    %and3A_191 = vector.broadcast %and3A_190 : i32 to vector<16xi32>
    %and3A_192 = arith.andi %add3A_189, %and3A_191 : vector<16xi32>
    %add3A_193 = arith.addi %mul3A_186, %and3A_192 : vector<16xi32>
    %mul3A_194 = arith.constant 16 : i32
    %mul3A_195 = vector.broadcast %mul3A_194 : i32 to vector<16xi32>
    %mul3A_196 = arith.muli %iota3A, %mul3A_195 : vector<16xi32>
    %add3A_197 = arith.constant 15 : i32
    %add3A_198 = vector.broadcast %add3A_197 : i32 to vector<16xi32>
    %add3A_199 = arith.addi %add3A_198, %iota3A : vector<16xi32>
    %and3A_200 = arith.constant 15 : i32
    %and3A_201 = vector.broadcast %and3A_200 : i32 to vector<16xi32>
    %and3A_202 = arith.andi %add3A_199, %and3A_201 : vector<16xi32>
    %add3A_203 = arith.addi %mul3A_196, %and3A_202 : vector<16xi32>
    %parallel_loop3A_204 = arith.constant 0 : i32
    %parallel_loop3A_205 = arith.constant 128 : i32
    %parallel_loop3A_206 = arith.constant 1 : i32
    scf.for %parallel_loop3A_207 = %parallel_loop3A_204 to %parallel_loop3A_205 step %parallel_loop3A_206  : i32 {
      %parallel_loop3A_208 = arith.constant 256 : i32
      %parallel_loop3A_209 = arith.muli %parallel_loop3A_207, %parallel_loop3A_208 : i32
      %parallel_loop3A_210 = vector.broadcast %parallel_loop3A_209 : i32 to vector<16xi32>
      %parallel_loop3A_211 = arith.addi %add3A_53, %parallel_loop3A_210 : vector<16xi32>
      %parallel_loop3A_212 = tpu.vector_load_idx %arg5[%parallel_loop3A_211] : memref<32768xf32, #tpu.memory_space<vmem>>[vector<16xi32>], vector<16xf32>,
      %parallel_loop3A_213 = arith.addf %broadcast_in_dim3A_33, %parallel_loop3A_212 : vector<16xf32>
      %parallel_loop3A_214 = vector.broadcast %parallel_loop3A_209 : i32 to vector<16xi32>
      %parallel_loop3A_215 = arith.addi %add3A_63, %parallel_loop3A_214 : vector<16xi32>
      %parallel_loop3A_216 = tpu.vector_load_idx %arg5[%parallel_loop3A_215] : memref<32768xf32, #tpu.memory_space<vmem>>[vector<16xi32>], vector<16xf32>,
      %parallel_loop3A_217 = arith.addf %parallel_loop3A_213, %parallel_loop3A_216 : vector<16xf32>
      %parallel_loop3A_218 = vector.broadcast %parallel_loop3A_209 : i32 to vector<16xi32>
      %parallel_loop3A_219 = arith.addi %add3A_73, %parallel_loop3A_218 : vector<16xi32>
      %parallel_loop3A_220 = tpu.vector_load_idx %arg5[%parallel_loop3A_219] : memref<32768xf32, #tpu.memory_space<vmem>>[vector<16xi32>], vector<16xf32>,
      %parallel_loop3A_221 = arith.addf %parallel_loop3A_217, %parallel_loop3A_220 : vector<16xf32>
      %parallel_loop3A_222 = vector.broadcast %parallel_loop3A_209 : i32 to vector<16xi32>
      %parallel_loop3A_223 = arith.addi %add3A_83, %parallel_loop3A_222 : vector<16xi32>
      %parallel_loop3A_224 = tpu.vector_load_idx %arg5[%parallel_loop3A_223] : memref<32768xf32, #tpu.memory_space<vmem>>[vector<16xi32>], vector<16xf32>,
      %parallel_loop3A_225 = arith.addf %parallel_loop3A_221, %parallel_loop3A_224 : vector<16xf32>
      %parallel_loop3A_226 = vector.broadcast %parallel_loop3A_209 : i32 to vector<16xi32>
      %parallel_loop3A_227 = arith.addi %add3A_93, %parallel_loop3A_226 : vector<16xi32>
      %parallel_loop3A_228 = tpu.vector_load_idx %arg5[%parallel_loop3A_227] : memref<32768xf32, #tpu.memory_space<vmem>>[vector<16xi32>], vector<16xf32>,
      %parallel_loop3A_229 = arith.addf %parallel_loop3A_225, %parallel_loop3A_228 : vector<16xf32>
      %parallel_loop3A_230 = vector.broadcast %parallel_loop3A_209 : i32 to vector<16xi32>
      %parallel_loop3A_231 = arith.addi %add3A_103, %parallel_loop3A_230 : vector<16xi32>
      %parallel_loop3A_232 = tpu.vector_load_idx %arg5[%parallel_loop3A_231] : memref<32768xf32, #tpu.memory_space<vmem>>[vector<16xi32>], vector<16xf32>,
      %parallel_loop3A_233 = arith.addf %parallel_loop3A_229, %parallel_loop3A_232 : vector<16xf32>
      %parallel_loop3A_234 = vector.broadcast %parallel_loop3A_209 : i32 to vector<16xi32>
      %parallel_loop3A_235 = arith.addi %add3A_113, %parallel_loop3A_234 : vector<16xi32>
      %parallel_loop3A_236 = tpu.vector_load_idx %arg5[%parallel_loop3A_235] : memref<32768xf32, #tpu.memory_space<vmem>>[vector<16xi32>], vector<16xf32>,
      %parallel_loop3A_237 = arith.addf %parallel_loop3A_233, %parallel_loop3A_236 : vector<16xf32>
      %parallel_loop3A_238 = vector.broadcast %parallel_loop3A_209 : i32 to vector<16xi32>
      %parallel_loop3A_239 = arith.addi %add3A_123, %parallel_loop3A_238 : vector<16xi32>
      %parallel_loop3A_240 = tpu.vector_load_idx %arg5[%parallel_loop3A_239] : memref<32768xf32, #tpu.memory_space<vmem>>[vector<16xi32>], vector<16xf32>,
      %parallel_loop3A_241 = arith.addf %parallel_loop3A_237, %parallel_loop3A_240 : vector<16xf32>
      %parallel_loop3A_242 = vector.broadcast %parallel_loop3A_209 : i32 to vector<16xi32>
      %parallel_loop3A_243 = arith.addi %add3A_133, %parallel_loop3A_242 : vector<16xi32>
      %parallel_loop3A_244 = tpu.vector_load_idx %arg5[%parallel_loop3A_243] : memref<32768xf32, #tpu.memory_space<vmem>>[vector<16xi32>], vector<16xf32>,
      %parallel_loop3A_245 = arith.addf %parallel_loop3A_241, %parallel_loop3A_244 : vector<16xf32>
      %parallel_loop3A_246 = vector.broadcast %parallel_loop3A_209 : i32 to vector<16xi32>
      %parallel_loop3A_247 = arith.addi %add3A_143, %parallel_loop3A_246 : vector<16xi32>
      %parallel_loop3A_248 = tpu.vector_load_idx %arg5[%parallel_loop3A_247] : memref<32768xf32, #tpu.memory_space<vmem>>[vector<16xi32>], vector<16xf32>,
      %parallel_loop3A_249 = arith.addf %parallel_loop3A_245, %parallel_loop3A_248 : vector<16xf32>
      %parallel_loop3A_250 = vector.broadcast %parallel_loop3A_209 : i32 to vector<16xi32>
      %parallel_loop3A_251 = arith.addi %add3A_153, %parallel_loop3A_250 : vector<16xi32>
      %parallel_loop3A_252 = tpu.vector_load_idx %arg5[%parallel_loop3A_251] : memref<32768xf32, #tpu.memory_space<vmem>>[vector<16xi32>], vector<16xf32>,
      %parallel_loop3A_253 = arith.addf %parallel_loop3A_249, %parallel_loop3A_252 : vector<16xf32>
      %parallel_loop3A_254 = vector.broadcast %parallel_loop3A_209 : i32 to vector<16xi32>
      %parallel_loop3A_255 = arith.addi %add3A_163, %parallel_loop3A_254 : vector<16xi32>
      %parallel_loop3A_256 = tpu.vector_load_idx %arg5[%parallel_loop3A_255] : memref<32768xf32, #tpu.memory_space<vmem>>[vector<16xi32>], vector<16xf32>,
      %parallel_loop3A_257 = arith.addf %parallel_loop3A_253, %parallel_loop3A_256 : vector<16xf32>
      %parallel_loop3A_258 = vector.broadcast %parallel_loop3A_209 : i32 to vector<16xi32>
      %parallel_loop3A_259 = arith.addi %add3A_173, %parallel_loop3A_258 : vector<16xi32>
      %parallel_loop3A_260 = tpu.vector_load_idx %arg5[%parallel_loop3A_259] : memref<32768xf32, #tpu.memory_space<vmem>>[vector<16xi32>], vector<16xf32>,
      %parallel_loop3A_261 = arith.addf %parallel_loop3A_257, %parallel_loop3A_260 : vector<16xf32>
      %parallel_loop3A_262 = vector.broadcast %parallel_loop3A_209 : i32 to vector<16xi32>
      %parallel_loop3A_263 = arith.addi %add3A_183, %parallel_loop3A_262 : vector<16xi32>
      %parallel_loop3A_264 = tpu.vector_load_idx %arg5[%parallel_loop3A_263] : memref<32768xf32, #tpu.memory_space<vmem>>[vector<16xi32>], vector<16xf32>,
      %parallel_loop3A_265 = arith.addf %parallel_loop3A_261, %parallel_loop3A_264 : vector<16xf32>
      %parallel_loop3A_266 = vector.broadcast %parallel_loop3A_209 : i32 to vector<16xi32>
      %parallel_loop3A_267 = arith.addi %add3A_193, %parallel_loop3A_266 : vector<16xi32>
      %parallel_loop3A_268 = tpu.vector_load_idx %arg5[%parallel_loop3A_267] : memref<32768xf32, #tpu.memory_space<vmem>>[vector<16xi32>], vector<16xf32>,
      %parallel_loop3A_269 = arith.addf %parallel_loop3A_265, %parallel_loop3A_268 : vector<16xf32>
      %parallel_loop3A_270 = vector.broadcast %parallel_loop3A_209 : i32 to vector<16xi32>
      %parallel_loop3A_271 = arith.addi %add3A_203, %parallel_loop3A_270 : vector<16xi32>
      %parallel_loop3A_272 = tpu.vector_load_idx %arg5[%parallel_loop3A_271] : memref<32768xf32, #tpu.memory_space<vmem>>[vector<16xi32>], vector<16xf32>,
      %parallel_loop3A_273 = arith.addf %parallel_loop3A_269, %parallel_loop3A_272 : vector<16xf32>
      %parallel_loop3A_274 = arith.constant 16 : i32
      %parallel_loop3A_275 = arith.muli %parallel_loop3A_207, %parallel_loop3A_274 : i32
      %parallel_loop3A_276 = arith.index_cast %parallel_loop3A_275 : i32 to index
      %parallel_loop3A_277 = tpu.vector_load %arg6[%parallel_loop3A_276] {strides = array<i32>} : memref<2048xf32, #tpu.memory_space<vmem>>, vector<16xf32>,
      tpu.vector_store %arg6[%parallel_loop3A_276], %parallel_loop3A_273 {strides = array<i32>} : memref<2048xf32, #tpu.memory_space<vmem>>, vector<16xf32>,
    } {sc.loop_unroll_factor = 2 : i64, sc.parallel_access}
    "tpu.region"() ({
      %run_scoped3A = tpu.sem_alloc : memref<!tpu.dma_semaphore, #tpu.memory_space<semaphore_mem>>
      %dma_start3A = arith.constant 0 : i32
      %dma_start3A_207 = tpu.memref_slice %arg3[%add3A, %dma_start3A] : memref<32x2048xf32, #tpu.memory_space<hbm>> -> memref<1x2048xf32, #tpu.memory_space<hbm>>
      %dma_start3A_208 = tpu.memref_squeeze %dma_start3A_207 : memref<1x2048xf32, #tpu.memory_space<hbm>> -> memref<2048xf32, #tpu.memory_space<hbm>>
      %dma_start3A_209 = arith.constant 0 : i32
      %dma_start3A_210 = tpu.memref_slice %arg3[%add3A, %dma_start3A_209] : memref<32x2048xf32, #tpu.memory_space<hbm>> -> memref<1x2048xf32, #tpu.memory_space<hbm>>
      %dma_start3A_211 = tpu.memref_squeeze %dma_start3A_210 : memref<1x2048xf32, #tpu.memory_space<hbm>> -> memref<2048xf32, #tpu.memory_space<hbm>>
      tpu.enqueue_dma source(%arg6 : memref<2048xf32, #tpu.memory_space<vmem>>) target(%dma_start3A_211 : memref<2048xf32, #tpu.memory_space<hbm>>) target_semaphore(%run_scoped3A : memref<!tpu.dma_semaphore, #tpu.memory_space<semaphore_mem>>)
      %dma_wait3A = arith.constant 0 : i32
      %dma_wait3A_212 = tpu.memref_slice %arg3[%add3A, %dma_wait3A] : memref<32x2048xf32, #tpu.memory_space<hbm>> -> memref<1x2048xf32, #tpu.memory_space<hbm>>
      %dma_wait3A_213 = tpu.memref_squeeze %dma_wait3A_212 : memref<1x2048xf32, #tpu.memory_space<hbm>> -> memref<2048xf32, #tpu.memory_space<hbm>>
      %dma_wait3A_214 = arith.constant 0 : i32
      %dma_wait3A_215 = tpu.memref_slice %arg3[%add3A, %dma_wait3A_214] : memref<32x2048xf32, #tpu.memory_space<hbm>> -> memref<1x2048xf32, #tpu.memory_space<hbm>>
      %dma_wait3A_216 = tpu.memref_squeeze %dma_wait3A_215 : memref<1x2048xf32, #tpu.memory_space<hbm>> -> memref<2048xf32, #tpu.memory_space<hbm>>
      tpu.wait_dma2 semaphore(%run_scoped3A : memref<!tpu.dma_semaphore, #tpu.memory_space<semaphore_mem>>) src(%arg6 : memref<2048xf32, #tpu.memory_space<vmem>>) dst(%dma_wait3A_216 : memref<2048xf32, #tpu.memory_space<hbm>>)
      tpu.yield
    }) : () -> ()
    return
  }
}

#map = affine_map<(d0, d1) -> (0, 0, 0)>
#map1 = affine_map<(d0, d1) -> (0)>
#map2 = affine_map<(d0, d1) -> (0, 0)>
module attributes {stable_mosaic.version = 14 : i64} {
  func.func @_sc_refine_body(%arg0: i32, %arg1: i32, %arg2: memref<8x512x512xf32, #tpu.memory_space<hbm>>, %arg3: memref<16xi32, #tpu.memory_space<hbm>>, %arg4: memref<32x2048xf32, #tpu.memory_space<hbm>>, %arg5: memref<64x512xf32, #tpu.memory_space<vmem>>, %arg6: memref<32768xf32, #tpu.memory_space<vmem>>, %arg7: memref<2048xf32, #tpu.memory_space<vmem>>, %arg8: memref<16xi32, #tpu.memory_space<vmem>>) attributes {dimension_semantics = [#tpu.dimension_semantics<core_parallel>, #tpu.dimension_semantics<subcore_parallel>], iteration_bounds = array<i64: 2, 16>, scalar_prefetch = 0 : i64, scratch_operands = 4 : i64, tpu.core_type = #tpu.core_type<sc_vector_subcore>, window_params = [{transform_indices = #map}, {transform_indices = #map1}, {transform_indices = #map2}]} {
    %mul3A = arith.constant 2 : i32
    %mul3A_0 = arith.muli %arg1, %mul3A : i32
    %add3A = arith.addi %mul3A_0, %arg0 : i32
    "tpu.region"() ({
      %run_scoped3A = tpu.sem_alloc : memref<!tpu.dma_semaphore, #tpu.memory_space<semaphore_mem>>
      tpu.enqueue_dma source(%arg3 : memref<16xi32, #tpu.memory_space<hbm>>) target(%arg8 : memref<16xi32, #tpu.memory_space<vmem>>) target_semaphore(%run_scoped3A : memref<!tpu.dma_semaphore, #tpu.memory_space<semaphore_mem>>)
      tpu.wait_dma2 semaphore(%run_scoped3A : memref<!tpu.dma_semaphore, #tpu.memory_space<semaphore_mem>>) src(%arg3 : memref<16xi32, #tpu.memory_space<hbm>>) dst(%arg8 : memref<16xi32, #tpu.memory_space<vmem>>)
      tpu.yield
    }) : () -> ()
    %get3A = arith.constant 0 : index
    %get3A_1 = tpu.vector_load %arg8[%get3A] {strides = array<i32>} : memref<16xi32, #tpu.memory_space<vmem>>, vector<16xi32>,
    %jit3A = arith.constant 4 : i32
    %div3A = arith.divsi %add3A, %jit3A : i32
    %sign3A = arith.constant 0 : i32
    %sign3A_2 = arith.cmpi sgt, %add3A, %sign3A : i32
    %sign3A_3 = arith.extui %sign3A_2 : i1 to i32
    %sign3A_4 = arith.constant 0 : i32
    %sign3A_5 = arith.cmpi slt, %add3A, %sign3A_4 : i32
    %sign3A_6 = arith.extui %sign3A_5 : i1 to i32
    %sign3A_7 = arith.subi %sign3A_3, %sign3A_6 : i32
    %sign3A_8 = arith.constant 0 : i32
    %sign3A_9 = arith.cmpi sgt, %jit3A, %sign3A_8 : i32
    %sign3A_10 = arith.extui %sign3A_9 : i1 to i32
    %sign3A_11 = arith.constant 0 : i32
    %sign3A_12 = arith.cmpi slt, %jit3A, %sign3A_11 : i32
    %sign3A_13 = arith.extui %sign3A_12 : i1 to i32
    %sign3A_14 = arith.subi %sign3A_10, %sign3A_13 : i32
    %ne3A = arith.cmpi ne, %sign3A_7, %sign3A_14 : i32
    %rem3A = arith.remsi %add3A, %jit3A : i32
    %ne3A_15 = arith.constant 0 : i32
    %ne3A_16 = arith.cmpi ne, %rem3A, %ne3A_15 : i32
    %and3A = arith.andi %ne3A, %ne3A_16 : i1
    %sub3A = arith.constant 1 : i32
    %sub3A_17 = arith.subi %div3A, %sub3A : i32
    %select_n3A = arith.select %and3A, %sub3A_17, %div3A : i32
    %jit3A_18 = arith.constant 4 : i32
    %eq3A = arith.constant 0 : i32
    %eq3A_19 = arith.cmpi eq, %jit3A_18, %eq3A : i32
    %jit3A_20 = arith.constant 1 : i32
    %select_n3A_21 = arith.select %eq3A_19, %jit3A_20, %jit3A_18 : i32
    %rem3A_22 = arith.remsi %add3A, %select_n3A_21 : i32
    %ne3A_23 = arith.constant 0 : i32
    %ne3A_24 = arith.cmpi ne, %rem3A_22, %ne3A_23 : i32
    %lt3A = arith.constant 0 : i32
    %lt3A_25 = arith.cmpi slt, %rem3A_22, %lt3A : i32
    %lt3A_26 = arith.constant 0 : i32
    %lt3A_27 = arith.cmpi slt, %select_n3A_21, %lt3A_26 : i32
    %ne3A_28 = arith.xori %lt3A_25, %lt3A_27 : i1
    %and3A_29 = arith.andi %ne3A_28, %ne3A_24 : i1
    %add3A_30 = arith.addi %rem3A_22, %select_n3A_21 : i32
    %select_n3A_31 = arith.select %and3A_29, %add3A_30, %rem3A_22 : i32
    %mul3A_32 = arith.constant 128 : i32
    %mul3A_33 = arith.muli %select_n3A_31, %mul3A_32 : i32
    %broadcast_in_dim3A = arith.constant 0.000000e+00 : f32
    %broadcast_in_dim3A_34 = vector.broadcast %broadcast_in_dim3A : f32 to vector<16xf32>
    %broadcast_in_dim3A_35 = arith.constant 1.000000e+00 : f32
    %broadcast_in_dim3A_36 = vector.broadcast %broadcast_in_dim3A_35 : f32 to vector<16xf32>
    %iota3A = tpu.iota {dimensions = array<i32: 0>} : vector<16xi32>
    %parallel_loop3A = arith.constant 0 : i32
    %parallel_loop3A_37 = arith.constant 2048 : i32
    %parallel_loop3A_38 = arith.constant 1 : i32
    scf.for %parallel_loop3A_208 = %parallel_loop3A to %parallel_loop3A_37 step %parallel_loop3A_38  : i32 {
      %parallel_loop3A_209 = arith.constant 16 : i32
      %parallel_loop3A_210 = arith.muli %parallel_loop3A_208, %parallel_loop3A_209 : i32
      %parallel_loop3A_211 = arith.index_cast %parallel_loop3A_210 : i32 to index
      %parallel_loop3A_212 = tpu.vector_load %arg6[%parallel_loop3A_211] {strides = array<i32>} : memref<32768xf32, #tpu.memory_space<vmem>>, vector<16xf32>,
      tpu.vector_store %arg6[%parallel_loop3A_211], %broadcast_in_dim3A_34 {strides = array<i32>} : memref<32768xf32, #tpu.memory_space<vmem>>, vector<16xf32>,
    } {sc.loop_unroll_factor = 8 : i64, sc.parallel_access}
    %scan3A = arith.constant 0 : i32
    %scan3A_39 = arith.constant 0 : i32
    %scan3A_40 = arith.constant 2 : i32
    %scan3A_41 = arith.addi %scan3A_39, %scan3A_40 : i32
    %scan3A_42 = arith.constant 1 : i32
    %scan3A_43 = scf.for %scan3A_208 = %scan3A_39 to %scan3A_41 step %scan3A_42 iter_args(%scan3A_209 = %scan3A) -> (i32)  : i32 {
      %mul3A_210 = arith.constant 64 : i32
      %mul3A_211 = arith.muli %scan3A_208, %mul3A_210 : i32
      %add3A_212 = arith.addi %mul3A_33, %mul3A_211 : i32
      "tpu.region"() ({
        %run_scoped3A = tpu.sem_alloc : memref<!tpu.dma_semaphore, #tpu.memory_space<semaphore_mem>>
        %dma_start3A = arith.constant 0 : i32
        %dma_start3A_217 = tpu.memref_slice %arg2[%select_n3A, %add3A_212, %dma_start3A] : memref<8x512x512xf32, #tpu.memory_space<hbm>> -> memref<1x64x512xf32, #tpu.memory_space<hbm>>
        %dma_start3A_218 = tpu.memref_squeeze %dma_start3A_217 : memref<1x64x512xf32, #tpu.memory_space<hbm>> -> memref<64x512xf32, #tpu.memory_space<hbm>>
        %dma_start3A_219 = arith.constant 0 : i32
        %dma_start3A_220 = tpu.memref_slice %arg2[%select_n3A, %add3A_212, %dma_start3A_219] : memref<8x512x512xf32, #tpu.memory_space<hbm>> -> memref<1x64x512xf32, #tpu.memory_space<hbm>>
        %dma_start3A_221 = tpu.memref_squeeze %dma_start3A_220 : memref<1x64x512xf32, #tpu.memory_space<hbm>> -> memref<64x512xf32, #tpu.memory_space<hbm>>
        tpu.enqueue_dma source(%dma_start3A_221 : memref<64x512xf32, #tpu.memory_space<hbm>>) target(%arg5 : memref<64x512xf32, #tpu.memory_space<vmem>>) target_semaphore(%run_scoped3A : memref<!tpu.dma_semaphore, #tpu.memory_space<semaphore_mem>>)
        %dma_wait3A = arith.constant 0 : i32
        %dma_wait3A_222 = tpu.memref_slice %arg2[%select_n3A, %add3A_212, %dma_wait3A] : memref<8x512x512xf32, #tpu.memory_space<hbm>> -> memref<1x64x512xf32, #tpu.memory_space<hbm>>
        %dma_wait3A_223 = tpu.memref_squeeze %dma_wait3A_222 : memref<1x64x512xf32, #tpu.memory_space<hbm>> -> memref<64x512xf32, #tpu.memory_space<hbm>>
        %dma_wait3A_224 = arith.constant 0 : i32
        %dma_wait3A_225 = tpu.memref_slice %arg2[%select_n3A, %add3A_212, %dma_wait3A_224] : memref<8x512x512xf32, #tpu.memory_space<hbm>> -> memref<1x64x512xf32, #tpu.memory_space<hbm>>
        %dma_wait3A_226 = tpu.memref_squeeze %dma_wait3A_225 : memref<1x64x512xf32, #tpu.memory_space<hbm>> -> memref<64x512xf32, #tpu.memory_space<hbm>>
        tpu.wait_dma2 semaphore(%run_scoped3A : memref<!tpu.dma_semaphore, #tpu.memory_space<semaphore_mem>>) src(%dma_wait3A_226 : memref<64x512xf32, #tpu.memory_space<hbm>>) dst(%arg5 : memref<64x512xf32, #tpu.memory_space<vmem>>)
        tpu.yield
      }) : () -> ()
      %parallel_loop3A_213 = arith.constant 0 : i32
      %parallel_loop3A_214 = arith.constant 2048 : i32
      %parallel_loop3A_215 = arith.constant 1 : i32
      scf.for %parallel_loop3A_217 = %parallel_loop3A_213 to %parallel_loop3A_214 step %parallel_loop3A_215  : i32 {
        %parallel_loop3A_218 = arith.constant 5 : i32
        %parallel_loop3A_219 = arith.shrui %parallel_loop3A_217, %parallel_loop3A_218 : i32
        %parallel_loop3A_220 = arith.constant 31 : i32
        %parallel_loop3A_221 = arith.andi %parallel_loop3A_217, %parallel_loop3A_220 : i32
        %parallel_loop3A_222 = arith.constant 16 : i32
        %parallel_loop3A_223 = arith.muli %parallel_loop3A_221, %parallel_loop3A_222 : i32
        %parallel_loop3A_224 = arith.index_cast %parallel_loop3A_219 : i32 to index
        %parallel_loop3A_225 = arith.index_cast %parallel_loop3A_223 : i32 to index
        %parallel_loop3A_226 = tpu.vector_load %arg5[%parallel_loop3A_224, %parallel_loop3A_225] {strides = array<i32>} : memref<64x512xf32, #tpu.memory_space<vmem>>, vector<16xf32>,
        %parallel_loop3A_227 = arith.constant 0.000000e+00 : f32
        %parallel_loop3A_228 = vector.broadcast %parallel_loop3A_227 : f32 to vector<16xf32>
        %parallel_loop3A_229 = arith.maximumf %parallel_loop3A_226, %parallel_loop3A_228 : vector<16xf32>
        %parallel_loop3A_230 = tpu.bitcast %parallel_loop3A_229 : vector<16xf32> -> vector<16xi32>
        %parallel_loop3A_231 = arith.constant 19 : i32
        %parallel_loop3A_232 = vector.broadcast %parallel_loop3A_231 : i32 to vector<16xi32>
        %parallel_loop3A_233 = arith.shrui %parallel_loop3A_230, %parallel_loop3A_232 : vector<16xi32>
        %parallel_loop3A_234 = arith.cmpi eq, %parallel_loop3A_233, %get3A_1 : vector<16xi32>
        %parallel_loop3A_235 = arith.constant 0.356674969 : f32
        %parallel_loop3A_236 = vector.broadcast %parallel_loop3A_235 : f32 to vector<16xf32>
        %parallel_loop3A_237 = arith.cmpf olt, %parallel_loop3A_226, %parallel_loop3A_236 : vector<16xf32>
        %parallel_loop3A_238 = arith.andi %parallel_loop3A_234, %parallel_loop3A_237 : vector<16xi1>
        %parallel_loop3A_239 = arith.constant 8 : i32
        %parallel_loop3A_240 = vector.broadcast %parallel_loop3A_239 : i32 to vector<16xi32>
        %parallel_loop3A_241 = arith.shrui %parallel_loop3A_230, %parallel_loop3A_240 : vector<16xi32>
        %parallel_loop3A_242 = arith.constant 2047 : i32
        %parallel_loop3A_243 = vector.broadcast %parallel_loop3A_242 : i32 to vector<16xi32>
        %parallel_loop3A_244 = arith.andi %parallel_loop3A_241, %parallel_loop3A_243 : vector<16xi32>
        %parallel_loop3A_245 = arith.constant 0 : i32
        %parallel_loop3A_246 = vector.broadcast %parallel_loop3A_245 : i32 to vector<16xi32>
        %parallel_loop3A_247 = arith.maxsi %parallel_loop3A_244, %parallel_loop3A_246 : vector<16xi32>
        %parallel_loop3A_248 = arith.constant 2047 : i32
        %parallel_loop3A_249 = vector.broadcast %parallel_loop3A_248 : i32 to vector<16xi32>
        %parallel_loop3A_250 = arith.minsi %parallel_loop3A_247, %parallel_loop3A_249 : vector<16xi32>
        %parallel_loop3A_251 = arith.constant 16 : i32
        %parallel_loop3A_252 = vector.broadcast %parallel_loop3A_251 : i32 to vector<16xi32>
        %parallel_loop3A_253 = arith.muli %parallel_loop3A_250, %parallel_loop3A_252 : vector<16xi32>
        %parallel_loop3A_254 = arith.addi %parallel_loop3A_253, %iota3A : vector<16xi32>
        tpu.vector_store_idx %arg6[%parallel_loop3A_254], %broadcast_in_dim3A_36 masked %parallel_loop3A_238 {add = true} : memref<32768xf32, #tpu.memory_space<vmem>>[vector<16xi32>], vector<16xf32>, vector<16xi1>
      } {sc.loop_unroll_factor = 8 : i64, sc.parallel_access}
      %scan3A_216 = arith.constant 0 : i32
      scf.yield %scan3A_216 : i32
    }
    %scan3A_44 = arith.constant 2 : i32
    %mul3A_45 = arith.constant 16 : i32
    %mul3A_46 = vector.broadcast %mul3A_45 : i32 to vector<16xi32>
    %mul3A_47 = arith.muli %iota3A, %mul3A_46 : vector<16xi32>
    %add3A_48 = arith.constant 0 : i32
    %add3A_49 = vector.broadcast %add3A_48 : i32 to vector<16xi32>
    %add3A_50 = arith.addi %add3A_49, %iota3A : vector<16xi32>
    %and3A_51 = arith.constant 15 : i32
    %and3A_52 = vector.broadcast %and3A_51 : i32 to vector<16xi32>
    %and3A_53 = arith.andi %add3A_50, %and3A_52 : vector<16xi32>
    %add3A_54 = arith.addi %mul3A_47, %and3A_53 : vector<16xi32>
    %mul3A_55 = arith.constant 16 : i32
    %mul3A_56 = vector.broadcast %mul3A_55 : i32 to vector<16xi32>
    %mul3A_57 = arith.muli %iota3A, %mul3A_56 : vector<16xi32>
    %add3A_58 = arith.constant 1 : i32
    %add3A_59 = vector.broadcast %add3A_58 : i32 to vector<16xi32>
    %add3A_60 = arith.addi %add3A_59, %iota3A : vector<16xi32>
    %and3A_61 = arith.constant 15 : i32
    %and3A_62 = vector.broadcast %and3A_61 : i32 to vector<16xi32>
    %and3A_63 = arith.andi %add3A_60, %and3A_62 : vector<16xi32>
    %add3A_64 = arith.addi %mul3A_57, %and3A_63 : vector<16xi32>
    %mul3A_65 = arith.constant 16 : i32
    %mul3A_66 = vector.broadcast %mul3A_65 : i32 to vector<16xi32>
    %mul3A_67 = arith.muli %iota3A, %mul3A_66 : vector<16xi32>
    %add3A_68 = arith.constant 2 : i32
    %add3A_69 = vector.broadcast %add3A_68 : i32 to vector<16xi32>
    %add3A_70 = arith.addi %add3A_69, %iota3A : vector<16xi32>
    %and3A_71 = arith.constant 15 : i32
    %and3A_72 = vector.broadcast %and3A_71 : i32 to vector<16xi32>
    %and3A_73 = arith.andi %add3A_70, %and3A_72 : vector<16xi32>
    %add3A_74 = arith.addi %mul3A_67, %and3A_73 : vector<16xi32>
    %mul3A_75 = arith.constant 16 : i32
    %mul3A_76 = vector.broadcast %mul3A_75 : i32 to vector<16xi32>
    %mul3A_77 = arith.muli %iota3A, %mul3A_76 : vector<16xi32>
    %add3A_78 = arith.constant 3 : i32
    %add3A_79 = vector.broadcast %add3A_78 : i32 to vector<16xi32>
    %add3A_80 = arith.addi %add3A_79, %iota3A : vector<16xi32>
    %and3A_81 = arith.constant 15 : i32
    %and3A_82 = vector.broadcast %and3A_81 : i32 to vector<16xi32>
    %and3A_83 = arith.andi %add3A_80, %and3A_82 : vector<16xi32>
    %add3A_84 = arith.addi %mul3A_77, %and3A_83 : vector<16xi32>
    %mul3A_85 = arith.constant 16 : i32
    %mul3A_86 = vector.broadcast %mul3A_85 : i32 to vector<16xi32>
    %mul3A_87 = arith.muli %iota3A, %mul3A_86 : vector<16xi32>
    %add3A_88 = arith.constant 4 : i32
    %add3A_89 = vector.broadcast %add3A_88 : i32 to vector<16xi32>
    %add3A_90 = arith.addi %add3A_89, %iota3A : vector<16xi32>
    %and3A_91 = arith.constant 15 : i32
    %and3A_92 = vector.broadcast %and3A_91 : i32 to vector<16xi32>
    %and3A_93 = arith.andi %add3A_90, %and3A_92 : vector<16xi32>
    %add3A_94 = arith.addi %mul3A_87, %and3A_93 : vector<16xi32>
    %mul3A_95 = arith.constant 16 : i32
    %mul3A_96 = vector.broadcast %mul3A_95 : i32 to vector<16xi32>
    %mul3A_97 = arith.muli %iota3A, %mul3A_96 : vector<16xi32>
    %add3A_98 = arith.constant 5 : i32
    %add3A_99 = vector.broadcast %add3A_98 : i32 to vector<16xi32>
    %add3A_100 = arith.addi %add3A_99, %iota3A : vector<16xi32>
    %and3A_101 = arith.constant 15 : i32
    %and3A_102 = vector.broadcast %and3A_101 : i32 to vector<16xi32>
    %and3A_103 = arith.andi %add3A_100, %and3A_102 : vector<16xi32>
    %add3A_104 = arith.addi %mul3A_97, %and3A_103 : vector<16xi32>
    %mul3A_105 = arith.constant 16 : i32
    %mul3A_106 = vector.broadcast %mul3A_105 : i32 to vector<16xi32>
    %mul3A_107 = arith.muli %iota3A, %mul3A_106 : vector<16xi32>
    %add3A_108 = arith.constant 6 : i32
    %add3A_109 = vector.broadcast %add3A_108 : i32 to vector<16xi32>
    %add3A_110 = arith.addi %add3A_109, %iota3A : vector<16xi32>
    %and3A_111 = arith.constant 15 : i32
    %and3A_112 = vector.broadcast %and3A_111 : i32 to vector<16xi32>
    %and3A_113 = arith.andi %add3A_110, %and3A_112 : vector<16xi32>
    %add3A_114 = arith.addi %mul3A_107, %and3A_113 : vector<16xi32>
    %mul3A_115 = arith.constant 16 : i32
    %mul3A_116 = vector.broadcast %mul3A_115 : i32 to vector<16xi32>
    %mul3A_117 = arith.muli %iota3A, %mul3A_116 : vector<16xi32>
    %add3A_118 = arith.constant 7 : i32
    %add3A_119 = vector.broadcast %add3A_118 : i32 to vector<16xi32>
    %add3A_120 = arith.addi %add3A_119, %iota3A : vector<16xi32>
    %and3A_121 = arith.constant 15 : i32
    %and3A_122 = vector.broadcast %and3A_121 : i32 to vector<16xi32>
    %and3A_123 = arith.andi %add3A_120, %and3A_122 : vector<16xi32>
    %add3A_124 = arith.addi %mul3A_117, %and3A_123 : vector<16xi32>
    %mul3A_125 = arith.constant 16 : i32
    %mul3A_126 = vector.broadcast %mul3A_125 : i32 to vector<16xi32>
    %mul3A_127 = arith.muli %iota3A, %mul3A_126 : vector<16xi32>
    %add3A_128 = arith.constant 8 : i32
    %add3A_129 = vector.broadcast %add3A_128 : i32 to vector<16xi32>
    %add3A_130 = arith.addi %add3A_129, %iota3A : vector<16xi32>
    %and3A_131 = arith.constant 15 : i32
    %and3A_132 = vector.broadcast %and3A_131 : i32 to vector<16xi32>
    %and3A_133 = arith.andi %add3A_130, %and3A_132 : vector<16xi32>
    %add3A_134 = arith.addi %mul3A_127, %and3A_133 : vector<16xi32>
    %mul3A_135 = arith.constant 16 : i32
    %mul3A_136 = vector.broadcast %mul3A_135 : i32 to vector<16xi32>
    %mul3A_137 = arith.muli %iota3A, %mul3A_136 : vector<16xi32>
    %add3A_138 = arith.constant 9 : i32
    %add3A_139 = vector.broadcast %add3A_138 : i32 to vector<16xi32>
    %add3A_140 = arith.addi %add3A_139, %iota3A : vector<16xi32>
    %and3A_141 = arith.constant 15 : i32
    %and3A_142 = vector.broadcast %and3A_141 : i32 to vector<16xi32>
    %and3A_143 = arith.andi %add3A_140, %and3A_142 : vector<16xi32>
    %add3A_144 = arith.addi %mul3A_137, %and3A_143 : vector<16xi32>
    %mul3A_145 = arith.constant 16 : i32
    %mul3A_146 = vector.broadcast %mul3A_145 : i32 to vector<16xi32>
    %mul3A_147 = arith.muli %iota3A, %mul3A_146 : vector<16xi32>
    %add3A_148 = arith.constant 10 : i32
    %add3A_149 = vector.broadcast %add3A_148 : i32 to vector<16xi32>
    %add3A_150 = arith.addi %add3A_149, %iota3A : vector<16xi32>
    %and3A_151 = arith.constant 15 : i32
    %and3A_152 = vector.broadcast %and3A_151 : i32 to vector<16xi32>
    %and3A_153 = arith.andi %add3A_150, %and3A_152 : vector<16xi32>
    %add3A_154 = arith.addi %mul3A_147, %and3A_153 : vector<16xi32>
    %mul3A_155 = arith.constant 16 : i32
    %mul3A_156 = vector.broadcast %mul3A_155 : i32 to vector<16xi32>
    %mul3A_157 = arith.muli %iota3A, %mul3A_156 : vector<16xi32>
    %add3A_158 = arith.constant 11 : i32
    %add3A_159 = vector.broadcast %add3A_158 : i32 to vector<16xi32>
    %add3A_160 = arith.addi %add3A_159, %iota3A : vector<16xi32>
    %and3A_161 = arith.constant 15 : i32
    %and3A_162 = vector.broadcast %and3A_161 : i32 to vector<16xi32>
    %and3A_163 = arith.andi %add3A_160, %and3A_162 : vector<16xi32>
    %add3A_164 = arith.addi %mul3A_157, %and3A_163 : vector<16xi32>
    %mul3A_165 = arith.constant 16 : i32
    %mul3A_166 = vector.broadcast %mul3A_165 : i32 to vector<16xi32>
    %mul3A_167 = arith.muli %iota3A, %mul3A_166 : vector<16xi32>
    %add3A_168 = arith.constant 12 : i32
    %add3A_169 = vector.broadcast %add3A_168 : i32 to vector<16xi32>
    %add3A_170 = arith.addi %add3A_169, %iota3A : vector<16xi32>
    %and3A_171 = arith.constant 15 : i32
    %and3A_172 = vector.broadcast %and3A_171 : i32 to vector<16xi32>
    %and3A_173 = arith.andi %add3A_170, %and3A_172 : vector<16xi32>
    %add3A_174 = arith.addi %mul3A_167, %and3A_173 : vector<16xi32>
    %mul3A_175 = arith.constant 16 : i32
    %mul3A_176 = vector.broadcast %mul3A_175 : i32 to vector<16xi32>
    %mul3A_177 = arith.muli %iota3A, %mul3A_176 : vector<16xi32>
    %add3A_178 = arith.constant 13 : i32
    %add3A_179 = vector.broadcast %add3A_178 : i32 to vector<16xi32>
    %add3A_180 = arith.addi %add3A_179, %iota3A : vector<16xi32>
    %and3A_181 = arith.constant 15 : i32
    %and3A_182 = vector.broadcast %and3A_181 : i32 to vector<16xi32>
    %and3A_183 = arith.andi %add3A_180, %and3A_182 : vector<16xi32>
    %add3A_184 = arith.addi %mul3A_177, %and3A_183 : vector<16xi32>
    %mul3A_185 = arith.constant 16 : i32
    %mul3A_186 = vector.broadcast %mul3A_185 : i32 to vector<16xi32>
    %mul3A_187 = arith.muli %iota3A, %mul3A_186 : vector<16xi32>
    %add3A_188 = arith.constant 14 : i32
    %add3A_189 = vector.broadcast %add3A_188 : i32 to vector<16xi32>
    %add3A_190 = arith.addi %add3A_189, %iota3A : vector<16xi32>
    %and3A_191 = arith.constant 15 : i32
    %and3A_192 = vector.broadcast %and3A_191 : i32 to vector<16xi32>
    %and3A_193 = arith.andi %add3A_190, %and3A_192 : vector<16xi32>
    %add3A_194 = arith.addi %mul3A_187, %and3A_193 : vector<16xi32>
    %mul3A_195 = arith.constant 16 : i32
    %mul3A_196 = vector.broadcast %mul3A_195 : i32 to vector<16xi32>
    %mul3A_197 = arith.muli %iota3A, %mul3A_196 : vector<16xi32>
    %add3A_198 = arith.constant 15 : i32
    %add3A_199 = vector.broadcast %add3A_198 : i32 to vector<16xi32>
    %add3A_200 = arith.addi %add3A_199, %iota3A : vector<16xi32>
    %and3A_201 = arith.constant 15 : i32
    %and3A_202 = vector.broadcast %and3A_201 : i32 to vector<16xi32>
    %and3A_203 = arith.andi %add3A_200, %and3A_202 : vector<16xi32>
    %add3A_204 = arith.addi %mul3A_197, %and3A_203 : vector<16xi32>
    %parallel_loop3A_205 = arith.constant 0 : i32
    %parallel_loop3A_206 = arith.constant 128 : i32
    %parallel_loop3A_207 = arith.constant 1 : i32
    scf.for %parallel_loop3A_208 = %parallel_loop3A_205 to %parallel_loop3A_206 step %parallel_loop3A_207  : i32 {
      %parallel_loop3A_209 = arith.constant 256 : i32
      %parallel_loop3A_210 = arith.muli %parallel_loop3A_208, %parallel_loop3A_209 : i32
      %parallel_loop3A_211 = vector.broadcast %parallel_loop3A_210 : i32 to vector<16xi32>
      %parallel_loop3A_212 = arith.addi %add3A_54, %parallel_loop3A_211 : vector<16xi32>
      %parallel_loop3A_213 = tpu.vector_load_idx %arg6[%parallel_loop3A_212] : memref<32768xf32, #tpu.memory_space<vmem>>[vector<16xi32>], vector<16xf32>,
      %parallel_loop3A_214 = arith.addf %broadcast_in_dim3A_34, %parallel_loop3A_213 : vector<16xf32>
      %parallel_loop3A_215 = vector.broadcast %parallel_loop3A_210 : i32 to vector<16xi32>
      %parallel_loop3A_216 = arith.addi %add3A_64, %parallel_loop3A_215 : vector<16xi32>
      %parallel_loop3A_217 = tpu.vector_load_idx %arg6[%parallel_loop3A_216] : memref<32768xf32, #tpu.memory_space<vmem>>[vector<16xi32>], vector<16xf32>,
      %parallel_loop3A_218 = arith.addf %parallel_loop3A_214, %parallel_loop3A_217 : vector<16xf32>
      %parallel_loop3A_219 = vector.broadcast %parallel_loop3A_210 : i32 to vector<16xi32>
      %parallel_loop3A_220 = arith.addi %add3A_74, %parallel_loop3A_219 : vector<16xi32>
      %parallel_loop3A_221 = tpu.vector_load_idx %arg6[%parallel_loop3A_220] : memref<32768xf32, #tpu.memory_space<vmem>>[vector<16xi32>], vector<16xf32>,
      %parallel_loop3A_222 = arith.addf %parallel_loop3A_218, %parallel_loop3A_221 : vector<16xf32>
      %parallel_loop3A_223 = vector.broadcast %parallel_loop3A_210 : i32 to vector<16xi32>
      %parallel_loop3A_224 = arith.addi %add3A_84, %parallel_loop3A_223 : vector<16xi32>
      %parallel_loop3A_225 = tpu.vector_load_idx %arg6[%parallel_loop3A_224] : memref<32768xf32, #tpu.memory_space<vmem>>[vector<16xi32>], vector<16xf32>,
      %parallel_loop3A_226 = arith.addf %parallel_loop3A_222, %parallel_loop3A_225 : vector<16xf32>
      %parallel_loop3A_227 = vector.broadcast %parallel_loop3A_210 : i32 to vector<16xi32>
      %parallel_loop3A_228 = arith.addi %add3A_94, %parallel_loop3A_227 : vector<16xi32>
      %parallel_loop3A_229 = tpu.vector_load_idx %arg6[%parallel_loop3A_228] : memref<32768xf32, #tpu.memory_space<vmem>>[vector<16xi32>], vector<16xf32>,
      %parallel_loop3A_230 = arith.addf %parallel_loop3A_226, %parallel_loop3A_229 : vector<16xf32>
      %parallel_loop3A_231 = vector.broadcast %parallel_loop3A_210 : i32 to vector<16xi32>
      %parallel_loop3A_232 = arith.addi %add3A_104, %parallel_loop3A_231 : vector<16xi32>
      %parallel_loop3A_233 = tpu.vector_load_idx %arg6[%parallel_loop3A_232] : memref<32768xf32, #tpu.memory_space<vmem>>[vector<16xi32>], vector<16xf32>,
      %parallel_loop3A_234 = arith.addf %parallel_loop3A_230, %parallel_loop3A_233 : vector<16xf32>
      %parallel_loop3A_235 = vector.broadcast %parallel_loop3A_210 : i32 to vector<16xi32>
      %parallel_loop3A_236 = arith.addi %add3A_114, %parallel_loop3A_235 : vector<16xi32>
      %parallel_loop3A_237 = tpu.vector_load_idx %arg6[%parallel_loop3A_236] : memref<32768xf32, #tpu.memory_space<vmem>>[vector<16xi32>], vector<16xf32>,
      %parallel_loop3A_238 = arith.addf %parallel_loop3A_234, %parallel_loop3A_237 : vector<16xf32>
      %parallel_loop3A_239 = vector.broadcast %parallel_loop3A_210 : i32 to vector<16xi32>
      %parallel_loop3A_240 = arith.addi %add3A_124, %parallel_loop3A_239 : vector<16xi32>
      %parallel_loop3A_241 = tpu.vector_load_idx %arg6[%parallel_loop3A_240] : memref<32768xf32, #tpu.memory_space<vmem>>[vector<16xi32>], vector<16xf32>,
      %parallel_loop3A_242 = arith.addf %parallel_loop3A_238, %parallel_loop3A_241 : vector<16xf32>
      %parallel_loop3A_243 = vector.broadcast %parallel_loop3A_210 : i32 to vector<16xi32>
      %parallel_loop3A_244 = arith.addi %add3A_134, %parallel_loop3A_243 : vector<16xi32>
      %parallel_loop3A_245 = tpu.vector_load_idx %arg6[%parallel_loop3A_244] : memref<32768xf32, #tpu.memory_space<vmem>>[vector<16xi32>], vector<16xf32>,
      %parallel_loop3A_246 = arith.addf %parallel_loop3A_242, %parallel_loop3A_245 : vector<16xf32>
      %parallel_loop3A_247 = vector.broadcast %parallel_loop3A_210 : i32 to vector<16xi32>
      %parallel_loop3A_248 = arith.addi %add3A_144, %parallel_loop3A_247 : vector<16xi32>
      %parallel_loop3A_249 = tpu.vector_load_idx %arg6[%parallel_loop3A_248] : memref<32768xf32, #tpu.memory_space<vmem>>[vector<16xi32>], vector<16xf32>,
      %parallel_loop3A_250 = arith.addf %parallel_loop3A_246, %parallel_loop3A_249 : vector<16xf32>
      %parallel_loop3A_251 = vector.broadcast %parallel_loop3A_210 : i32 to vector<16xi32>
      %parallel_loop3A_252 = arith.addi %add3A_154, %parallel_loop3A_251 : vector<16xi32>
      %parallel_loop3A_253 = tpu.vector_load_idx %arg6[%parallel_loop3A_252] : memref<32768xf32, #tpu.memory_space<vmem>>[vector<16xi32>], vector<16xf32>,
      %parallel_loop3A_254 = arith.addf %parallel_loop3A_250, %parallel_loop3A_253 : vector<16xf32>
      %parallel_loop3A_255 = vector.broadcast %parallel_loop3A_210 : i32 to vector<16xi32>
      %parallel_loop3A_256 = arith.addi %add3A_164, %parallel_loop3A_255 : vector<16xi32>
      %parallel_loop3A_257 = tpu.vector_load_idx %arg6[%parallel_loop3A_256] : memref<32768xf32, #tpu.memory_space<vmem>>[vector<16xi32>], vector<16xf32>,
      %parallel_loop3A_258 = arith.addf %parallel_loop3A_254, %parallel_loop3A_257 : vector<16xf32>
      %parallel_loop3A_259 = vector.broadcast %parallel_loop3A_210 : i32 to vector<16xi32>
      %parallel_loop3A_260 = arith.addi %add3A_174, %parallel_loop3A_259 : vector<16xi32>
      %parallel_loop3A_261 = tpu.vector_load_idx %arg6[%parallel_loop3A_260] : memref<32768xf32, #tpu.memory_space<vmem>>[vector<16xi32>], vector<16xf32>,
      %parallel_loop3A_262 = arith.addf %parallel_loop3A_258, %parallel_loop3A_261 : vector<16xf32>
      %parallel_loop3A_263 = vector.broadcast %parallel_loop3A_210 : i32 to vector<16xi32>
      %parallel_loop3A_264 = arith.addi %add3A_184, %parallel_loop3A_263 : vector<16xi32>
      %parallel_loop3A_265 = tpu.vector_load_idx %arg6[%parallel_loop3A_264] : memref<32768xf32, #tpu.memory_space<vmem>>[vector<16xi32>], vector<16xf32>,
      %parallel_loop3A_266 = arith.addf %parallel_loop3A_262, %parallel_loop3A_265 : vector<16xf32>
      %parallel_loop3A_267 = vector.broadcast %parallel_loop3A_210 : i32 to vector<16xi32>
      %parallel_loop3A_268 = arith.addi %add3A_194, %parallel_loop3A_267 : vector<16xi32>
      %parallel_loop3A_269 = tpu.vector_load_idx %arg6[%parallel_loop3A_268] : memref<32768xf32, #tpu.memory_space<vmem>>[vector<16xi32>], vector<16xf32>,
      %parallel_loop3A_270 = arith.addf %parallel_loop3A_266, %parallel_loop3A_269 : vector<16xf32>
      %parallel_loop3A_271 = vector.broadcast %parallel_loop3A_210 : i32 to vector<16xi32>
      %parallel_loop3A_272 = arith.addi %add3A_204, %parallel_loop3A_271 : vector<16xi32>
      %parallel_loop3A_273 = tpu.vector_load_idx %arg6[%parallel_loop3A_272] : memref<32768xf32, #tpu.memory_space<vmem>>[vector<16xi32>], vector<16xf32>,
      %parallel_loop3A_274 = arith.addf %parallel_loop3A_270, %parallel_loop3A_273 : vector<16xf32>
      %parallel_loop3A_275 = arith.constant 16 : i32
      %parallel_loop3A_276 = arith.muli %parallel_loop3A_208, %parallel_loop3A_275 : i32
      %parallel_loop3A_277 = arith.index_cast %parallel_loop3A_276 : i32 to index
      %parallel_loop3A_278 = tpu.vector_load %arg7[%parallel_loop3A_277] {strides = array<i32>} : memref<2048xf32, #tpu.memory_space<vmem>>, vector<16xf32>,
      tpu.vector_store %arg7[%parallel_loop3A_277], %parallel_loop3A_274 {strides = array<i32>} : memref<2048xf32, #tpu.memory_space<vmem>>, vector<16xf32>,
    } {sc.loop_unroll_factor = 2 : i64, sc.parallel_access}
    "tpu.region"() ({
      %run_scoped3A = tpu.sem_alloc : memref<!tpu.dma_semaphore, #tpu.memory_space<semaphore_mem>>
      %dma_start3A = arith.constant 0 : i32
      %dma_start3A_208 = tpu.memref_slice %arg4[%add3A, %dma_start3A] : memref<32x2048xf32, #tpu.memory_space<hbm>> -> memref<1x2048xf32, #tpu.memory_space<hbm>>
      %dma_start3A_209 = tpu.memref_squeeze %dma_start3A_208 : memref<1x2048xf32, #tpu.memory_space<hbm>> -> memref<2048xf32, #tpu.memory_space<hbm>>
      %dma_start3A_210 = arith.constant 0 : i32
      %dma_start3A_211 = tpu.memref_slice %arg4[%add3A, %dma_start3A_210] : memref<32x2048xf32, #tpu.memory_space<hbm>> -> memref<1x2048xf32, #tpu.memory_space<hbm>>
      %dma_start3A_212 = tpu.memref_squeeze %dma_start3A_211 : memref<1x2048xf32, #tpu.memory_space<hbm>> -> memref<2048xf32, #tpu.memory_space<hbm>>
      tpu.enqueue_dma source(%arg7 : memref<2048xf32, #tpu.memory_space<vmem>>) target(%dma_start3A_212 : memref<2048xf32, #tpu.memory_space<hbm>>) target_semaphore(%run_scoped3A : memref<!tpu.dma_semaphore, #tpu.memory_space<semaphore_mem>>)
      %dma_wait3A = arith.constant 0 : i32
      %dma_wait3A_213 = tpu.memref_slice %arg4[%add3A, %dma_wait3A] : memref<32x2048xf32, #tpu.memory_space<hbm>> -> memref<1x2048xf32, #tpu.memory_space<hbm>>
      %dma_wait3A_214 = tpu.memref_squeeze %dma_wait3A_213 : memref<1x2048xf32, #tpu.memory_space<hbm>> -> memref<2048xf32, #tpu.memory_space<hbm>>
      %dma_wait3A_215 = arith.constant 0 : i32
      %dma_wait3A_216 = tpu.memref_slice %arg4[%add3A, %dma_wait3A_215] : memref<32x2048xf32, #tpu.memory_space<hbm>> -> memref<1x2048xf32, #tpu.memory_space<hbm>>
      %dma_wait3A_217 = tpu.memref_squeeze %dma_wait3A_216 : memref<1x2048xf32, #tpu.memory_space<hbm>> -> memref<2048xf32, #tpu.memory_space<hbm>>
      tpu.wait_dma2 semaphore(%run_scoped3A : memref<!tpu.dma_semaphore, #tpu.memory_space<semaphore_mem>>) src(%arg7 : memref<2048xf32, #tpu.memory_space<vmem>>) dst(%dma_wait3A_217 : memref<2048xf32, #tpu.memory_space<hbm>>)
      tpu.yield
    }) : () -> ()
    return
  }
}

#map = affine_map<(d0, d1) -> (0, 0, 0)>
#map1 = affine_map<(d0, d1) -> (0)>
#map2 = affine_map<(d0, d1) -> (0, 0)>
module attributes {stable_mosaic.version = 14 : i64} {
  func.func @_sc_sum_body(%arg0: i32, %arg1: i32, %arg2: memref<8x512x512xf32, #tpu.memory_space<hbm>>, %arg3: memref<16xf32, #tpu.memory_space<hbm>>, %arg4: memref<32x16xf32, #tpu.memory_space<hbm>>, %arg5: memref<32x16xf32, #tpu.memory_space<hbm>>, %arg6: memref<64x512xf32, #tpu.memory_space<vmem>>, %arg7: memref<16xf32, #tpu.memory_space<vmem>>) attributes {dimension_semantics = [#tpu.dimension_semantics<core_parallel>, #tpu.dimension_semantics<subcore_parallel>], iteration_bounds = array<i64: 2, 16>, scalar_prefetch = 0 : i64, scratch_operands = 2 : i64, tpu.core_type = #tpu.core_type<sc_vector_subcore>, window_params = [{transform_indices = #map}, {transform_indices = #map1}, {transform_indices = #map2}, {transform_indices = #map2}]} {
    %mul3A = arith.constant 2 : i32
    %mul3A_0 = arith.muli %arg1, %mul3A : i32
    %add3A = arith.addi %mul3A_0, %arg0 : i32
    %jit3A = arith.constant 4 : i32
    %div3A = arith.divsi %add3A, %jit3A : i32
    %sign3A = arith.constant 0 : i32
    %sign3A_1 = arith.cmpi sgt, %add3A, %sign3A : i32
    %sign3A_2 = arith.extui %sign3A_1 : i1 to i32
    %sign3A_3 = arith.constant 0 : i32
    %sign3A_4 = arith.cmpi slt, %add3A, %sign3A_3 : i32
    %sign3A_5 = arith.extui %sign3A_4 : i1 to i32
    %sign3A_6 = arith.subi %sign3A_2, %sign3A_5 : i32
    %sign3A_7 = arith.constant 0 : i32
    %sign3A_8 = arith.cmpi sgt, %jit3A, %sign3A_7 : i32
    %sign3A_9 = arith.extui %sign3A_8 : i1 to i32
    %sign3A_10 = arith.constant 0 : i32
    %sign3A_11 = arith.cmpi slt, %jit3A, %sign3A_10 : i32
    %sign3A_12 = arith.extui %sign3A_11 : i1 to i32
    %sign3A_13 = arith.subi %sign3A_9, %sign3A_12 : i32
    %ne3A = arith.cmpi ne, %sign3A_6, %sign3A_13 : i32
    %rem3A = arith.remsi %add3A, %jit3A : i32
    %ne3A_14 = arith.constant 0 : i32
    %ne3A_15 = arith.cmpi ne, %rem3A, %ne3A_14 : i32
    %and3A = arith.andi %ne3A, %ne3A_15 : i1
    %sub3A = arith.constant 1 : i32
    %sub3A_16 = arith.subi %div3A, %sub3A : i32
    %select_n3A = arith.select %and3A, %sub3A_16, %div3A : i32
    %jit3A_17 = arith.constant 4 : i32
    %eq3A = arith.constant 0 : i32
    %eq3A_18 = arith.cmpi eq, %jit3A_17, %eq3A : i32
    %jit3A_19 = arith.constant 1 : i32
    %select_n3A_20 = arith.select %eq3A_18, %jit3A_19, %jit3A_17 : i32
    %rem3A_21 = arith.remsi %add3A, %select_n3A_20 : i32
    %ne3A_22 = arith.constant 0 : i32
    %ne3A_23 = arith.cmpi ne, %rem3A_21, %ne3A_22 : i32
    %lt3A = arith.constant 0 : i32
    %lt3A_24 = arith.cmpi slt, %rem3A_21, %lt3A : i32
    %lt3A_25 = arith.constant 0 : i32
    %lt3A_26 = arith.cmpi slt, %select_n3A_20, %lt3A_25 : i32
    %ne3A_27 = arith.xori %lt3A_24, %lt3A_26 : i1
    %and3A_28 = arith.andi %ne3A_27, %ne3A_23 : i1
    %add3A_29 = arith.addi %rem3A_21, %select_n3A_20 : i32
    %select_n3A_30 = arith.select %and3A_28, %add3A_29, %rem3A_21 : i32
    %mul3A_31 = arith.constant 128 : i32
    %mul3A_32 = arith.muli %select_n3A_30, %mul3A_31 : i32
    "tpu.region"() ({
      %run_scoped3A = tpu.sem_alloc : memref<!tpu.dma_semaphore, #tpu.memory_space<semaphore_mem>>
      tpu.enqueue_dma source(%arg3 : memref<16xf32, #tpu.memory_space<hbm>>) target(%arg7 : memref<16xf32, #tpu.memory_space<vmem>>) target_semaphore(%run_scoped3A : memref<!tpu.dma_semaphore, #tpu.memory_space<semaphore_mem>>)
      tpu.wait_dma2 semaphore(%run_scoped3A : memref<!tpu.dma_semaphore, #tpu.memory_space<semaphore_mem>>) src(%arg3 : memref<16xf32, #tpu.memory_space<hbm>>) dst(%arg7 : memref<16xf32, #tpu.memory_space<vmem>>)
      tpu.yield
    }) : () -> ()
    %get3A = arith.constant 0 : index
    %get3A_33 = tpu.vector_load %arg7[%get3A] {strides = array<i32>} : memref<16xf32, #tpu.memory_space<vmem>>, vector<16xf32>,
    %broadcast_in_dim3A = arith.constant 0.000000e+00 : f32
    %broadcast_in_dim3A_34 = vector.broadcast %broadcast_in_dim3A : f32 to vector<16xf32>
    %broadcast_in_dim3A_35 = arith.constant 1.000000e+00 : f32
    %broadcast_in_dim3A_36 = vector.broadcast %broadcast_in_dim3A_35 : f32 to vector<16xf32>
    %scan3A = arith.constant 0 : i32
    %scan3A_37 = arith.constant 2 : i32
    %scan3A_38 = arith.addi %scan3A, %scan3A_37 : i32
    %scan3A_39 = arith.constant 1 : i32
    %scan3A_40:2 = scf.for %scan3A_45 = %scan3A to %scan3A_38 step %scan3A_39 iter_args(%scan3A_46 = %broadcast_in_dim3A_34, %scan3A_47 = %broadcast_in_dim3A_34) -> (vector<16xf32>, vector<16xf32>)  : i32 {
      %mul3A_48 = arith.constant 64 : i32
      %mul3A_49 = arith.muli %scan3A_45, %mul3A_48 : i32
      %add3A_50 = arith.addi %mul3A_32, %mul3A_49 : i32
      "tpu.region"() ({
        %run_scoped3A = tpu.sem_alloc : memref<!tpu.dma_semaphore, #tpu.memory_space<semaphore_mem>>
        %dma_start3A = arith.constant 0 : i32
        %dma_start3A_57 = tpu.memref_slice %arg2[%select_n3A, %add3A_50, %dma_start3A] : memref<8x512x512xf32, #tpu.memory_space<hbm>> -> memref<1x64x512xf32, #tpu.memory_space<hbm>>
        %dma_start3A_58 = tpu.memref_squeeze %dma_start3A_57 : memref<1x64x512xf32, #tpu.memory_space<hbm>> -> memref<64x512xf32, #tpu.memory_space<hbm>>
        %dma_start3A_59 = arith.constant 0 : i32
        %dma_start3A_60 = tpu.memref_slice %arg2[%select_n3A, %add3A_50, %dma_start3A_59] : memref<8x512x512xf32, #tpu.memory_space<hbm>> -> memref<1x64x512xf32, #tpu.memory_space<hbm>>
        %dma_start3A_61 = tpu.memref_squeeze %dma_start3A_60 : memref<1x64x512xf32, #tpu.memory_space<hbm>> -> memref<64x512xf32, #tpu.memory_space<hbm>>
        tpu.enqueue_dma source(%dma_start3A_61 : memref<64x512xf32, #tpu.memory_space<hbm>>) target(%arg6 : memref<64x512xf32, #tpu.memory_space<vmem>>) target_semaphore(%run_scoped3A : memref<!tpu.dma_semaphore, #tpu.memory_space<semaphore_mem>>)
        %dma_wait3A = arith.constant 0 : i32
        %dma_wait3A_62 = tpu.memref_slice %arg2[%select_n3A, %add3A_50, %dma_wait3A] : memref<8x512x512xf32, #tpu.memory_space<hbm>> -> memref<1x64x512xf32, #tpu.memory_space<hbm>>
        %dma_wait3A_63 = tpu.memref_squeeze %dma_wait3A_62 : memref<1x64x512xf32, #tpu.memory_space<hbm>> -> memref<64x512xf32, #tpu.memory_space<hbm>>
        %dma_wait3A_64 = arith.constant 0 : i32
        %dma_wait3A_65 = tpu.memref_slice %arg2[%select_n3A, %add3A_50, %dma_wait3A_64] : memref<8x512x512xf32, #tpu.memory_space<hbm>> -> memref<1x64x512xf32, #tpu.memory_space<hbm>>
        %dma_wait3A_66 = tpu.memref_squeeze %dma_wait3A_65 : memref<1x64x512xf32, #tpu.memory_space<hbm>> -> memref<64x512xf32, #tpu.memory_space<hbm>>
        tpu.wait_dma2 semaphore(%run_scoped3A : memref<!tpu.dma_semaphore, #tpu.memory_space<semaphore_mem>>) src(%dma_wait3A_66 : memref<64x512xf32, #tpu.memory_space<hbm>>) dst(%arg6 : memref<64x512xf32, #tpu.memory_space<vmem>>)
        tpu.yield
      }) : () -> ()
      %scan3A_51 = arith.constant 0 : i32
      %scan3A_52 = arith.constant 512 : i32
      %scan3A_53 = arith.addi %scan3A_51, %scan3A_52 : i32
      %scan3A_54 = arith.constant 1 : i32
      %scan3A_55:2 = scf.for %scan3A_57 = %scan3A_51 to %scan3A_53 step %scan3A_54 iter_args(%scan3A_58 = %scan3A_46, %scan3A_59 = %scan3A_47) -> (vector<16xf32>, vector<16xf32>)  : i32 {
        %mul3A_60 = arith.constant 4 : i32
        %mul3A_61 = arith.muli %scan3A_57, %mul3A_60 : i32
        %add3A_62 = arith.constant 0 : i32
        %add3A_63 = arith.addi %mul3A_61, %add3A_62 : i32
        %shift_right_logical3A = arith.constant 5 : i32
        %shift_right_logical3A_64 = arith.shrui %add3A_63, %shift_right_logical3A : i32
        %and3A_65 = arith.constant 31 : i32
        %and3A_66 = arith.andi %add3A_63, %and3A_65 : i32
        %mul3A_67 = arith.constant 16 : i32
        %mul3A_68 = arith.muli %and3A_66, %mul3A_67 : i32
        %get3A_69 = arith.index_cast %shift_right_logical3A_64 : i32 to index
        %get3A_70 = arith.index_cast %mul3A_68 : i32 to index
        %get3A_71 = tpu.vector_load %arg6[%get3A_69, %get3A_70] {strides = array<i32>} : memref<64x512xf32, #tpu.memory_space<vmem>>, vector<16xf32>,
        %ge3A = arith.cmpf oge, %get3A_71, %get3A_33 : vector<16xf32>
        %lt3A_72 = arith.constant 0.356674969 : f32
        %lt3A_73 = vector.broadcast %lt3A_72 : f32 to vector<16xf32>
        %lt3A_74 = arith.cmpf olt, %get3A_71, %lt3A_73 : vector<16xf32>
        %and3A_75 = arith.andi %ge3A, %lt3A_74 : vector<16xi1>
        %jit3A_76 = arith.constant 0.000000e+00 : f32
        %broadcast_in_dim3A_77 = vector.broadcast %jit3A_76 : f32 to vector<16xf32>
        %select_n3A_78 = arith.select %and3A_75, %get3A_71, %broadcast_in_dim3A_77 : vector<16xi1>, vector<16xf32>
        %add3A_79 = arith.addf %scan3A_58, %select_n3A_78 : vector<16xf32>
        %jit3A_80 = arith.constant 0.000000e+00 : f32
        %broadcast_in_dim3A_81 = vector.broadcast %jit3A_80 : f32 to vector<16xf32>
        %select_n3A_82 = arith.select %and3A_75, %broadcast_in_dim3A_36, %broadcast_in_dim3A_81 : vector<16xi1>, vector<16xf32>
        %add3A_83 = arith.addf %scan3A_59, %select_n3A_82 : vector<16xf32>
        %mul3A_84 = arith.constant 4 : i32
        %mul3A_85 = arith.muli %scan3A_57, %mul3A_84 : i32
        %add3A_86 = arith.constant 1 : i32
        %add3A_87 = arith.addi %mul3A_85, %add3A_86 : i32
        %shift_right_logical3A_88 = arith.constant 5 : i32
        %shift_right_logical3A_89 = arith.shrui %add3A_87, %shift_right_logical3A_88 : i32
        %and3A_90 = arith.constant 31 : i32
        %and3A_91 = arith.andi %add3A_87, %and3A_90 : i32
        %mul3A_92 = arith.constant 16 : i32
        %mul3A_93 = arith.muli %and3A_91, %mul3A_92 : i32
        %get3A_94 = arith.index_cast %shift_right_logical3A_89 : i32 to index
        %get3A_95 = arith.index_cast %mul3A_93 : i32 to index
        %get3A_96 = tpu.vector_load %arg6[%get3A_94, %get3A_95] {strides = array<i32>} : memref<64x512xf32, #tpu.memory_space<vmem>>, vector<16xf32>,
        %ge3A_97 = arith.cmpf oge, %get3A_96, %get3A_33 : vector<16xf32>
        %lt3A_98 = arith.constant 0.356674969 : f32
        %lt3A_99 = vector.broadcast %lt3A_98 : f32 to vector<16xf32>
        %lt3A_100 = arith.cmpf olt, %get3A_96, %lt3A_99 : vector<16xf32>
        %and3A_101 = arith.andi %ge3A_97, %lt3A_100 : vector<16xi1>
        %jit3A_102 = arith.constant 0.000000e+00 : f32
        %broadcast_in_dim3A_103 = vector.broadcast %jit3A_102 : f32 to vector<16xf32>
        %select_n3A_104 = arith.select %and3A_101, %get3A_96, %broadcast_in_dim3A_103 : vector<16xi1>, vector<16xf32>
        %add3A_105 = arith.addf %add3A_79, %select_n3A_104 : vector<16xf32>
        %jit3A_106 = arith.constant 0.000000e+00 : f32
        %broadcast_in_dim3A_107 = vector.broadcast %jit3A_106 : f32 to vector<16xf32>
        %select_n3A_108 = arith.select %and3A_101, %broadcast_in_dim3A_36, %broadcast_in_dim3A_107 : vector<16xi1>, vector<16xf32>
        %add3A_109 = arith.addf %add3A_83, %select_n3A_108 : vector<16xf32>
        %mul3A_110 = arith.constant 4 : i32
        %mul3A_111 = arith.muli %scan3A_57, %mul3A_110 : i32
        %add3A_112 = arith.constant 2 : i32
        %add3A_113 = arith.addi %mul3A_111, %add3A_112 : i32
        %shift_right_logical3A_114 = arith.constant 5 : i32
        %shift_right_logical3A_115 = arith.shrui %add3A_113, %shift_right_logical3A_114 : i32
        %and3A_116 = arith.constant 31 : i32
        %and3A_117 = arith.andi %add3A_113, %and3A_116 : i32
        %mul3A_118 = arith.constant 16 : i32
        %mul3A_119 = arith.muli %and3A_117, %mul3A_118 : i32
        %get3A_120 = arith.index_cast %shift_right_logical3A_115 : i32 to index
        %get3A_121 = arith.index_cast %mul3A_119 : i32 to index
        %get3A_122 = tpu.vector_load %arg6[%get3A_120, %get3A_121] {strides = array<i32>} : memref<64x512xf32, #tpu.memory_space<vmem>>, vector<16xf32>,
        %ge3A_123 = arith.cmpf oge, %get3A_122, %get3A_33 : vector<16xf32>
        %lt3A_124 = arith.constant 0.356674969 : f32
        %lt3A_125 = vector.broadcast %lt3A_124 : f32 to vector<16xf32>
        %lt3A_126 = arith.cmpf olt, %get3A_122, %lt3A_125 : vector<16xf32>
        %and3A_127 = arith.andi %ge3A_123, %lt3A_126 : vector<16xi1>
        %jit3A_128 = arith.constant 0.000000e+00 : f32
        %broadcast_in_dim3A_129 = vector.broadcast %jit3A_128 : f32 to vector<16xf32>
        %select_n3A_130 = arith.select %and3A_127, %get3A_122, %broadcast_in_dim3A_129 : vector<16xi1>, vector<16xf32>
        %add3A_131 = arith.addf %add3A_105, %select_n3A_130 : vector<16xf32>
        %jit3A_132 = arith.constant 0.000000e+00 : f32
        %broadcast_in_dim3A_133 = vector.broadcast %jit3A_132 : f32 to vector<16xf32>
        %select_n3A_134 = arith.select %and3A_127, %broadcast_in_dim3A_36, %broadcast_in_dim3A_133 : vector<16xi1>, vector<16xf32>
        %add3A_135 = arith.addf %add3A_109, %select_n3A_134 : vector<16xf32>
        %mul3A_136 = arith.constant 4 : i32
        %mul3A_137 = arith.muli %scan3A_57, %mul3A_136 : i32
        %add3A_138 = arith.constant 3 : i32
        %add3A_139 = arith.addi %mul3A_137, %add3A_138 : i32
        %shift_right_logical3A_140 = arith.constant 5 : i32
        %shift_right_logical3A_141 = arith.shrui %add3A_139, %shift_right_logical3A_140 : i32
        %and3A_142 = arith.constant 31 : i32
        %and3A_143 = arith.andi %add3A_139, %and3A_142 : i32
        %mul3A_144 = arith.constant 16 : i32
        %mul3A_145 = arith.muli %and3A_143, %mul3A_144 : i32
        %get3A_146 = arith.index_cast %shift_right_logical3A_141 : i32 to index
        %get3A_147 = arith.index_cast %mul3A_145 : i32 to index
        %get3A_148 = tpu.vector_load %arg6[%get3A_146, %get3A_147] {strides = array<i32>} : memref<64x512xf32, #tpu.memory_space<vmem>>, vector<16xf32>,
        %ge3A_149 = arith.cmpf oge, %get3A_148, %get3A_33 : vector<16xf32>
        %lt3A_150 = arith.constant 0.356674969 : f32
        %lt3A_151 = vector.broadcast %lt3A_150 : f32 to vector<16xf32>
        %lt3A_152 = arith.cmpf olt, %get3A_148, %lt3A_151 : vector<16xf32>
        %and3A_153 = arith.andi %ge3A_149, %lt3A_152 : vector<16xi1>
        %jit3A_154 = arith.constant 0.000000e+00 : f32
        %broadcast_in_dim3A_155 = vector.broadcast %jit3A_154 : f32 to vector<16xf32>
        %select_n3A_156 = arith.select %and3A_153, %get3A_148, %broadcast_in_dim3A_155 : vector<16xi1>, vector<16xf32>
        %add3A_157 = arith.addf %add3A_131, %select_n3A_156 : vector<16xf32>
        %jit3A_158 = arith.constant 0.000000e+00 : f32
        %broadcast_in_dim3A_159 = vector.broadcast %jit3A_158 : f32 to vector<16xf32>
        %select_n3A_160 = arith.select %and3A_153, %broadcast_in_dim3A_36, %broadcast_in_dim3A_159 : vector<16xi1>, vector<16xf32>
        %add3A_161 = arith.addf %add3A_135, %select_n3A_160 : vector<16xf32>
        scf.yield %add3A_157, %add3A_161 : vector<16xf32>, vector<16xf32>
      }
      %scan3A_56 = arith.constant 512 : i32
      scf.yield %scan3A_55#0, %scan3A_55#1 : vector<16xf32>, vector<16xf32>
    }
    %scan3A_41 = arith.constant 2 : i32
    %swap3A = arith.constant 0 : index
    %swap3A_42 = tpu.vector_load %arg7[%swap3A] {strides = array<i32>} : memref<16xf32, #tpu.memory_space<vmem>>, vector<16xf32>,
    tpu.vector_store %arg7[%swap3A], %scan3A_40#0 {strides = array<i32>} : memref<16xf32, #tpu.memory_space<vmem>>, vector<16xf32>,
    "tpu.region"() ({
      %run_scoped3A = tpu.sem_alloc : memref<!tpu.dma_semaphore, #tpu.memory_space<semaphore_mem>>
      %dma_start3A = arith.constant 0 : i32
      %dma_start3A_45 = tpu.memref_slice %arg4[%add3A, %dma_start3A] : memref<32x16xf32, #tpu.memory_space<hbm>> -> memref<1x16xf32, #tpu.memory_space<hbm>>
      %dma_start3A_46 = tpu.memref_squeeze %dma_start3A_45 : memref<1x16xf32, #tpu.memory_space<hbm>> -> memref<16xf32, #tpu.memory_space<hbm>>
      %dma_start3A_47 = arith.constant 0 : i32
      %dma_start3A_48 = tpu.memref_slice %arg4[%add3A, %dma_start3A_47] : memref<32x16xf32, #tpu.memory_space<hbm>> -> memref<1x16xf32, #tpu.memory_space<hbm>>
      %dma_start3A_49 = tpu.memref_squeeze %dma_start3A_48 : memref<1x16xf32, #tpu.memory_space<hbm>> -> memref<16xf32, #tpu.memory_space<hbm>>
      tpu.enqueue_dma source(%arg7 : memref<16xf32, #tpu.memory_space<vmem>>) target(%dma_start3A_49 : memref<16xf32, #tpu.memory_space<hbm>>) target_semaphore(%run_scoped3A : memref<!tpu.dma_semaphore, #tpu.memory_space<semaphore_mem>>)
      %dma_wait3A = arith.constant 0 : i32
      %dma_wait3A_50 = tpu.memref_slice %arg4[%add3A, %dma_wait3A] : memref<32x16xf32, #tpu.memory_space<hbm>> -> memref<1x16xf32, #tpu.memory_space<hbm>>
      %dma_wait3A_51 = tpu.memref_squeeze %dma_wait3A_50 : memref<1x16xf32, #tpu.memory_space<hbm>> -> memref<16xf32, #tpu.memory_space<hbm>>
      %dma_wait3A_52 = arith.constant 0 : i32
      %dma_wait3A_53 = tpu.memref_slice %arg4[%add3A, %dma_wait3A_52] : memref<32x16xf32, #tpu.memory_space<hbm>> -> memref<1x16xf32, #tpu.memory_space<hbm>>
      %dma_wait3A_54 = tpu.memref_squeeze %dma_wait3A_53 : memref<1x16xf32, #tpu.memory_space<hbm>> -> memref<16xf32, #tpu.memory_space<hbm>>
      tpu.wait_dma2 semaphore(%run_scoped3A : memref<!tpu.dma_semaphore, #tpu.memory_space<semaphore_mem>>) src(%arg7 : memref<16xf32, #tpu.memory_space<vmem>>) dst(%dma_wait3A_54 : memref<16xf32, #tpu.memory_space<hbm>>)
      tpu.yield
    }) : () -> ()
    %swap3A_43 = arith.constant 0 : index
    %swap3A_44 = tpu.vector_load %arg7[%swap3A_43] {strides = array<i32>} : memref<16xf32, #tpu.memory_space<vmem>>, vector<16xf32>,
    tpu.vector_store %arg7[%swap3A_43], %scan3A_40#1 {strides = array<i32>} : memref<16xf32, #tpu.memory_space<vmem>>, vector<16xf32>,
    "tpu.region"() ({
      %run_scoped3A = tpu.sem_alloc : memref<!tpu.dma_semaphore, #tpu.memory_space<semaphore_mem>>
      %dma_start3A = arith.constant 0 : i32
      %dma_start3A_45 = tpu.memref_slice %arg5[%add3A, %dma_start3A] : memref<32x16xf32, #tpu.memory_space<hbm>> -> memref<1x16xf32, #tpu.memory_space<hbm>>
      %dma_start3A_46 = tpu.memref_squeeze %dma_start3A_45 : memref<1x16xf32, #tpu.memory_space<hbm>> -> memref<16xf32, #tpu.memory_space<hbm>>
      %dma_start3A_47 = arith.constant 0 : i32
      %dma_start3A_48 = tpu.memref_slice %arg5[%add3A, %dma_start3A_47] : memref<32x16xf32, #tpu.memory_space<hbm>> -> memref<1x16xf32, #tpu.memory_space<hbm>>
      %dma_start3A_49 = tpu.memref_squeeze %dma_start3A_48 : memref<1x16xf32, #tpu.memory_space<hbm>> -> memref<16xf32, #tpu.memory_space<hbm>>
      tpu.enqueue_dma source(%arg7 : memref<16xf32, #tpu.memory_space<vmem>>) target(%dma_start3A_49 : memref<16xf32, #tpu.memory_space<hbm>>) target_semaphore(%run_scoped3A : memref<!tpu.dma_semaphore, #tpu.memory_space<semaphore_mem>>)
      %dma_wait3A = arith.constant 0 : i32
      %dma_wait3A_50 = tpu.memref_slice %arg5[%add3A, %dma_wait3A] : memref<32x16xf32, #tpu.memory_space<hbm>> -> memref<1x16xf32, #tpu.memory_space<hbm>>
      %dma_wait3A_51 = tpu.memref_squeeze %dma_wait3A_50 : memref<1x16xf32, #tpu.memory_space<hbm>> -> memref<16xf32, #tpu.memory_space<hbm>>
      %dma_wait3A_52 = arith.constant 0 : i32
      %dma_wait3A_53 = tpu.memref_slice %arg5[%add3A, %dma_wait3A_52] : memref<32x16xf32, #tpu.memory_space<hbm>> -> memref<1x16xf32, #tpu.memory_space<hbm>>
      %dma_wait3A_54 = tpu.memref_squeeze %dma_wait3A_53 : memref<1x16xf32, #tpu.memory_space<hbm>> -> memref<16xf32, #tpu.memory_space<hbm>>
      tpu.wait_dma2 semaphore(%run_scoped3A : memref<!tpu.dma_semaphore, #tpu.memory_space<semaphore_mem>>) src(%arg7 : memref<16xf32, #tpu.memory_space<vmem>>) dst(%dma_wait3A_54 : memref<16xf32, #tpu.memory_space<hbm>>)
      tpu.yield
    }) : () -> ()
    return
  }
}

module attributes {stable_mosaic.version = 14 : i64} {
  func.func @_rare_pre2_body(%arg0: memref<32x2048xf32, #tpu.memory_space<vmem>>, %arg1: memref<1x1xi32, #tpu.memory_space<smem>>, %arg2: memref<1x1xf32, #tpu.memory_space<smem>>, %arg3: memref<1x1xf32, #tpu.memory_space<smem>>) attributes {dimension_semantics = [], scalar_prefetch = 0 : i64, scratch_operands = 0 : i64, tpu.core_type = #tpu.core_type<tc>} {
    %get3A = arith.constant 0 : index
    %get3A_0 = arith.constant 0 : index
    %get3A_1 = vector.load %arg0[%get3A, %get3A_0] : memref<32x2048xf32, #tpu.memory_space<vmem>>, vector<32x2048xf32>
    %reduce_sum3A = arith.constant dense<0.000000e+00> : vector<2048xf32>
    %reduce_sum3A_2 = vector.multi_reduction <add>, %get3A_1, %reduce_sum3A [0] : vector<32x2048xf32> to vector<2048xf32>
    %broadcast_in_dim3A = vector.shape_cast %reduce_sum3A_2 : vector<2048xf32> to vector<1x2048xf32>
    %iota3A = tpu.iota {dimensions = array<i32: 0>} : vector<2048x2048xi32>
    %iota3A_3 = tpu.iota {dimensions = array<i32: 1>} : vector<2048x2048xi32>
    %ge3A = arith.cmpi sge, %iota3A, %iota3A_3 : vector<2048x2048xi32>
    %convert_element_type3A = arith.extui %ge3A : vector<2048x2048xi1> to vector<2048x2048xi32>
    %convert_element_type3A_4 = arith.sitofp %convert_element_type3A : vector<2048x2048xi32> to vector<2048x2048xf32>
    %dot_general3A = arith.constant dense<0.000000e+00> : vector<1x2048xf32>
    %dot_general3A_5 = tpu.matmul %broadcast_in_dim3A, %convert_element_type3A_4, %dot_general3A {dimension_numbers = #tpu.dot_dimension_numbers<[1], [0], [0], [1], [0, 0, 1, 1], [], []>, transpose_lhs_hint = false} : vector<1x2048xf32>, vector<2048x2048xf32>, vector<1x2048xf32> -> vector<1x2048xf32>
    %get3A_6 = arith.constant 0 : index
    %get3A_7 = arith.constant 0 : index
    %get3A_8 = memref.load %arg2[%get3A_6, %get3A_7] : memref<1x1xf32, #tpu.memory_space<smem>>
    %add3A = vector.broadcast %get3A_8 : f32 to vector<1x2048xf32>
    %add3A_9 = arith.addf %add3A, %dot_general3A_5 : vector<1x2048xf32>
    %ge3A_10 = arith.constant 1.000000e+05 : f32
    %ge3A_11 = vector.broadcast %ge3A_10 : f32 to vector<1x2048xf32>
    %ge3A_12 = arith.cmpf oge, %add3A_9, %ge3A_11 : vector<1x2048xf32>
    %convert_element_type3A_13 = arith.extui %ge3A_12 : vector<1x2048xi1> to vector<1x2048xi32>
    %convert_element_type3A_14 = arith.sitofp %convert_element_type3A_13 : vector<1x2048xi32> to vector<1x2048xf32>
    %reduce_sum3A_15 = vector.shape_cast %convert_element_type3A_14 : vector<1x2048xf32> to vector<1x1x2048xf32>
    %reduce_sum3A_16 = arith.constant dense<0.000000e+00> : vector<1xf32>
    %reduce_sum3A_17 = vector.multi_reduction <add>, %reduce_sum3A_15, %reduce_sum3A_16 [1, 2] : vector<1x1x2048xf32> to vector<1xf32>
    %reduce_sum3A_18 = vector.shape_cast %reduce_sum3A_17 : vector<1xf32> to vector<1x1x1xf32>
    %reduce_sum3A_19 = vector.extract %reduce_sum3A_18[0, 0, 0] : f32 from vector<1x1x1xf32>
    %convert_element_type3A_20 = arith.fptosi %reduce_sum3A_19 : f32 to i32
    %sub3A = arith.constant 1 : i32
    %sub3A_21 = arith.subi %convert_element_type3A_20, %sub3A : i32
    %max3A = arith.constant 0 : i32
    %max3A_22 = arith.maxsi %sub3A_21, %max3A : i32
    %get3A_23 = arith.constant 0 : index
    %get3A_24 = arith.constant 0 : index
    %get3A_25 = memref.load %arg1[%get3A_23, %get3A_24] : memref<1x1xi32, #tpu.memory_space<smem>>
    %shift_left3A = arith.constant 19 : i32
    %shift_left3A_26 = arith.shli %get3A_25, %shift_left3A : i32
    %shift_left3A_27 = arith.constant 8 : i32
    %shift_left3A_28 = arith.shli %max3A_22, %shift_left3A_27 : i32
    %or3A = arith.ori %shift_left3A_26, %shift_left3A_28 : i32
    %bitcast_convert_type3A = arith.bitcast %or3A : i32 to f32
    %swap3A = arith.constant 0 : index
    %swap3A_29 = arith.constant 0 : index
    %swap3A_30 = memref.load %arg3[%swap3A, %swap3A_29] : memref<1x1xf32, #tpu.memory_space<smem>>
    memref.store %bitcast_convert_type3A, %arg3[%swap3A, %swap3A_29] : memref<1x1xf32, #tpu.memory_space<smem>>
    return
  }
}

module attributes {stable_mosaic.version = 14 : i64} {
  func.func @_nll_body(%arg0: i32, %arg1: i32, %arg2: memref<1x19x256x512xf32, #tpu.memory_space<vmem>>, %arg3: memref<1x256x512xi32, #tpu.memory_space<vmem>>, %arg4: memref<1x256x512xf32, #tpu.memory_space<vmem>>, %arg5: memref<1x1xf32, #tpu.memory_space<smem>>, %arg6: memref<1x1xf32, #tpu.memory_space<smem>>, %arg7: memref<1x1xf32, #tpu.memory_space<smem>>) attributes {dimension_semantics = [#tpu.dimension_semantics<arbitrary>, #tpu.dimension_semantics<arbitrary>], iteration_bounds = array<i64: 8, 2>, scalar_prefetch = 0 : i64, scratch_operands = 0 : i64, tpu.core_type = #tpu.core_type<tc>, window_params = [{transform_indices = @transform_0, window_bounds = array<i64: 1, 19, 256, 512>}, {transform_indices = @transform_1, window_bounds = array<i64: 1, 256, 512>}, {transform_indices = @transform_2, window_bounds = array<i64: 1, 256, 512>}, {transform_indices = @transform_3, window_bounds = array<i64: 1, 1>}, {transform_indices = @transform_4, window_bounds = array<i64: 1, 1>}, {transform_indices = @transform_5, window_bounds = array<i64: 1, 1>}]} {
    %get3A = arith.constant 0 : index
    %get3A_0 = arith.constant 0 : index
    %get3A_1 = arith.constant 0 : index
    %get3A_2 = arith.constant 0 : index
    %get3A_3 = vector.load %arg2[%get3A, %get3A_0, %get3A_1, %get3A_2] : memref<1x19x256x512xf32, #tpu.memory_space<vmem>>, vector<1x19x256x512xf32>
    %get3A_4 = vector.shape_cast %get3A_3 : vector<1x19x256x512xf32> to vector<19x256x512xf32>
    %get3A_5 = arith.constant 0 : index
    %get3A_6 = arith.constant 0 : index
    %get3A_7 = arith.constant 0 : index
    %get3A_8 = vector.load %arg3[%get3A_5, %get3A_6, %get3A_7] : memref<1x256x512xi32, #tpu.memory_space<vmem>>, vector<1x256x512xi32>
    %get3A_9 = vector.shape_cast %get3A_8 : vector<1x256x512xi32> to vector<256x512xi32>
    %exp3A = math.exp %get3A_4 : vector<19x256x512xf32>
    %reduce_sum3A = arith.constant dense<0.000000e+00> : vector<256x512xf32>
    %reduce_sum3A_10 = vector.multi_reduction <add>, %exp3A, %reduce_sum3A [0] : vector<19x256x512xf32> to vector<256x512xf32>
    %broadcast_in_dim3A = arith.constant 0.000000e+00 : f32
    %broadcast_in_dim3A_11 = vector.broadcast %broadcast_in_dim3A : f32 to vector<256x512xf32>
    %eq3A = arith.constant 0 : i32
    %eq3A_12 = vector.broadcast %eq3A : i32 to vector<256x512xi32>
    %eq3A_13 = arith.cmpi eq, %get3A_9, %eq3A_12 : vector<256x512xi32>
    %slice3A = vector.extract_strided_slice %get3A_4 {offsets = [0, 0, 0], sizes = [1, 256, 512], strides = [1, 1, 1]} : vector<19x256x512xf32> to vector<1x256x512xf32>
    %squeeze3A = vector.shape_cast %slice3A : vector<1x256x512xf32> to vector<256x512xf32>
    %jit3A = arith.constant 0.000000e+00 : f32
    %broadcast_in_dim3A_14 = vector.broadcast %jit3A : f32 to vector<256x512xf32>
    %select_n3A = arith.select %eq3A_13, %squeeze3A, %broadcast_in_dim3A_14 : vector<256x512xi1>, vector<256x512xf32>
    %add3A = arith.addf %broadcast_in_dim3A_11, %select_n3A : vector<256x512xf32>
    %eq3A_15 = arith.constant 1 : i32
    %eq3A_16 = vector.broadcast %eq3A_15 : i32 to vector<256x512xi32>
    %eq3A_17 = arith.cmpi eq, %get3A_9, %eq3A_16 : vector<256x512xi32>
    %slice3A_18 = vector.extract_strided_slice %get3A_4 {offsets = [1, 0, 0], sizes = [1, 256, 512], strides = [1, 1, 1]} : vector<19x256x512xf32> to vector<1x256x512xf32>
    %squeeze3A_19 = vector.shape_cast %slice3A_18 : vector<1x256x512xf32> to vector<256x512xf32>
    %jit3A_20 = arith.constant 0.000000e+00 : f32
    %broadcast_in_dim3A_21 = vector.broadcast %jit3A_20 : f32 to vector<256x512xf32>
    %select_n3A_22 = arith.select %eq3A_17, %squeeze3A_19, %broadcast_in_dim3A_21 : vector<256x512xi1>, vector<256x512xf32>
    %add3A_23 = arith.addf %add3A, %select_n3A_22 : vector<256x512xf32>
    %eq3A_24 = arith.constant 2 : i32
    %eq3A_25 = vector.broadcast %eq3A_24 : i32 to vector<256x512xi32>
    %eq3A_26 = arith.cmpi eq, %get3A_9, %eq3A_25 : vector<256x512xi32>
    %slice3A_27 = vector.extract_strided_slice %get3A_4 {offsets = [2, 0, 0], sizes = [1, 256, 512], strides = [1, 1, 1]} : vector<19x256x512xf32> to vector<1x256x512xf32>
    %squeeze3A_28 = vector.shape_cast %slice3A_27 : vector<1x256x512xf32> to vector<256x512xf32>
    %jit3A_29 = arith.constant 0.000000e+00 : f32
    %broadcast_in_dim3A_30 = vector.broadcast %jit3A_29 : f32 to vector<256x512xf32>
    %select_n3A_31 = arith.select %eq3A_26, %squeeze3A_28, %broadcast_in_dim3A_30 : vector<256x512xi1>, vector<256x512xf32>
    %add3A_32 = arith.addf %add3A_23, %select_n3A_31 : vector<256x512xf32>
    %eq3A_33 = arith.constant 3 : i32
    %eq3A_34 = vector.broadcast %eq3A_33 : i32 to vector<256x512xi32>
    %eq3A_35 = arith.cmpi eq, %get3A_9, %eq3A_34 : vector<256x512xi32>
    %slice3A_36 = vector.extract_strided_slice %get3A_4 {offsets = [3, 0, 0], sizes = [1, 256, 512], strides = [1, 1, 1]} : vector<19x256x512xf32> to vector<1x256x512xf32>
    %squeeze3A_37 = vector.shape_cast %slice3A_36 : vector<1x256x512xf32> to vector<256x512xf32>
    %jit3A_38 = arith.constant 0.000000e+00 : f32
    %broadcast_in_dim3A_39 = vector.broadcast %jit3A_38 : f32 to vector<256x512xf32>
    %select_n3A_40 = arith.select %eq3A_35, %squeeze3A_37, %broadcast_in_dim3A_39 : vector<256x512xi1>, vector<256x512xf32>
    %add3A_41 = arith.addf %add3A_32, %select_n3A_40 : vector<256x512xf32>
    %eq3A_42 = arith.constant 4 : i32
    %eq3A_43 = vector.broadcast %eq3A_42 : i32 to vector<256x512xi32>
    %eq3A_44 = arith.cmpi eq, %get3A_9, %eq3A_43 : vector<256x512xi32>
    %slice3A_45 = vector.extract_strided_slice %get3A_4 {offsets = [4, 0, 0], sizes = [1, 256, 512], strides = [1, 1, 1]} : vector<19x256x512xf32> to vector<1x256x512xf32>
    %squeeze3A_46 = vector.shape_cast %slice3A_45 : vector<1x256x512xf32> to vector<256x512xf32>
    %jit3A_47 = arith.constant 0.000000e+00 : f32
    %broadcast_in_dim3A_48 = vector.broadcast %jit3A_47 : f32 to vector<256x512xf32>
    %select_n3A_49 = arith.select %eq3A_44, %squeeze3A_46, %broadcast_in_dim3A_48 : vector<256x512xi1>, vector<256x512xf32>
    %add3A_50 = arith.addf %add3A_41, %select_n3A_49 : vector<256x512xf32>
    %eq3A_51 = arith.constant 5 : i32
    %eq3A_52 = vector.broadcast %eq3A_51 : i32 to vector<256x512xi32>
    %eq3A_53 = arith.cmpi eq, %get3A_9, %eq3A_52 : vector<256x512xi32>
    %slice3A_54 = vector.extract_strided_slice %get3A_4 {offsets = [5, 0, 0], sizes = [1, 256, 512], strides = [1, 1, 1]} : vector<19x256x512xf32> to vector<1x256x512xf32>
    %squeeze3A_55 = vector.shape_cast %slice3A_54 : vector<1x256x512xf32> to vector<256x512xf32>
    %jit3A_56 = arith.constant 0.000000e+00 : f32
    %broadcast_in_dim3A_57 = vector.broadcast %jit3A_56 : f32 to vector<256x512xf32>
    %select_n3A_58 = arith.select %eq3A_53, %squeeze3A_55, %broadcast_in_dim3A_57 : vector<256x512xi1>, vector<256x512xf32>
    %add3A_59 = arith.addf %add3A_50, %select_n3A_58 : vector<256x512xf32>
    %eq3A_60 = arith.constant 6 : i32
    %eq3A_61 = vector.broadcast %eq3A_60 : i32 to vector<256x512xi32>
    %eq3A_62 = arith.cmpi eq, %get3A_9, %eq3A_61 : vector<256x512xi32>
    %slice3A_63 = vector.extract_strided_slice %get3A_4 {offsets = [6, 0, 0], sizes = [1, 256, 512], strides = [1, 1, 1]} : vector<19x256x512xf32> to vector<1x256x512xf32>
    %squeeze3A_64 = vector.shape_cast %slice3A_63 : vector<1x256x512xf32> to vector<256x512xf32>
    %jit3A_65 = arith.constant 0.000000e+00 : f32
    %broadcast_in_dim3A_66 = vector.broadcast %jit3A_65 : f32 to vector<256x512xf32>
    %select_n3A_67 = arith.select %eq3A_62, %squeeze3A_64, %broadcast_in_dim3A_66 : vector<256x512xi1>, vector<256x512xf32>
    %add3A_68 = arith.addf %add3A_59, %select_n3A_67 : vector<256x512xf32>
    %eq3A_69 = arith.constant 7 : i32
    %eq3A_70 = vector.broadcast %eq3A_69 : i32 to vector<256x512xi32>
    %eq3A_71 = arith.cmpi eq, %get3A_9, %eq3A_70 : vector<256x512xi32>
    %slice3A_72 = vector.extract_strided_slice %get3A_4 {offsets = [7, 0, 0], sizes = [1, 256, 512], strides = [1, 1, 1]} : vector<19x256x512xf32> to vector<1x256x512xf32>
    %squeeze3A_73 = vector.shape_cast %slice3A_72 : vector<1x256x512xf32> to vector<256x512xf32>
    %jit3A_74 = arith.constant 0.000000e+00 : f32
    %broadcast_in_dim3A_75 = vector.broadcast %jit3A_74 : f32 to vector<256x512xf32>
    %select_n3A_76 = arith.select %eq3A_71, %squeeze3A_73, %broadcast_in_dim3A_75 : vector<256x512xi1>, vector<256x512xf32>
    %add3A_77 = arith.addf %add3A_68, %select_n3A_76 : vector<256x512xf32>
    %eq3A_78 = arith.constant 8 : i32
    %eq3A_79 = vector.broadcast %eq3A_78 : i32 to vector<256x512xi32>
    %eq3A_80 = arith.cmpi eq, %get3A_9, %eq3A_79 : vector<256x512xi32>
    %slice3A_81 = vector.extract_strided_slice %get3A_4 {offsets = [8, 0, 0], sizes = [1, 256, 512], strides = [1, 1, 1]} : vector<19x256x512xf32> to vector<1x256x512xf32>
    %squeeze3A_82 = vector.shape_cast %slice3A_81 : vector<1x256x512xf32> to vector<256x512xf32>
    %jit3A_83 = arith.constant 0.000000e+00 : f32
    %broadcast_in_dim3A_84 = vector.broadcast %jit3A_83 : f32 to vector<256x512xf32>
    %select_n3A_85 = arith.select %eq3A_80, %squeeze3A_82, %broadcast_in_dim3A_84 : vector<256x512xi1>, vector<256x512xf32>
    %add3A_86 = arith.addf %add3A_77, %select_n3A_85 : vector<256x512xf32>
    %eq3A_87 = arith.constant 9 : i32
    %eq3A_88 = vector.broadcast %eq3A_87 : i32 to vector<256x512xi32>
    %eq3A_89 = arith.cmpi eq, %get3A_9, %eq3A_88 : vector<256x512xi32>
    %slice3A_90 = vector.extract_strided_slice %get3A_4 {offsets = [9, 0, 0], sizes = [1, 256, 512], strides = [1, 1, 1]} : vector<19x256x512xf32> to vector<1x256x512xf32>
    %squeeze3A_91 = vector.shape_cast %slice3A_90 : vector<1x256x512xf32> to vector<256x512xf32>
    %jit3A_92 = arith.constant 0.000000e+00 : f32
    %broadcast_in_dim3A_93 = vector.broadcast %jit3A_92 : f32 to vector<256x512xf32>
    %select_n3A_94 = arith.select %eq3A_89, %squeeze3A_91, %broadcast_in_dim3A_93 : vector<256x512xi1>, vector<256x512xf32>
    %add3A_95 = arith.addf %add3A_86, %select_n3A_94 : vector<256x512xf32>
    %eq3A_96 = arith.constant 10 : i32
    %eq3A_97 = vector.broadcast %eq3A_96 : i32 to vector<256x512xi32>
    %eq3A_98 = arith.cmpi eq, %get3A_9, %eq3A_97 : vector<256x512xi32>
    %slice3A_99 = vector.extract_strided_slice %get3A_4 {offsets = [10, 0, 0], sizes = [1, 256, 512], strides = [1, 1, 1]} : vector<19x256x512xf32> to vector<1x256x512xf32>
    %squeeze3A_100 = vector.shape_cast %slice3A_99 : vector<1x256x512xf32> to vector<256x512xf32>
    %jit3A_101 = arith.constant 0.000000e+00 : f32
    %broadcast_in_dim3A_102 = vector.broadcast %jit3A_101 : f32 to vector<256x512xf32>
    %select_n3A_103 = arith.select %eq3A_98, %squeeze3A_100, %broadcast_in_dim3A_102 : vector<256x512xi1>, vector<256x512xf32>
    %add3A_104 = arith.addf %add3A_95, %select_n3A_103 : vector<256x512xf32>
    %eq3A_105 = arith.constant 11 : i32
    %eq3A_106 = vector.broadcast %eq3A_105 : i32 to vector<256x512xi32>
    %eq3A_107 = arith.cmpi eq, %get3A_9, %eq3A_106 : vector<256x512xi32>
    %slice3A_108 = vector.extract_strided_slice %get3A_4 {offsets = [11, 0, 0], sizes = [1, 256, 512], strides = [1, 1, 1]} : vector<19x256x512xf32> to vector<1x256x512xf32>
    %squeeze3A_109 = vector.shape_cast %slice3A_108 : vector<1x256x512xf32> to vector<256x512xf32>
    %jit3A_110 = arith.constant 0.000000e+00 : f32
    %broadcast_in_dim3A_111 = vector.broadcast %jit3A_110 : f32 to vector<256x512xf32>
    %select_n3A_112 = arith.select %eq3A_107, %squeeze3A_109, %broadcast_in_dim3A_111 : vector<256x512xi1>, vector<256x512xf32>
    %add3A_113 = arith.addf %add3A_104, %select_n3A_112 : vector<256x512xf32>
    %eq3A_114 = arith.constant 12 : i32
    %eq3A_115 = vector.broadcast %eq3A_114 : i32 to vector<256x512xi32>
    %eq3A_116 = arith.cmpi eq, %get3A_9, %eq3A_115 : vector<256x512xi32>
    %slice3A_117 = vector.extract_strided_slice %get3A_4 {offsets = [12, 0, 0], sizes = [1, 256, 512], strides = [1, 1, 1]} : vector<19x256x512xf32> to vector<1x256x512xf32>
    %squeeze3A_118 = vector.shape_cast %slice3A_117 : vector<1x256x512xf32> to vector<256x512xf32>
    %jit3A_119 = arith.constant 0.000000e+00 : f32
    %broadcast_in_dim3A_120 = vector.broadcast %jit3A_119 : f32 to vector<256x512xf32>
    %select_n3A_121 = arith.select %eq3A_116, %squeeze3A_118, %broadcast_in_dim3A_120 : vector<256x512xi1>, vector<256x512xf32>
    %add3A_122 = arith.addf %add3A_113, %select_n3A_121 : vector<256x512xf32>
    %eq3A_123 = arith.constant 13 : i32
    %eq3A_124 = vector.broadcast %eq3A_123 : i32 to vector<256x512xi32>
    %eq3A_125 = arith.cmpi eq, %get3A_9, %eq3A_124 : vector<256x512xi32>
    %slice3A_126 = vector.extract_strided_slice %get3A_4 {offsets = [13, 0, 0], sizes = [1, 256, 512], strides = [1, 1, 1]} : vector<19x256x512xf32> to vector<1x256x512xf32>
    %squeeze3A_127 = vector.shape_cast %slice3A_126 : vector<1x256x512xf32> to vector<256x512xf32>
    %jit3A_128 = arith.constant 0.000000e+00 : f32
    %broadcast_in_dim3A_129 = vector.broadcast %jit3A_128 : f32 to vector<256x512xf32>
    %select_n3A_130 = arith.select %eq3A_125, %squeeze3A_127, %broadcast_in_dim3A_129 : vector<256x512xi1>, vector<256x512xf32>
    %add3A_131 = arith.addf %add3A_122, %select_n3A_130 : vector<256x512xf32>
    %eq3A_132 = arith.constant 14 : i32
    %eq3A_133 = vector.broadcast %eq3A_132 : i32 to vector<256x512xi32>
    %eq3A_134 = arith.cmpi eq, %get3A_9, %eq3A_133 : vector<256x512xi32>
    %slice3A_135 = vector.extract_strided_slice %get3A_4 {offsets = [14, 0, 0], sizes = [1, 256, 512], strides = [1, 1, 1]} : vector<19x256x512xf32> to vector<1x256x512xf32>
    %squeeze3A_136 = vector.shape_cast %slice3A_135 : vector<1x256x512xf32> to vector<256x512xf32>
    %jit3A_137 = arith.constant 0.000000e+00 : f32
    %broadcast_in_dim3A_138 = vector.broadcast %jit3A_137 : f32 to vector<256x512xf32>
    %select_n3A_139 = arith.select %eq3A_134, %squeeze3A_136, %broadcast_in_dim3A_138 : vector<256x512xi1>, vector<256x512xf32>
    %add3A_140 = arith.addf %add3A_131, %select_n3A_139 : vector<256x512xf32>
    %eq3A_141 = arith.constant 15 : i32
    %eq3A_142 = vector.broadcast %eq3A_141 : i32 to vector<256x512xi32>
    %eq3A_143 = arith.cmpi eq, %get3A_9, %eq3A_142 : vector<256x512xi32>
    %slice3A_144 = vector.extract_strided_slice %get3A_4 {offsets = [15, 0, 0], sizes = [1, 256, 512], strides = [1, 1, 1]} : vector<19x256x512xf32> to vector<1x256x512xf32>
    %squeeze3A_145 = vector.shape_cast %slice3A_144 : vector<1x256x512xf32> to vector<256x512xf32>
    %jit3A_146 = arith.constant 0.000000e+00 : f32
    %broadcast_in_dim3A_147 = vector.broadcast %jit3A_146 : f32 to vector<256x512xf32>
    %select_n3A_148 = arith.select %eq3A_143, %squeeze3A_145, %broadcast_in_dim3A_147 : vector<256x512xi1>, vector<256x512xf32>
    %add3A_149 = arith.addf %add3A_140, %select_n3A_148 : vector<256x512xf32>
    %eq3A_150 = arith.constant 16 : i32
    %eq3A_151 = vector.broadcast %eq3A_150 : i32 to vector<256x512xi32>
    %eq3A_152 = arith.cmpi eq, %get3A_9, %eq3A_151 : vector<256x512xi32>
    %slice3A_153 = vector.extract_strided_slice %get3A_4 {offsets = [16, 0, 0], sizes = [1, 256, 512], strides = [1, 1, 1]} : vector<19x256x512xf32> to vector<1x256x512xf32>
    %squeeze3A_154 = vector.shape_cast %slice3A_153 : vector<1x256x512xf32> to vector<256x512xf32>
    %jit3A_155 = arith.constant 0.000000e+00 : f32
    %broadcast_in_dim3A_156 = vector.broadcast %jit3A_155 : f32 to vector<256x512xf32>
    %select_n3A_157 = arith.select %eq3A_152, %squeeze3A_154, %broadcast_in_dim3A_156 : vector<256x512xi1>, vector<256x512xf32>
    %add3A_158 = arith.addf %add3A_149, %select_n3A_157 : vector<256x512xf32>
    %eq3A_159 = arith.constant 17 : i32
    %eq3A_160 = vector.broadcast %eq3A_159 : i32 to vector<256x512xi32>
    %eq3A_161 = arith.cmpi eq, %get3A_9, %eq3A_160 : vector<256x512xi32>
    %slice3A_162 = vector.extract_strided_slice %get3A_4 {offsets = [17, 0, 0], sizes = [1, 256, 512], strides = [1, 1, 1]} : vector<19x256x512xf32> to vector<1x256x512xf32>
    %squeeze3A_163 = vector.shape_cast %slice3A_162 : vector<1x256x512xf32> to vector<256x512xf32>
    %jit3A_164 = arith.constant 0.000000e+00 : f32
    %broadcast_in_dim3A_165 = vector.broadcast %jit3A_164 : f32 to vector<256x512xf32>
    %select_n3A_166 = arith.select %eq3A_161, %squeeze3A_163, %broadcast_in_dim3A_165 : vector<256x512xi1>, vector<256x512xf32>
    %add3A_167 = arith.addf %add3A_158, %select_n3A_166 : vector<256x512xf32>
    %eq3A_168 = arith.constant 18 : i32
    %eq3A_169 = vector.broadcast %eq3A_168 : i32 to vector<256x512xi32>
    %eq3A_170 = arith.cmpi eq, %get3A_9, %eq3A_169 : vector<256x512xi32>
    %slice3A_171 = vector.extract_strided_slice %get3A_4 {offsets = [18, 0, 0], sizes = [1, 256, 512], strides = [1, 1, 1]} : vector<19x256x512xf32> to vector<1x256x512xf32>
    %squeeze3A_172 = vector.shape_cast %slice3A_171 : vector<1x256x512xf32> to vector<256x512xf32>
    %jit3A_173 = arith.constant 0.000000e+00 : f32
    %broadcast_in_dim3A_174 = vector.broadcast %jit3A_173 : f32 to vector<256x512xf32>
    %select_n3A_175 = arith.select %eq3A_170, %squeeze3A_172, %broadcast_in_dim3A_174 : vector<256x512xi1>, vector<256x512xf32>
    %add3A_176 = arith.addf %add3A_167, %select_n3A_175 : vector<256x512xf32>
    %log3A = math.log %reduce_sum3A_10 : vector<256x512xf32>
    %sub3A = arith.subf %log3A, %add3A_176 : vector<256x512xf32>
    %swap3A = arith.constant 0 : index
    %swap3A_177 = arith.constant 0 : index
    %swap3A_178 = arith.constant 0 : index
    %swap3A_179 = vector.load %arg4[%swap3A, %swap3A_177, %swap3A_178] : memref<1x256x512xf32, #tpu.memory_space<vmem>>, vector<1x256x512xf32>
    %swap3A_180 = vector.shape_cast %swap3A_179 : vector<1x256x512xf32> to vector<256x512xf32>
    %swap3A_181 = vector.shape_cast %sub3A : vector<256x512xf32> to vector<1x256x512xf32>
    tpu.vector_store %arg4[%swap3A, %swap3A_177, %swap3A_178], %swap3A_181 {strides = array<i32>} : memref<1x256x512xf32, #tpu.memory_space<vmem>>, vector<1x256x512xf32>,
    %ge3A = arith.constant 0.356674969 : f32
    %ge3A_182 = vector.broadcast %ge3A : f32 to vector<256x512xf32>
    %ge3A_183 = arith.cmpf oge, %sub3A, %ge3A_182 : vector<256x512xf32>
    %convert_element_type3A = arith.extui %ge3A_183 : vector<256x512xi1> to vector<256x512xi32>
    %convert_element_type3A_184 = arith.sitofp %convert_element_type3A : vector<256x512xi32> to vector<256x512xf32>
    %reduce_sum3A_185 = vector.shape_cast %convert_element_type3A_184 : vector<256x512xf32> to vector<1x256x512xf32>
    %reduce_sum3A_186 = arith.constant dense<0.000000e+00> : vector<1xf32>
    %reduce_sum3A_187 = vector.multi_reduction <add>, %reduce_sum3A_185, %reduce_sum3A_186 [1, 2] : vector<1x256x512xf32> to vector<1xf32>
    %reduce_sum3A_188 = vector.shape_cast %reduce_sum3A_187 : vector<1xf32> to vector<1x1x1xf32>
    %reduce_sum3A_189 = vector.extract %reduce_sum3A_188[0, 0, 0] : f32 from vector<1x1x1xf32>
    %jit3A_190 = arith.constant 0.000000e+00 : f32
    %broadcast_in_dim3A_191 = vector.broadcast %jit3A_190 : f32 to vector<256x512xf32>
    %select_n3A_192 = arith.select %ge3A_183, %sub3A, %broadcast_in_dim3A_191 : vector<256x512xi1>, vector<256x512xf32>
    %reduce_sum3A_193 = vector.shape_cast %select_n3A_192 : vector<256x512xf32> to vector<1x256x512xf32>
    %reduce_sum3A_194 = arith.constant dense<0.000000e+00> : vector<1xf32>
    %reduce_sum3A_195 = vector.multi_reduction <add>, %reduce_sum3A_193, %reduce_sum3A_194 [1, 2] : vector<1x256x512xf32> to vector<1xf32>
    %reduce_sum3A_196 = vector.shape_cast %reduce_sum3A_195 : vector<1xf32> to vector<1x1x1xf32>
    %reduce_sum3A_197 = vector.extract %reduce_sum3A_196[0, 0, 0] : f32 from vector<1x1x1xf32>
    %eq3A_198 = arith.constant 0 : i32
    %eq3A_199 = arith.cmpi eq, %arg0, %eq3A_198 : i32
    %eq3A_200 = arith.constant 0 : i32
    %eq3A_201 = arith.cmpi eq, %arg1, %eq3A_200 : i32
    %and3A = arith.andi %eq3A_199, %eq3A_201 : i1
    %convert_element_type3A_202 = arith.extui %and3A : i1 to i32
    %cond3A = arith.constant 0 : i32
    %cond3A_203 = arith.cmpi ne, %convert_element_type3A_202, %cond3A : i32
    scf.if %cond3A_203 {
      %swap3A_226 = arith.constant 0.000000e+00 : f32
      %swap3A_227 = arith.constant 0 : index
      %swap3A_228 = arith.constant 0 : index
      %swap3A_229 = memref.load %arg5[%swap3A_227, %swap3A_228] : memref<1x1xf32, #tpu.memory_space<smem>>
      memref.store %swap3A_226, %arg5[%swap3A_227, %swap3A_228] : memref<1x1xf32, #tpu.memory_space<smem>>
      %swap3A_230 = arith.constant 0.000000e+00 : f32
      %swap3A_231 = arith.constant 0 : index
      %swap3A_232 = arith.constant 0 : index
      %swap3A_233 = memref.load %arg6[%swap3A_231, %swap3A_232] : memref<1x1xf32, #tpu.memory_space<smem>>
      memref.store %swap3A_230, %arg6[%swap3A_231, %swap3A_232] : memref<1x1xf32, #tpu.memory_space<smem>>
    } else {
    }
    %get3A_204 = arith.constant 0 : index
    %get3A_205 = arith.constant 0 : index
    %get3A_206 = memref.load %arg5[%get3A_204, %get3A_205] : memref<1x1xf32, #tpu.memory_space<smem>>
    %add3A_207 = arith.addf %get3A_206, %reduce_sum3A_189 : f32
    %swap3A_208 = arith.constant 0 : index
    %swap3A_209 = arith.constant 0 : index
    %swap3A_210 = memref.load %arg5[%swap3A_208, %swap3A_209] : memref<1x1xf32, #tpu.memory_space<smem>>
    memref.store %add3A_207, %arg5[%swap3A_208, %swap3A_209] : memref<1x1xf32, #tpu.memory_space<smem>>
    %get3A_211 = arith.constant 0 : index
    %get3A_212 = arith.constant 0 : index
    %get3A_213 = memref.load %arg6[%get3A_211, %get3A_212] : memref<1x1xf32, #tpu.memory_space<smem>>
    %add3A_214 = arith.addf %get3A_213, %reduce_sum3A_197 : f32
    %swap3A_215 = arith.constant 0 : index
    %swap3A_216 = arith.constant 0 : index
    %swap3A_217 = memref.load %arg6[%swap3A_215, %swap3A_216] : memref<1x1xf32, #tpu.memory_space<smem>>
    memref.store %add3A_214, %arg6[%swap3A_215, %swap3A_216] : memref<1x1xf32, #tpu.memory_space<smem>>
    %eq3A_218 = arith.constant 7 : i32
    %eq3A_219 = arith.cmpi eq, %arg0, %eq3A_218 : i32
    %eq3A_220 = arith.constant 1 : i32
    %eq3A_221 = arith.cmpi eq, %arg1, %eq3A_220 : i32
    %and3A_222 = arith.andi %eq3A_219, %eq3A_221 : i1
    %convert_element_type3A_223 = arith.extui %and3A_222 : i1 to i32
    %cond3A_224 = arith.constant 0 : i32
    %cond3A_225 = arith.cmpi ne, %convert_element_type3A_223, %cond3A_224 : i32
    scf.if %cond3A_225 {
      %get3A_226 = arith.constant 0 : index
      %get3A_227 = arith.constant 0 : index
      %get3A_228 = memref.load %arg6[%get3A_226, %get3A_227] : memref<1x1xf32, #tpu.memory_space<smem>>
      %get3A_229 = arith.constant 0 : index
      %get3A_230 = arith.constant 0 : index
      %get3A_231 = memref.load %arg5[%get3A_229, %get3A_230] : memref<1x1xf32, #tpu.memory_space<smem>>
      %max3A = arith.constant 1.000000e+00 : f32
      %max3A_232 = arith.maximumf %get3A_231, %max3A : f32
      %div3A = arith.divf %get3A_228, %max3A_232 : f32
      %swap3A_233 = arith.constant 0 : index
      %swap3A_234 = arith.constant 0 : index
      %swap3A_235 = memref.load %arg7[%swap3A_233, %swap3A_234] : memref<1x1xf32, #tpu.memory_space<smem>>
      memref.store %div3A, %arg7[%swap3A_233, %swap3A_234] : memref<1x1xf32, #tpu.memory_space<smem>>
    } else {
    }
    return
  }
  func.func @transform_0(%arg0: i32, %arg1: i32) -> (i32, i32, i32, i32) {
    %c0_i32 = arith.constant 0 : i32
    %c0_i32_0 = arith.constant 0 : i32
    %c0_i32_1 = arith.constant 0 : i32
    return %arg0, %c0_i32, %arg1, %c0_i32_0 : i32, i32, i32, i32
  }
  func.func @transform_1(%arg0: i32, %arg1: i32) -> (i32, i32, i32) {
    %c0_i32 = arith.constant 0 : i32
    %c0_i32_0 = arith.constant 0 : i32
    return %arg0, %arg1, %c0_i32 : i32, i32, i32
  }
  func.func @transform_2(%arg0: i32, %arg1: i32) -> (i32, i32, i32) {
    %c0_i32 = arith.constant 0 : i32
    %c0_i32_0 = arith.constant 0 : i32
    return %arg0, %arg1, %c0_i32 : i32, i32, i32
  }
  func.func @transform_3(%arg0: i32, %arg1: i32) -> (i32, i32) {
    %c0_i32 = arith.constant 0 : i32
    %c0_i32_0 = arith.constant 0 : i32
    %c0_i32_1 = arith.constant 0 : i32
    return %c0_i32, %c0_i32_0 : i32, i32
  }
  func.func @transform_4(%arg0: i32, %arg1: i32) -> (i32, i32) {
    %c0_i32 = arith.constant 0 : i32
    %c0_i32_0 = arith.constant 0 : i32
    %c0_i32_1 = arith.constant 0 : i32
    return %c0_i32, %c0_i32_0 : i32, i32
  }
  func.func @transform_5(%arg0: i32, %arg1: i32) -> (i32, i32) {
    %c0_i32 = arith.constant 0 : i32
    %c0_i32_0 = arith.constant 0 : i32
    %c0_i32_1 = arith.constant 0 : i32
    return %c0_i32, %c0_i32_0 : i32, i32
  }
}

module attributes {stable_mosaic.version = 14 : i64} {
  func.func @_rare_pre_body(%arg0: memref<32x2048xf32, #tpu.memory_space<vmem>>, %arg1: memref<1x1xf32, #tpu.memory_space<smem>>, %arg2: memref<1x1xi32, #tpu.memory_space<smem>>, %arg3: memref<1x1xf32, #tpu.memory_space<smem>>) attributes {dimension_semantics = [], scalar_prefetch = 0 : i64, scratch_operands = 0 : i64, tpu.core_type = #tpu.core_type<tc>} {
    %get3A = arith.constant 0 : index
    %get3A_0 = arith.constant 0 : index
    %get3A_1 = vector.load %arg0[%get3A, %get3A_0] : memref<32x2048xf32, #tpu.memory_space<vmem>>, vector<32x2048xf32>
    %reduce_sum3A = arith.constant dense<0.000000e+00> : vector<2048xf32>
    %reduce_sum3A_2 = vector.multi_reduction <add>, %get3A_1, %reduce_sum3A [0] : vector<32x2048xf32> to vector<2048xf32>
    %broadcast_in_dim3A = vector.shape_cast %reduce_sum3A_2 : vector<2048xf32> to vector<1x2048xf32>
    %iota3A = tpu.iota {dimensions = array<i32: 0>} : vector<2048x2048xi32>
    %iota3A_3 = tpu.iota {dimensions = array<i32: 1>} : vector<2048x2048xi32>
    %ge3A = arith.cmpi sge, %iota3A, %iota3A_3 : vector<2048x2048xi32>
    %convert_element_type3A = arith.extui %ge3A : vector<2048x2048xi1> to vector<2048x2048xi32>
    %convert_element_type3A_4 = arith.sitofp %convert_element_type3A : vector<2048x2048xi32> to vector<2048x2048xf32>
    %dot_general3A = arith.constant dense<0.000000e+00> : vector<1x2048xf32>
    %dot_general3A_5 = tpu.matmul %broadcast_in_dim3A, %convert_element_type3A_4, %dot_general3A {dimension_numbers = #tpu.dot_dimension_numbers<[1], [0], [0], [1], [0, 0, 1, 1], [], []>, transpose_lhs_hint = false} : vector<1x2048xf32>, vector<2048x2048xf32>, vector<1x2048xf32> -> vector<1x2048xf32>
    %get3A_6 = arith.constant 0 : index
    %get3A_7 = arith.constant 0 : index
    %get3A_8 = memref.load %arg1[%get3A_6, %get3A_7] : memref<1x1xf32, #tpu.memory_space<smem>>
    %add3A = vector.broadcast %get3A_8 : f32 to vector<1x2048xf32>
    %add3A_9 = arith.addf %add3A, %dot_general3A_5 : vector<1x2048xf32>
    %ge3A_10 = arith.constant 1.000000e+05 : f32
    %ge3A_11 = vector.broadcast %ge3A_10 : f32 to vector<1x2048xf32>
    %ge3A_12 = arith.cmpf oge, %add3A_9, %ge3A_11 : vector<1x2048xf32>
    %convert_element_type3A_13 = arith.extui %ge3A_12 : vector<1x2048xi1> to vector<1x2048xi32>
    %convert_element_type3A_14 = arith.sitofp %convert_element_type3A_13 : vector<1x2048xi32> to vector<1x2048xf32>
    %reduce_sum3A_15 = vector.shape_cast %convert_element_type3A_14 : vector<1x2048xf32> to vector<1x1x2048xf32>
    %reduce_sum3A_16 = arith.constant dense<0.000000e+00> : vector<1xf32>
    %reduce_sum3A_17 = vector.multi_reduction <add>, %reduce_sum3A_15, %reduce_sum3A_16 [1, 2] : vector<1x1x2048xf32> to vector<1xf32>
    %reduce_sum3A_18 = vector.shape_cast %reduce_sum3A_17 : vector<1xf32> to vector<1x1x1xf32>
    %reduce_sum3A_19 = vector.extract %reduce_sum3A_18[0, 0, 0] : f32 from vector<1x1x1xf32>
    %convert_element_type3A_20 = arith.fptosi %reduce_sum3A_19 : f32 to i32
    %sub3A = arith.constant 1 : i32
    %sub3A_21 = arith.subi %convert_element_type3A_20, %sub3A : i32
    %swap3A = arith.constant 0 : index
    %swap3A_22 = arith.constant 0 : index
    %swap3A_23 = memref.load %arg2[%swap3A, %swap3A_22] : memref<1x1xi32, #tpu.memory_space<smem>>
    memref.store %sub3A_21, %arg2[%swap3A, %swap3A_22] : memref<1x1xi32, #tpu.memory_space<smem>>
    %iota3A_24 = tpu.iota {dimensions = array<i32: 1>} : vector<1x2048xi32>
    %eq3A = vector.broadcast %sub3A_21 : i32 to vector<1x2048xi32>
    %eq3A_25 = arith.cmpi eq, %iota3A_24, %eq3A : vector<1x2048xi32>
    %convert_element_type3A_26 = arith.extui %eq3A_25 : vector<1x2048xi1> to vector<1x2048xi32>
    %convert_element_type3A_27 = arith.sitofp %convert_element_type3A_26 : vector<1x2048xi32> to vector<1x2048xf32>
    %mul3A = arith.mulf %dot_general3A_5, %convert_element_type3A_27 : vector<1x2048xf32>
    %reduce_sum3A_28 = vector.shape_cast %mul3A : vector<1x2048xf32> to vector<1x1x2048xf32>
    %reduce_sum3A_29 = arith.constant dense<0.000000e+00> : vector<1xf32>
    %reduce_sum3A_30 = vector.multi_reduction <add>, %reduce_sum3A_28, %reduce_sum3A_29 [1, 2] : vector<1x1x2048xf32> to vector<1xf32>
    %reduce_sum3A_31 = vector.shape_cast %reduce_sum3A_30 : vector<1xf32> to vector<1x1x1xf32>
    %reduce_sum3A_32 = vector.extract %reduce_sum3A_31[0, 0, 0] : f32 from vector<1x1x1xf32>
    %add3A_33 = arith.addf %get3A_8, %reduce_sum3A_32 : f32
    %iota3A_34 = tpu.iota {dimensions = array<i32: 1>} : vector<1x2048xi32>
    %eq3A_35 = vector.broadcast %sub3A_21 : i32 to vector<1x2048xi32>
    %eq3A_36 = arith.cmpi eq, %iota3A_34, %eq3A_35 : vector<1x2048xi32>
    %convert_element_type3A_37 = arith.extui %eq3A_36 : vector<1x2048xi1> to vector<1x2048xi32>
    %convert_element_type3A_38 = arith.sitofp %convert_element_type3A_37 : vector<1x2048xi32> to vector<1x2048xf32>
    %mul3A_39 = arith.mulf %broadcast_in_dim3A, %convert_element_type3A_38 : vector<1x2048xf32>
    %reduce_sum3A_40 = vector.shape_cast %mul3A_39 : vector<1x2048xf32> to vector<1x1x2048xf32>
    %reduce_sum3A_41 = arith.constant dense<0.000000e+00> : vector<1xf32>
    %reduce_sum3A_42 = vector.multi_reduction <add>, %reduce_sum3A_40, %reduce_sum3A_41 [1, 2] : vector<1x1x2048xf32> to vector<1xf32>
    %reduce_sum3A_43 = vector.shape_cast %reduce_sum3A_42 : vector<1xf32> to vector<1x1x1xf32>
    %reduce_sum3A_44 = vector.extract %reduce_sum3A_43[0, 0, 0] : f32 from vector<1x1x1xf32>
    %sub3A_45 = arith.subf %add3A_33, %reduce_sum3A_44 : f32
    %swap3A_46 = arith.constant 0 : index
    %swap3A_47 = arith.constant 0 : index
    %swap3A_48 = memref.load %arg3[%swap3A_46, %swap3A_47] : memref<1x1xf32, #tpu.memory_space<smem>>
    memref.store %sub3A_45, %arg3[%swap3A_46, %swap3A_47] : memref<1x1xf32, #tpu.memory_space<smem>>
    return
  }
}

module attributes {stable_mosaic.version = 14 : i64} {
  func.func @_rare_div_body(%arg0: memref<32x16xf32, #tpu.memory_space<vmem>>, %arg1: memref<32x16xf32, #tpu.memory_space<vmem>>, %arg2: memref<1x1xf32, #tpu.memory_space<smem>>, %arg3: memref<1x1xf32, #tpu.memory_space<smem>>, %arg4: memref<1x1xf32, #tpu.memory_space<smem>>) attributes {dimension_semantics = [], scalar_prefetch = 0 : i64, scratch_operands = 0 : i64, tpu.core_type = #tpu.core_type<tc>} {
    %get3A = arith.constant 0 : index
    %get3A_0 = arith.constant 0 : index
    %get3A_1 = vector.load %arg0[%get3A, %get3A_0] : memref<32x16xf32, #tpu.memory_space<vmem>>, vector<32x16xf32>
    %reduce_sum3A = vector.shape_cast %get3A_1 : vector<32x16xf32> to vector<1x32x16xf32>
    %reduce_sum3A_2 = arith.constant dense<0.000000e+00> : vector<1xf32>
    %reduce_sum3A_3 = vector.multi_reduction <add>, %reduce_sum3A, %reduce_sum3A_2 [1, 2] : vector<1x32x16xf32> to vector<1xf32>
    %reduce_sum3A_4 = vector.shape_cast %reduce_sum3A_3 : vector<1xf32> to vector<1x1x1xf32>
    %reduce_sum3A_5 = vector.extract %reduce_sum3A_4[0, 0, 0] : f32 from vector<1x1x1xf32>
    %get3A_6 = arith.constant 0 : index
    %get3A_7 = arith.constant 0 : index
    %get3A_8 = vector.load %arg1[%get3A_6, %get3A_7] : memref<32x16xf32, #tpu.memory_space<vmem>>, vector<32x16xf32>
    %reduce_sum3A_9 = vector.shape_cast %get3A_8 : vector<32x16xf32> to vector<1x32x16xf32>
    %reduce_sum3A_10 = arith.constant dense<0.000000e+00> : vector<1xf32>
    %reduce_sum3A_11 = vector.multi_reduction <add>, %reduce_sum3A_9, %reduce_sum3A_10 [1, 2] : vector<1x32x16xf32> to vector<1xf32>
    %reduce_sum3A_12 = vector.shape_cast %reduce_sum3A_11 : vector<1xf32> to vector<1x1x1xf32>
    %reduce_sum3A_13 = vector.extract %reduce_sum3A_12[0, 0, 0] : f32 from vector<1x1x1xf32>
    %get3A_14 = arith.constant 0 : index
    %get3A_15 = arith.constant 0 : index
    %get3A_16 = memref.load %arg3[%get3A_14, %get3A_15] : memref<1x1xf32, #tpu.memory_space<smem>>
    %add3A = arith.addf %get3A_16, %reduce_sum3A_5 : f32
    %get3A_17 = arith.constant 0 : index
    %get3A_18 = arith.constant 0 : index
    %get3A_19 = memref.load %arg2[%get3A_17, %get3A_18] : memref<1x1xf32, #tpu.memory_space<smem>>
    %add3A_20 = arith.addf %get3A_19, %reduce_sum3A_13 : f32
    %max3A = arith.constant 1.000000e+00 : f32
    %max3A_21 = arith.maximumf %add3A_20, %max3A : f32
    %div3A = arith.divf %add3A, %max3A_21 : f32
    %swap3A = arith.constant 0 : index
    %swap3A_22 = arith.constant 0 : index
    %swap3A_23 = memref.load %arg4[%swap3A, %swap3A_22] : memref<1x1xf32, #tpu.memory_space<smem>>
    memref.store %div3A, %arg4[%swap3A, %swap3A_22] : memref<1x1xf32, #tpu.memory_space<smem>>
    return
  }
}

</mosaic_0001>

<sc_bundles>
// kernel: branch_0_fun.10.cloned.1.call-start
scs
__scs_entry_jumppad:
0x0: {  	(pc) =	sbr.rel $0x88, $3  }
0x1: {  	(tag) =	ssettag $0x0;
	lr =	simm.s32 $0x1  }
0x2: {  	[smem:$0x3F9F] =	sst lr;
	_ =	strace $0xD0000000  }
0x3: {  	_ = 	snop  }
0x4: {  	_ = 	snop  }
0x5: {  	_ = 	snop  }
0x6: {  	_ = 	snop  }
0x7: {  	_ = 	snop  }
__scs_overlays_trampoline_lowered:
0x8: {  	[smem:$0x3FAE] =	sst s0  }
0x9: {  	[smem:$0x3FAF] =	sst s1  }
0xa: {  	[smem:$0x3FB0] =	sst s2  }
0xb: {  	[smem:$0x3FB1] =	sst s3  }
0xc: {  	[smem:$0x3FB2] =	sst s4  }
0xd: {  	[smem:$0x3FB3] =	sst s5  }
0xe: {  	[smem:$0x3FB4] =	sst s6  }
0xf: {  	[smem:$0x3FB5] =	sst s7  }
0x10: {  	[smem:$0x3FB6] =	sst s8  }
0x11: {  	[smem:$0x3FB7] =	sst s9;
	s0 =	simm.s32 @!p0 $0x0  }
0x12: {  	s1 =	sld [smem:$0x3F9D];
	s0 =	simm.s32 @p0 $0x1  }
0x13: {  	[smem:$0x3FB8] =	sst s0;
	s0 =	simm.s32 @!p1 $0x0  }
0x14: {  	s2 =	sld [smem:$0x3F9C];
	s0 =	simm.s32 @p1 $0x1  }
0x15: {  	[smem:$0x3FB9] =	sst s0;
	s0 =	simm.s32 @!p2 $0x0  }
0x16: {  	s3 =	sld [smem:$0x3FDB];
	s0 =	simm.s32 @p2 $0x1  }
0x17: {  	s4 =	simm.s32 $0x1BF5;
	[smem:$0x3FBB] =	sst s0  }
0x18: {  	s0 =	sld [smem:$0x3F9E];
	_ =	swait.ge [sflag:s4], $0x0  }
0x19: {  	s7 =	sld [smem:$0x3F9F]  }
0x1a: {  	s8 =	sadd.s32 $0xFFFFE003, lr  }
0x1b: {  	s9 =	sadd.s32 $0xFFFFFEF7, lr;
	s5 =	simm.s32 $0xFFFFFFFF;
	p2 =	slt.u32 s8, $0xFFFFF086  }
0x1c: {  	p1 =	slt.u32 s9, $0xF7A;
	s5 =	simm.s32 @!p2 $0x0  }
0x1d: {  	s5 =	simm.s32 @p1 $0x1;
	p0 =	seq.s32 s7, s2  }
0x1e: {  	s7 =	smul.u32 @!p0 $0xF7A, s2;
	p2 =	seq.s32 @!p0 s5, $0x0  }
0x1f: {  	s9 =	smul.u32 $0xF7A, s1;
	s8 =	simm.s32 @!p0 $0x1BF5;
	p2 =	por !p2, p0  }
0x20: {  	[sflag:s8] =	ssyncset.s32 @!p0 $0xFFFFF086;
	s6 =	sadd.s32 @!p0 s3, s7;
	s7 =	simm.s32 @!p0 $0x108  }
0x21: {  	s3 =	sadd.s32 s3, s9;
	s6 =	sadd.s32 @!p0 $0x88, s6;
	s7 =	simm.s32 @p2 $0x1082  }
0x22: {  	[simem:s7], [sflag:s8] =	dma.local @!p0 [hbm:s6], $0xF7A  }
0x23: {  	s9 =	sor.u32 $0xD0000000, s2;
	s6 =	simm.s32 $0x108;
	_ =	swait.ge @!p0 [sflag:s8], $0x0  }
0x24: {  	s3 =	sadd.s32 $0x88, s3;
	s6 =	simm.s32 @!p1 $0x1082;
	[sflag:s4] =	ssyncset.s32 $0xFFFFF086  }
0x25: {  	[simem:s6], [sflag:s4] =	dma.local [hbm:s3], $0xF7A  }
0x26: {  	[smem:$0x3F9F] =	sst s1;
	(tag) =	ssettag s2;
	_ =	strace s9  }
0x27: {  	s1 =	sld [smem:$0x3FAF]  }
0x28: {  	s2 =	sld [smem:$0x3FB0]  }
0x29: {  	s4 =	sld [smem:$0x3FB2]  }
0x2a: {  	p0 =	seq.s32 s5, $0x0;
	s5 =	sld [smem:$0x3FB3]  }
0x2b: {  	s6 =	sld [smem:$0x3FB4]  }
0x2c: {  	s7 =	sld [smem:$0x3FB5]  }
0x2d: {  	s3 =	simm.s32 $0x108;
	s8 =	sld [smem:$0x3FB6]  }
0x2e: {  	s3 =	simm.s32 @!p0 $0x1082;
	s9 =	sld [smem:$0x3FB7]  }
0x2f: {  	lr =	sadd.s32 s0, s3;
	s0 =	sld [smem:$0x3FAE]  }
0x30: {  	s3 =	sld [smem:$0x3FB1]  }
0x31: {  	[smem:$0x3FBA] =	sst s10  }
0x32: {  	s10 =	sld [smem:$0x3FB8];
	_ =	sdelay $0x3  }
0x33: {  	p0 =	seq.s32 s10, $0x1;
	s10 =	sld [smem:$0x3FBA];
	_ =	sdelay $0x3  }
0x34: {  	[smem:$0x3FBA] =	sst s10  }
0x35: {  	s10 =	sld [smem:$0x3FB9];
	_ =	sdelay $0x3  }
0x36: {  	p1 =	seq.s32 s10, $0x1;
	s10 =	sld [smem:$0x3FBA];
	_ =	sdelay $0x3  }
0x37: {  	[smem:$0x3FBA] =	sst s10  }
0x38: {  	s10 =	sld [smem:$0x3FBB]  }
0x39: {  	_ = 	snop;
	(pc) =	sbr.ind lr, $3  }
0x3a: {  	_ = 	snop  }
0x3b: {  	_ = 	snop  }
0x3c: {  	p2 =	seq.s32 s10, $0x1;
	s10 =	sld [smem:$0x3FBA]  }
0x3d: {  	_ =	shalt  }
0x3e: {  	_ =	shalt  }
0x3f: {  	_ =	shalt  }
0x40: {  	_ =	shalt  }
0x41: {  	_ =	shalt  }
0x42: {  	_ =	shalt  }
0x43: {  	_ =	shalt  }
0x44: {  	_ =	shalt  }
0x45: {  	_ =	shalt  }
0x46: {  	_ =	shalt  }
0x47: {  	_ =	shalt  }
0x48: {  	_ =	shalt  }
0x49: {  	_ =	shalt  }
0x4a: {  	_ =	shalt  }
0x4b: {  	_ =	shalt  }
0x4c: {  	_ =	shalt  }
0x4d: {  	_ =	shalt  }
0x4e: {  	_ =	shalt  }
0x4f: {  	_ =	shalt  }
0x50: {  	_ =	shalt  }
0x51: {  	_ =	shalt  }
0x52: {  	_ =	shalt  }
0x53: {  	_ =	shalt  }
0x54: {  	_ =	shalt  }
0x55: {  	_ =	shalt  }
0x56: {  	_ =	shalt  }
0x57: {  	_ =	shalt  }
0x58: {  	_ =	shalt  }
0x59: {  	_ =	shalt  }
0x5a: {  	_ =	shalt  }
0x5b: {  	_ =	shalt  }
0x5c: {  	_ =	shalt  }
0x5d: {  	_ =	shalt  }
0x5e: {  	_ =	shalt  }
0x5f: {  	_ =	shalt  }
0x60: {  	_ =	shalt  }
0x61: {  	_ =	shalt  }
0x62: {  	_ =	shalt  }
0x63: {  	_ =	shalt  }
0x64: {  	_ =	shalt  }
0x65: {  	_ =	shalt  }
0x66: {  	_ =	shalt  }
0x67: {  	_ =	shalt  }
0x68: {  	_ =	shalt  }
0x69: {  	_ =	shalt  }
0x6a: {  	_ =	shalt  }
0x6b: {  	_ =	shalt  }
0x6c: {  	_ =	shalt  }
0x6d: {  	_ =	shalt  }
0x6e: {  	_ =	shalt  }
0x6f: {  	_ =	shalt  }
0x70: {  	_ =	shalt  }
0x71: {  	_ =	shalt  }
0x72: {  	_ =	shalt  }
0x73: {  	_ =	shalt  }
0x74: {  	_ =	shalt  }
0x75: {  	_ =	shalt  }
0x76: {  	_ =	shalt  }
0x77: {  	_ =	shalt  }
0x78: {  	_ =	shalt  }
0x79: {  	_ =	shalt  }
0x7a: {  	_ =	shalt  }
0x7b: {  	_ =	shalt  }
0x7c: {  	_ =	shalt  }
0x7d: {  	_ =	shalt  }
0x7e: {  	_ =	shalt  }
0x7f: {  	_ =	shalt  }
0x80: {  	_ =	shalt  }
0x81: {  	_ =	shalt  }
0x82: {  	_ =	shalt  }
0x83: {  	_ =	shalt  }
0x84: {  	_ =	shalt  }
0x85: {  	_ =	shalt  }
0x86: {  	_ =	shalt  }
0x87: {  	_ =	shalt  }
.Lfunc_end0:
.L_simem_size_0:
called_computation.1_lowered:
.L_overlay_start_0:
0x88: {  	s2 =	sld [smem:$0x3FD9]  }
0x89: {  	s3 =	sld [smem:$0x3FFE];
	_ =	sdelay $0x1  }
0x8a: {  	s1 =	srdreg.scid  }
0x8b: {  	s0 =	sand.u32 $0x1, s1  }
0x8c: {  	s16 =	sshll.u32 s0, $0xA;
	s2 =	sadd.s32 s3, s2  }
0x8d: {  	s2 =	sadd.s32 s2, s16  }
0x8e: {  	[smem:$0x3FC6] =	sst s2  }
0x8f: {  	_ = 	snop  }
0x90: {  	(tm) =	ssettm $0x1  }
0x91: {  	s17 =	sld [smem:$0x3FFB];
	_ =	sdelay $0x3  }
0x92: {  	_ =	strace s17  }
0x93: {  	s2 =	sld [smem:$0x3FFC];
	_ =	sdelay $0x3  }
0x94: {  	_ =	strace s2  }
0x95: {  	s2 =	sld [smem:$0x3FFD];
	_ =	sdelay $0x3  }
0x96: {  	_ =	strace s2  }
0x97: {  	_ =	strace $0x8FFFFFFF  }
0x98: {  	s18 =	sld [smem:$0x3FDB];
	_ =	sdelay $0x1  }
0x99: {  	s19 =	simm.s32 $_scs_section_size  }
0x9a: {  	s4 =	simm.s32 $_size__tile_overlayer_lowered;
	s5 =	simm.s32 $_tile_overlayer_lowered  }
0x9b: {  	s22 =	simm.s32 $0x1BFF;
	s21 =	sshll.u32 s5, $0x1;
	s2 =	sadd.s32 s19, s18  }
0x9c: {  	s6 =	simm.s32 $0x0;
	s20 =	sshll.u32 s4, $0x1;
	s4 =	sadd.s32 s21, s2  }
0x9d: {  	[timem:s6], [sflag:s22] =	dma.local [hbm:s4], s20  }
0x9e: {  	_ =	swait.ge [sflag:s22], s20  }
0x9f: {  	s3 =	ssub.s32 $0x0, s20;
	[sflag:s22] =	ssyncset.done $0x0  }
0xa0: {  	[sflag:s22] =	ssyncadd.s32 s3;
	_ =	sdelay $0x1  }
0xa1: {  	s23 =	simm.s32 $0x1B8B  }
0xa2: {  	_ =	swait.ge [sflag:s23], $0x1  }
0xa3: {  	[sflag:s23] =	ssyncset.done $0x0  }
0xa4: {  	s25 =	simm.s32 $0x1B8E;
	s24 =	sld [smem:$0x3FFE];
	[sflag:s23] =	ssyncadd.s32 $0xFFFFFFFF  }
0xa5: {  	s26 =	simm.s32 $execute0_lowered;
	[smem:$0x3FD2] =	sst s25  }
0xa6: {  	s4 =	sshll.u32 s26, $0x1;
	_ =	strace $0x80000049;
	[dreg:$0x1] =	wrdreg $0xFFFFFFFF  }
0xa7: {  	s28 =	simm.s32 $_size_execute0_lowered;
	s2 =	sadd.s32 s2, s4;
	[dreg:$0x0] =	wrdreg $0x0  }
0xa8: {  	s4 =	sshll.u32 s28, $0x1;
	[dreg:$0x2] =	wrdreg s2  }
0xa9: {  	[dreg:$0x3] =	wrdreg s4  }
0xaa: {  	[dreg:$0x4] =	wrdreg $0xC0  }
0xab: {  	_ =	task [dreg:s6], $0x5FFFF  }
0xac: {  	[dreg:$0x1] =	wrdreg $0xFFFFFFFF  }
0xad: {  	[dreg:$0x0] =	wrdreg $0x60  }
0xae: {  	[dreg:$0x2] =	wrdreg s24  }
0xaf: {  	[dreg:$0x3] =	wrdreg $0x9  }
0xb0: {  	_ =	task.clear_ibuf [dreg:s6], $0x4FFFF;
	_ =	strace $0x90000049  }
0xb1: {  	s29 =	simm.s32 $0x9;
	_ =	strace $0x8000004B  }
0xb2: {  	_ =	swait.ge [sflag:s29], $0x1  }
0xb3: {  	[sflag:s29] =	ssyncadd.s32 $0xFFFFFFFF  }
0xb4: {  	_ =	strace $0x9000004B  }
0xb5: {  	_ =	sfence  }
0xb6: {  	s30 =	sld [smem:$0x0];
	_ =	sdelay $0x2  }
0xb7: {  	s31 =	sshll.u32 s1, $0xD;
	s1 =	sshrl.u32 s1, $0x2  }
0xb8: {  	s3 =	sand.u32 $0x4000, s31;
	s1 =	sadd.s32 s1, s30  }
0xb9: {  	s0 =	sor.u32 s3, s0;
	s1 =	sshll.u32 s1, $0x11  }
0xba: {  	s0 =	sor.u32 s1, s0  }
0xbb: {  	s0 =	sadd.s32 $0x8F2B, s0  }
0xbc: {  	[sflag:s0] =	ssyncadd.remote.s32 $0x1  }
0xbd: {  	_ =	sfence.sel $0xFFFF  }
0xbe: {  	[dreg:$0x0] =	wrdreg $0xFFFFFFFF;
	(pc) =	sbr.abs _section_cstart, $3  }
0xbf: {  	[dreg:$0x1] =	wrdreg $0xFFFFFFFF  }
0xc0: {  	_ =	task.clear_ibuf [dreg:s6], $0x2FFFF;
	_ =	strace $0x9FFFFFFF  }
0xc1: {  	(tm) =	ssettm $0x7FFFFFFF  }
tec
execute0_lowered:
.L_overlay_start_1:
0x0: {  	(tag) =	ssettag $0x1  }
0x1: {  	s4 =	rddreg [dreg:$0x0]  }
0x2: {  	s0 =	rddreg [dreg:$0x1];
	s2 =	simm.s32 $0x0  }
0x3: {  	s1 =	stileid.u32;
	s3 =	srdreg.scid;
	s10 =	simm.s32 $0x1  }
0x4: {  	s11 =	simm.s32 $0x0;
	[smem:$0x7FF] =	sst s2;
	s5 =	sshll.u32 s1, $0xE  }
0x5: {  	s6 =	sand.u32 $0x1, s3;
	s30 =	sshll.u32 s1, $0x1;
	s3 =	sadd.s32 $0x44800, s4  }
0x6: {  	_ =	strace $0x8000004A;
	s5 =	sand.u32 $0x38000, s5;
	s7 =	sor.u32 s6, s30  }
0x7: {  	s6 =	ssub.s32 $0x2, s6;
	s5 =	sadd.s32 s5, s4;
	s8 =	sshll.u32 s7, $0xD  }
0x8: {  	s7 =	sshll.u32 s7, $0x4;
	s31 =	sshrl.u32 s6, $0x1;
	s8 =	sand.u32 $0x6000, s8  }
0x9: {  	s7 =	sadd.s32 s7, s4;
	s9 =	ssub.s32 s6, s31;
	s8 =	sadd.s32 s8, s5  }
0xa: {  	s5 =	sadd.s32 $0x44A00, s7;
	s6 =	sadd.s32 $0x44C00, s7;
	s7 =	smax.u32 s9, $0x1  }
0xb: {  	v0 =	vimm.f32 $0.0e+00;
	s9 =	simm.s32 $0x8000;
	s4 =	sadd.s32 $0x2200, s8;
	s8 =	sadd.s32 $0x3200, s8  }
.LBB2_1:
0xc: {  	[tilespmem:s9], [sflag:$0x1] =	stream.linear.gather [hbm4b:s3+s2], $0x80, $0x38;
	[tilespmem:$0x8080] =	vst v63  }
0xd: {  	_ =	swait.ge [sflag:s10], $0x80  }
0xe: {  	[sflag:s10] =	ssyncset.done $0x0  }
0xf: {  	s12 =	sand.u32 $0x7000, s2;
	s13 =	sand.u32 $0xC00, s2;
	[sflag:s10] =	ssyncadd.s32 $0xFFFFFF80  }
0x10: {  	v1 =	vld [tilespmem:$0x8000];
	[tilespmem:s2], [sflag:$0x1] =	stream.linear.gather [hbm4b:s4+s2], $0x8000, $0x38  }
0x11: {  	s14 =	sand.u32 $0x380, s2;
	s12 =	sor.u32 s13, s12;
	_ =	swait.ge [sflag:s10], $0x8000  }
0x12: {  	s30 =	sand.u32 $0x40, s2;
	s12 =	sor.u32 s14, s12;
	[sflag:s10] =	ssyncset.done $0x0  }
0x13: {  	s12 =	sor.u32 s30, s12;
	[sflag:s10] =	ssyncadd.s32 $0xFFFF8000  }
0x14: {  	v2 =	vld [tilespmem:s12+$0x30]  }
0x15: {  	v5 =	vld [tilespmem:s12+$0x0]  }
0x16: {  	v3 =	vld [tilespmem:s12+$0x10]  }
0x17: {  	v4 =	vld [tilespmem:s12+$0x20];
	_ =	sdelay $0x1  }
0x18: {  	s31 =	simm.s32 $0x40;
	s12 =	simm.s32 $0x200  }
0x19: {  	v6 =	vimm.f32 $0.0e+00;
	v7 =	vimm.f32 $0.0e+00;
	s15 =	sand.u32 $0x7000, s31;
	s13 =	simm.s32 $0x10;
	s16 =	sand.u32 $0xC00, s12  }
0x1a: {  	s17 =	sand.u32 $0x380, s13;
	s16 =	sor.u32 s16, s15;
	vm1 =	vge.f32 v5, v1;
	vm2 =	vlt.f32 v5, $3.566749690e-01;
	vm0 =	vge.f32 v2, v1  }
0x1b: {  	s14 =	simm.s32 $0x80;
	s15 =	sand.u32 $0x40, s31;
	s16 =	sor.u32 s17, s16;
	vm3 =	vmand vm1, vm2;
	vm2 =	vge.f32 v3, v1;
	vm1 =	vge.f32 v4, v1  }
.LBB2_2:
0x1c: {  	p0 =	sne.s32 s14, $0x7FC0;
	s15 =	sor.u32 s15, s16;
	v5 =	vnsel vm3, $0x0, v5;
	v8 =	vsel vm3, $0x3F800000, v0;
	vm3 =	vlt.f32 v3, $3.566749690e-01  }
0x1d: {  	v9 =	vld [tilespmem:s15+$0x30];
	v6 =	vadd.f32 v5, v6;
	v7 =	vadd.f32 v8, v7;
	vm2 =	vmand vm2, vm3  }
0x1e: {  	v8 =	vld [tilespmem:s15+$0x20];
	v3 =	vnsel vm2, $0x0, v3;
	v10 =	vsel vm2, $0x3F800000, v0;
	vm2 =	vlt.f32 v4, $3.566749690e-01  }
0x1f: {  	v5 =	vld [tilespmem:s15+$0x0];
	v6 =	vadd.f32 v3, v6;
	v7 =	vadd.f32 v10, v7;
	vm1 =	vmand vm1, vm2  }
0x20: {  	v3 =	vld [tilespmem:s15+$0x10];
	v4 =	vnsel vm1, $0x0, v4;
	v10 =	vsel vm1, $0x3F800000, v0;
	vm1 =	vlt.f32 v2, $3.566749690e-01  }
.Ltmp0:
0x21: {  	v11 =	vadd.f32 v4, v6;
	v7 =	vadd.f32 v10, v7;
	vm0 =	vmand vm0, vm1;
	(pc) =	sbr.rel @p0 .LBB2_2-.Ltmp0, $4  }
0x22: {  	s12 =	sadd.s32 $0x200, s12;
	v6 =	vnsel vm0, $0x0, v2;
	v10 =	vsel vm0, $0x3F800000, v0;
	v2 =	vmov v9  }
0x23: {  	s13 =	sadd.s32 $0x10, s13;
	s16 =	sand.u32 $0xC00, s12;
	s15 =	sand.u32 $0x7000, s14;
	v6 =	vadd.f32 v6, v11;
	v7 =	vadd.f32 v10, v7;
	v4 =	vmov v8  }
0x24: {  	s17 =	sand.u32 $0x380, s13;
	s16 =	sor.u32 s16, s15;
	vm0 =	vge.f32 v2, v1;
	vm1 =	vge.f32 v5, v1;
	vm2 =	vlt.f32 v5, $3.566749690e-01  }
0x25: {  	s15 =	sand.u32 $0x40, s14;
	s14 =	sadd.s32 $0x40, s14;
	s16 =	sor.u32 s17, s16;
	vm3 =	vmand vm1, vm2;
	vm2 =	vge.f32 v3, v1;
	vm1 =	vge.f32 v4, v1  }
0x26: {  	s12 =	sor.u32 s15, s16;
	v5 =	vnsel vm3, $0x0, v5;
	v8 =	vsel vm3, $0x3F800000, v0;
	vm3 =	vlt.f32 v3, $3.566749690e-01  }
0x27: {  	v9 =	vld [tilespmem:s12+$0x30];
	v5 =	vadd.f32 v5, v6;
	v6 =	vadd.f32 v8, v7;
	vm2 =	vmand vm2, vm3  }
0x28: {  	v10 =	vld [tilespmem:s12+$0x0];
	v3 =	vnsel vm2, $0x0, v3;
	v8 =	vsel vm2, $0x3F800000, v0;
	vm2 =	vlt.f32 v4, $3.566749690e-01  }
0x29: {  	v7 =	vld [tilespmem:s12+$0x20];
	v3 =	vadd.f32 v3, v5;
	v5 =	vadd.f32 v8, v6;
	vm1 =	vmand vm1, vm2  }
0x2a: {  	v6 =	vld [tilespmem:s12+$0x10];
	v4 =	vnsel vm1, $0x0, v4;
	v8 =	vsel vm1, $0x3F800000, v0;
	vm1 =	vlt.f32 v2, $3.566749690e-01  }
0x2b: {  	s26 =	simm.s32 $0x0;
	vm0 =	vmand vm0, vm1  }
0x2c: {  	s13 =	sand.u32 $0x7000, s26;
	s14 =	sand.u32 $0xC00, s26;
	v3 =	vadd.f32 v4, v3;
	v4 =	vadd.f32 v8, v5;
	v2 =	vnsel vm0, $0x0, v2  }
0x2d: {  	[tilespmem:s26], [sflag:$0x1] =	stream.linear.gather [hbm4b:s8+s26], $0x8000, $0x38;
	v5 =	vsel vm0, $0x3F800000, v0;
	vm1 =	vge.f32 v10, v1;
	vm2 =	vlt.f32 v10, $3.566749690e-01;
	[tilespmem:$0x8080] =	vst v63  }
0x2e: {  	s28 =	sand.u32 $0x380, s26;
	s13 =	sor.u32 s14, s13;
	_ =	swait.ge [sflag:s10], $0x8000;
	vm0 =	vge.f32 v9, v1;
	vm3 =	vge.f32 v7, v1;
	v2 =	vadd.f32 v2, v3  }
0x2f: {  	s12 =	sand.u32 $0x40, s26;
	s13 =	sor.u32 s28, s13;
	[sflag:s10] =	ssyncset.done $0x0;
	v3 =	vadd.f32 v5, v4;
	vm1 =	vmand vm1, vm2;
	vm2 =	vge.f32 v6, v1  }
0x30: {  	s12 =	sor.u32 s12, s13;
	[sflag:s10] =	ssyncadd.s32 $0xFFFF8000;
	v4 =	vnsel vm1, $0x0, v10;
	v5 =	vsel vm1, $0x3F800000, v0;
	vm1 =	vlt.f32 v6, $3.566749690e-01  }
0x31: {  	v4 =	vadd.f32 v4, v2;
	v5 =	vadd.f32 v5, v3;
	vm1 =	vmand vm2, vm1;
	v2 =	vld [tilespmem:s12+$0x30]  }
0x32: {  	v3 =	vld [tilespmem:s12+$0x20];
	v6 =	vnsel vm1, $0x0, v6;
	v8 =	vsel vm1, $0x3F800000, v0;
	vm1 =	vlt.f32 v7, $3.566749690e-01  }
0x33: {  	v6 =	vadd.f32 v6, v4;
	v8 =	vadd.f32 v8, v5;
	vm1 =	vmand vm3, vm1;
	v5 =	vld [tilespmem:s12+$0x0]  }
0x34: {  	v4 =	vld [tilespmem:s12+$0x10];
	v7 =	vnsel vm1, $0x0, v7;
	v62 =	vsel vm1, $0x3F800000, v0;
	vm1 =	vlt.f32 v9, $3.566749690e-01  }
0x35: {  	v6 =	vadd.f32 v7, v6;
	vm0 =	vmand vm0, vm1  }
0x36: {  	s29 =	simm.s32 $0x40;
	s12 =	simm.s32 $0x200;
	v8 =	vadd.f32 v62, v8;
	v7 =	vnsel vm0, $0x0, v9  }
0x37: {  	s30 =	sand.u32 $0x7000, s29;
	s13 =	simm.s32 $0x10;
	s31 =	sand.u32 $0xC00, s12;
	v63 =	vsel vm0, $0x3F800000, v0;
	vm0 =	vge.f32 v2, v1;
	v7 =	vadd.f32 v7, v6  }
0x38: {  	s17 =	sand.u32 $0x380, s13;
	s16 =	sor.u32 s31, s30;
	v6 =	vadd.f32 v63, v8;
	vm1 =	vge.f32 v5, v1;
	vm2 =	vlt.f32 v5, $3.566749690e-01  }
0x39: {  	s15 =	sand.u32 $0x40, s29;
	s14 =	simm.s32 $0x80;
	s16 =	sor.u32 s17, s16;
	vm3 =	vmand vm1, vm2;
	vm2 =	vge.f32 v4, v1;
	vm1 =	vge.f32 v3, v1  }
.LBB2_4:
0x3a: {  	p0 =	sne.s32 s14, $0x7FC0;
	s15 =	sor.u32 s15, s16;
	v5 =	vnsel vm3, $0x0, v5;
	v8 =	vsel vm3, $0x3F800000, v0;
	vm3 =	vlt.f32 v4, $3.566749690e-01  }
0x3b: {  	v9 =	vld [tilespmem:s15+$0x30];
	v7 =	vadd.f32 v5, v7;
	v6 =	vadd.f32 v8, v6;
	vm2 =	vmand vm2, vm3  }
0x3c: {  	v8 =	vld [tilespmem:s15+$0x20];
	v4 =	vnsel vm2, $0x0, v4;
	v10 =	vsel vm2, $0x3F800000, v0;
	vm2 =	vlt.f32 v3, $3.566749690e-01  }
0x3d: {  	v5 =	vld [tilespmem:s15+$0x0];
	v7 =	vadd.f32 v4, v7;
	v6 =	vadd.f32 v10, v6;
	vm1 =	vmand vm1, vm2  }
0x3e: {  	v4 =	vld [tilespmem:s15+$0x10];
	v3 =	vnsel vm1, $0x0, v3;
	v10 =	vsel vm1, $0x3F800000, v0;
	vm1 =	vlt.f32 v2, $3.566749690e-01  }
.Ltmp1:
0x3f: {  	v11 =	vadd.f32 v3, v7;
	v6 =	vadd.f32 v10, v6;
	vm0 =	vmand vm0, vm1;
	(pc) =	sbr.rel @p0 .LBB2_4-.Ltmp1, $4  }
0x40: {  	s12 =	sadd.s32 $0x200, s12;
	v7 =	vnsel vm0, $0x0, v2;
	v10 =	vsel vm0, $0x3F800000, v0;
	v2 =	vmov v9  }
0x41: {  	s13 =	sadd.s32 $0x10, s13;
	s16 =	sand.u32 $0xC00, s12;
	s15 =	sand.u32 $0x7000, s14;
	v7 =	vadd.f32 v7, v11;
	v6 =	vadd.f32 v10, v6;
	v3 =	vmov v8  }
0x42: {  	s17 =	sand.u32 $0x380, s13;
	s16 =	sor.u32 s16, s15;
	vm0 =	vge.f32 v2, v1;
	vm1 =	vge.f32 v5, v1;
	vm2 =	vlt.f32 v5, $3.566749690e-01  }
0x43: {  	s15 =	sand.u32 $0x40, s14;
	s14 =	sadd.s32 $0x40, s14;
	s16 =	sor.u32 s17, s16;
	vm3 =	vmand vm1, vm2;
	vm2 =	vge.f32 v4, v1;
	vm1 =	vge.f32 v3, v1  }
0x44: {  	s12 =	sor.u32 s15, s16;
	v5 =	vnsel vm3, $0x0, v5;
	vm4 =	vlt.f32 v4, $3.566749690e-01  }
0x45: {  	v8 =	vsel vm3, $0x3F800000, v0;
	v5 =	vadd.f32 v5, v7;
	vm2 =	vmand vm2, vm4;
	v55 =	vld [tilespmem:s12+$0x0]  }
0x46: {  	vm15 =	vlt.f32 v3, $3.566749690e-01;
	vm5 =	vlt.f32 v2, $3.566749690e-01;
	v56 =	vnsel vm2, $0x0, v4  }
0x47: {  	v6 =	vadd.f32 v8, v6;
	vm1 =	vmand vm1, vm15;
	v58 =	vld [tilespmem:s12+$0x10];
	v4 =	vadd.f32 v56, v5  }
0x48: {  	vm0 =	vmand vm0, vm5;
	v57 =	vsel vm2, $0x3F800000, v0;
	v3 =	vnsel vm1, $0x0, v3  }
0x49: {  	v59 =	vld [tilespmem:s12+$0x20];
	v9 =	vsel vm1, $0x3F800000, v0;
	v2 =	vnsel vm0, $0x0, v2;
	v3 =	vadd.f32 v3, v4  }
0x4a: {  	v60 =	vld [tilespmem:s12+$0x30];
	v61 =	vsel vm0, $0x3F800000, v0;
	vm6 =	vge.f32 v55, v1;
	vm7 =	vlt.f32 v55, $3.566749690e-01  }
0x4b: {  	v6 =	vadd.f32 v57, v6;
	v2 =	vadd.f32 v2, v3;
	vm1 =	vmand vm6, vm7  }
0x4c: {  	vm8 =	vge.f32 v58, v1;
	vm9 =	vlt.f32 v58, $3.566749690e-01;
	v3 =	vnsel vm1, $0x0, v55  }
0x4d: {  	v6 =	vadd.f32 v9, v6;
	vm10 =	vmand vm8, vm9;
	v2 =	vadd.f32 v3, v2  }
0x4e: {  	vm11 =	vge.f32 v59, v1;
	vm12 =	vlt.f32 v59, $3.566749690e-01;
	v3 =	vnsel vm10, $0x0, v58  }
0x4f: {  	vm13 =	vge.f32 v60, v1;
	vm2 =	vmand vm11, vm12;
	v2 =	vadd.f32 v3, v2  }
0x50: {  	vm14 =	vlt.f32 v60, $3.566749690e-01;
	v62 =	vadd.f32 v61, v6;
	v1 =	vnsel vm2, $0x0, v59  }
0x51: {  	vm15 =	vmand vm13, vm14;
	v3 =	vsel vm1, $0x3F800000, v0;
	v1 =	vadd.f32 v1, v2  }
0x52: {  	v2 =	vadd.f32 v3, v62;
	v3 =	vnsel vm15, $0x0, v60  }
0x53: {  	v63 =	vsel vm10, $0x3F800000, v0;
	v1 =	vadd.f32 v3, v1  }
0x54: {  	v2 =	vadd.f32 v63, v2  }
0x55: {  	v3 =	vsel vm2, $0x3F800000, v0;
	[tilespmem:$0x8000] =	vst v1  }
0x56: {  	v1 =	vadd.f32 v3, v2;
	[hbm4b:s5+s2] =	stream.linear.scatter [tilespmem:s9], [sflag:$0x1], $0x80, $0x38;
	[tilespmem:$0x8080] =	vst v63  }
0x57: {  	v2 =	vsel vm15, $0x3F800000, v0;
	_ =	swait.ge [sflag:s10], $0x80  }
0x58: {  	s11 =	sadd.s32 $0x1, s11;
	v1 =	vadd.f32 v2, v1;
	[sflag:s10] =	ssyncset.done $0x0  }
0x59: {  	p0 =	sne.s32 s11, s7;
	[sflag:s10] =	ssyncadd.s32 $0xFFFFFF80  }
.Ltmp2:
0x5a: {  	[tilespmem:$0x8000] =	vst v1;
	(pc) =	sbr.rel @p0 .LBB2_1-.Ltmp2, $4  }
0x5b: {  	[hbm4b:s6+s2] =	stream.linear.scatter [tilespmem:s9], [sflag:$0x1], $0x80, $0x38;
	[tilespmem:$0x8080] =	vst v63  }
0x5c: {  	_ =	swait.ge [sflag:s10], $0x80  }
0x5d: {  	[sflag:s10] =	ssyncset.done $0x0  }
0x5e: {  	[sflag:s10] =	ssyncadd.s32 $0xFFFFFF80  }
0x5f: {  	_ =	sfence.sel $0x180000  }
0x60: {  	[bflag:$0x0] =	sbarrier.arrive $0xFFFF  }
0x61: {  	p0 =	sne.s32 s1, $0x0;
	_ =	strace $0x9000004A  }
0x62: {  	s0 =	sadd.s32 @!p0 $0x100000, s0;
	[bflag:$0x2] =	sbarrier.arrive $0xFFFF  }
0x63: {  	[sflag:s0] =	ssyncadd.tile.s32 @!p0 $0x1;
	_ =	shalt  }
.Lfunc_end2:
_tile_overlayer_lowered:
.L_overlay_start_2:
0x64: {  	(tag) =	ssettag $0x2  }
0x65: {  	s0 =	rddreg [dreg:$0x0];
	s2 =	stileid.u32  }
0x66: {  	s1 =	rddreg [dreg:$0x1];
	p0 =	sne.s32 s2, $0x0  }
0x67: {  	s3 =	rddreg [dreg:$0x2];
	[bflag:$0x3] =	sbarrier.arrive $0xFFFF;
	s2 =	simm.s32 @!p0 $0x1C01  }
0x68: {  	[timem:s3], [sflag:s2] =	dma.local @!p0 [hbm:s0], s1  }
0x69: {  	s0 =	simm.s32 @!p0 $0x1  }
0x6a: {  	_ =	swait.ge @!p0 [sflag:s0], s1  }
0x6b: {  	s1 =	ssub.s32 @!p0 $0x0, s1;
	[sflag:s0] =	ssyncset.done @!p0 $0x0  }
0x6c: {  	[sflag:s0] =	ssyncadd.s32 @!p0 s1  }
0x6d: {  	[bflag:$0x3] =	sbarrier.arrive $0xFFFF  }
0x6e: {  	_ =	shalt  }

// kernel: branch_0_fun.7.cloned.1.call-start
scs
__scs_entry_jumppad:
0x0: {  	(pc) =	sbr.rel $0x88, $3  }
0x1: {  	(tag) =	ssettag $0x0;
	lr =	simm.s32 $0x1  }
0x2: {  	[smem:$0x3F9F] =	sst lr;
	_ =	strace $0xD0000000  }
0x3: {  	_ = 	snop  }
0x4: {  	_ = 	snop  }
0x5: {  	_ = 	snop  }
0x6: {  	_ = 	snop  }
0x7: {  	_ = 	snop  }
__scs_overlays_trampoline_lowered:
0x8: {  	[smem:$0x3FAE] =	sst s0  }
0x9: {  	[smem:$0x3FAF] =	sst s1  }
0xa: {  	[smem:$0x3FB0] =	sst s2  }
0xb: {  	[smem:$0x3FB1] =	sst s3  }
0xc: {  	[smem:$0x3FB2] =	sst s4  }
0xd: {  	[smem:$0x3FB3] =	sst s5  }
0xe: {  	[smem:$0x3FB4] =	sst s6  }
0xf: {  	[smem:$0x3FB5] =	sst s7  }
0x10: {  	[smem:$0x3FB6] =	sst s8  }
0x11: {  	[smem:$0x3FB7] =	sst s9;
	s0 =	simm.s32 @!p0 $0x0  }
0x12: {  	s1 =	sld [smem:$0x3F9D];
	s0 =	simm.s32 @p0 $0x1  }
0x13: {  	[smem:$0x3FB8] =	sst s0;
	s0 =	simm.s32 @!p1 $0x0  }
0x14: {  	s2 =	sld [smem:$0x3F9C];
	s0 =	simm.s32 @p1 $0x1  }
0x15: {  	[smem:$0x3FB9] =	sst s0;
	s0 =	simm.s32 @!p2 $0x0  }
0x16: {  	s3 =	sld [smem:$0x3FDB];
	s0 =	simm.s32 @p2 $0x1  }
0x17: {  	s4 =	simm.s32 $0x1BF5;
	[smem:$0x3FBB] =	sst s0  }
0x18: {  	s0 =	sld [smem:$0x3F9E];
	_ =	swait.ge [sflag:s4], $0x0  }
0x19: {  	s7 =	sld [smem:$0x3F9F]  }
0x1a: {  	s8 =	sadd.s32 $0xFFFFE003, lr  }
0x1b: {  	s9 =	sadd.s32 $0xFFFFFEF7, lr;
	s5 =	simm.s32 $0xFFFFFFFF;
	p2 =	slt.u32 s8, $0xFFFFF086  }
0x1c: {  	p1 =	slt.u32 s9, $0xF7A;
	s5 =	simm.s32 @!p2 $0x0  }
0x1d: {  	s5 =	simm.s32 @p1 $0x1;
	p0 =	seq.s32 s7, s2  }
0x1e: {  	s7 =	smul.u32 @!p0 $0xF7A, s2;
	p2 =	seq.s32 @!p0 s5, $0x0  }
0x1f: {  	s9 =	smul.u32 $0xF7A, s1;
	s8 =	simm.s32 @!p0 $0x1BF5;
	p2 =	por !p2, p0  }
0x20: {  	[sflag:s8] =	ssyncset.s32 @!p0 $0xFFFFF086;
	s6 =	sadd.s32 @!p0 s3, s7;
	s7 =	simm.s32 @!p0 $0x108  }
0x21: {  	s3 =	sadd.s32 s3, s9;
	s6 =	sadd.s32 @!p0 $0x88, s6;
	s7 =	simm.s32 @p2 $0x1082  }
0x22: {  	[simem:s7], [sflag:s8] =	dma.local @!p0 [hbm:s6], $0xF7A  }
0x23: {  	s9 =	sor.u32 $0xD0000000, s2;
	s6 =	simm.s32 $0x108;
	_ =	swait.ge @!p0 [sflag:s8], $0x0  }
0x24: {  	s3 =	sadd.s32 $0x88, s3;
	s6 =	simm.s32 @!p1 $0x1082;
	[sflag:s4] =	ssyncset.s32 $0xFFFFF086  }
0x25: {  	[simem:s6], [sflag:s4] =	dma.local [hbm:s3], $0xF7A  }
0x26: {  	[smem:$0x3F9F] =	sst s1;
	(tag) =	ssettag s2;
	_ =	strace s9  }
0x27: {  	s1 =	sld [smem:$0x3FAF]  }
0x28: {  	s2 =	sld [smem:$0x3FB0]  }
0x29: {  	s4 =	sld [smem:$0x3FB2]  }
0x2a: {  	p0 =	seq.s32 s5, $0x0;
	s5 =	sld [smem:$0x3FB3]  }
0x2b: {  	s6 =	sld [smem:$0x3FB4]  }
0x2c: {  	s7 =	sld [smem:$0x3FB5]  }
0x2d: {  	s3 =	simm.s32 $0x108;
	s8 =	sld [smem:$0x3FB6]  }
0x2e: {  	s3 =	simm.s32 @!p0 $0x1082;
	s9 =	sld [smem:$0x3FB7]  }
0x2f: {  	lr =	sadd.s32 s0, s3;
	s0 =	sld [smem:$0x3FAE]  }
0x30: {  	s3 =	sld [smem:$0x3FB1]  }
0x31: {  	[smem:$0x3FBA] =	sst s10  }
0x32: {  	s10 =	sld [smem:$0x3FB8];
	_ =	sdelay $0x3  }
0x33: {  	p0 =	seq.s32 s10, $0x1;
	s10 =	sld [smem:$0x3FBA];
	_ =	sdelay $0x3  }
0x34: {  	[smem:$0x3FBA] =	sst s10  }
0x35: {  	s10 =	sld [smem:$0x3FB9];
	_ =	sdelay $0x3  }
0x36: {  	p1 =	seq.s32 s10, $0x1;
	s10 =	sld [smem:$0x3FBA];
	_ =	sdelay $0x3  }
0x37: {  	[smem:$0x3FBA] =	sst s10  }
0x38: {  	s10 =	sld [smem:$0x3FBB]  }
0x39: {  	_ = 	snop;
	(pc) =	sbr.ind lr, $3  }
0x3a: {  	_ = 	snop  }
0x3b: {  	_ = 	snop  }
0x3c: {  	p2 =	seq.s32 s10, $0x1;
	s10 =	sld [smem:$0x3FBA]  }
0x3d: {  	_ =	shalt  }
0x3e: {  	_ =	shalt  }
0x3f: {  	_ =	shalt  }
0x40: {  	_ =	shalt  }
0x41: {  	_ =	shalt  }
0x42: {  	_ =	shalt  }
0x43: {  	_ =	shalt  }
0x44: {  	_ =	shalt  }
0x45: {  	_ =	shalt  }
0x46: {  	_ =	shalt  }
0x47: {  	_ =	shalt  }
0x48: {  	_ =	shalt  }
0x49: {  	_ =	shalt  }
0x4a: {  	_ =	shalt  }
0x4b: {  	_ =	shalt  }
0x4c: {  	_ =	shalt  }
0x4d: {  	_ =	shalt  }
0x4e: {  	_ =	shalt  }
0x4f: {  	_ =	shalt  }
0x50: {  	_ =	shalt  }
0x51: {  	_ =	shalt  }
0x52: {  	_ =	shalt  }
0x53: {  	_ =	shalt  }
0x54: {  	_ =	shalt  }
0x55: {  	_ =	shalt  }
0x56: {  	_ =	shalt  }
0x57: {  	_ =	shalt  }
0x58: {  	_ =	shalt  }
0x59: {  	_ =	shalt  }
0x5a: {  	_ =	shalt  }
0x5b: {  	_ =	shalt  }
0x5c: {  	_ =	shalt  }
0x5d: {  	_ =	shalt  }
0x5e: {  	_ =	shalt  }
0x5f: {  	_ =	shalt  }
0x60: {  	_ =	shalt  }
0x61: {  	_ =	shalt  }
0x62: {  	_ =	shalt  }
0x63: {  	_ =	shalt  }
0x64: {  	_ =	shalt  }
0x65: {  	_ =	shalt  }
0x66: {  	_ =	shalt  }
0x67: {  	_ =	shalt  }
0x68: {  	_ =	shalt  }
0x69: {  	_ =	shalt  }
0x6a: {  	_ =	shalt  }
0x6b: {  	_ =	shalt  }
0x6c: {  	_ =	shalt  }
0x6d: {  	_ =	shalt  }
0x6e: {  	_ =	shalt  }
0x6f: {  	_ =	shalt  }
0x70: {  	_ =	shalt  }
0x71: {  	_ =	shalt  }
0x72: {  	_ =	shalt  }
0x73: {  	_ =	shalt  }
0x74: {  	_ =	shalt  }
0x75: {  	_ =	shalt  }
0x76: {  	_ =	shalt  }
0x77: {  	_ =	shalt  }
0x78: {  	_ =	shalt  }
0x79: {  	_ =	shalt  }
0x7a: {  	_ =	shalt  }
0x7b: {  	_ =	shalt  }
0x7c: {  	_ =	shalt  }
0x7d: {  	_ =	shalt  }
0x7e: {  	_ =	shalt  }
0x7f: {  	_ =	shalt  }
0x80: {  	_ =	shalt  }
0x81: {  	_ =	shalt  }
0x82: {  	_ =	shalt  }
0x83: {  	_ =	shalt  }
0x84: {  	_ =	shalt  }
0x85: {  	_ =	shalt  }
0x86: {  	_ =	shalt  }
0x87: {  	_ =	shalt  }
.Lfunc_end0:
.L_simem_size_0:
called_computation_lowered:
.L_overlay_start_0:
0x88: {  	s2 =	sld [smem:$0x3FD9]  }
0x89: {  	s3 =	sld [smem:$0x3FFE];
	_ =	sdelay $0x1  }
0x8a: {  	s1 =	srdreg.scid  }
0x8b: {  	s0 =	sand.u32 $0x1, s1  }
0x8c: {  	s16 =	sshll.u32 s0, $0xA;
	s2 =	sadd.s32 s3, s2  }
0x8d: {  	s2 =	sadd.s32 s2, s16  }
0x8e: {  	[smem:$0x3FC6] =	sst s2  }
0x8f: {  	_ = 	snop  }
0x90: {  	(tm) =	ssettm $0x1  }
0x91: {  	s17 =	sld [smem:$0x3FFB];
	_ =	sdelay $0x3  }
0x92: {  	_ =	strace s17  }
0x93: {  	s2 =	sld [smem:$0x3FFC];
	_ =	sdelay $0x3  }
0x94: {  	_ =	strace s2  }
0x95: {  	s2 =	sld [smem:$0x3FFD];
	_ =	sdelay $0x3  }
0x96: {  	_ =	strace s2  }
0x97: {  	_ =	strace $0x8FFFFFFF  }
0x98: {  	s18 =	sld [smem:$0x3FDB];
	_ =	sdelay $0x1  }
0x99: {  	s19 =	simm.s32 $_scs_section_size  }
0x9a: {  	s4 =	simm.s32 $_size__tile_overlayer_lowered;
	s5 =	simm.s32 $_tile_overlayer_lowered  }
0x9b: {  	s22 =	simm.s32 $0x1BFF;
	s21 =	sshll.u32 s5, $0x1;
	s2 =	sadd.s32 s19, s18  }
0x9c: {  	s6 =	simm.s32 $0x0;
	s20 =	sshll.u32 s4, $0x1;
	s4 =	sadd.s32 s21, s2  }
0x9d: {  	[timem:s6], [sflag:s22] =	dma.local [hbm:s4], s20  }
0x9e: {  	_ =	swait.ge [sflag:s22], s20  }
0x9f: {  	s3 =	ssub.s32 $0x0, s20;
	[sflag:s22] =	ssyncset.done $0x0  }
0xa0: {  	[sflag:s22] =	ssyncadd.s32 s3;
	_ =	sdelay $0x1  }
0xa1: {  	s23 =	simm.s32 $0x1B8B  }
0xa2: {  	_ =	swait.ge [sflag:s23], $0x1  }
0xa3: {  	[sflag:s23] =	ssyncset.done $0x0  }
0xa4: {  	s25 =	simm.s32 $0x1B8E;
	s24 =	sld [smem:$0x3FFE];
	[sflag:s23] =	ssyncadd.s32 $0xFFFFFFFF  }
0xa5: {  	s26 =	simm.s32 $execute0_lowered;
	[smem:$0x3FD2] =	sst s25  }
0xa6: {  	s4 =	sshll.u32 s26, $0x1;
	_ =	strace $0x80000046;
	[dreg:$0x1] =	wrdreg $0xFFFFFFFF  }
0xa7: {  	s28 =	simm.s32 $_size_execute0_lowered;
	s2 =	sadd.s32 s2, s4;
	[dreg:$0x0] =	wrdreg $0x0  }
0xa8: {  	s4 =	sshll.u32 s28, $0x1;
	[dreg:$0x2] =	wrdreg s2  }
0xa9: {  	[dreg:$0x3] =	wrdreg s4  }
0xaa: {  	[dreg:$0x4] =	wrdreg $0xC0  }
0xab: {  	_ =	task [dreg:s6], $0x5FFFF  }
0xac: {  	[dreg:$0x1] =	wrdreg $0xFFFFFFFF  }
0xad: {  	[dreg:$0x0] =	wrdreg $0x60  }
0xae: {  	[dreg:$0x2] =	wrdreg s24  }
0xaf: {  	[dreg:$0x3] =	wrdreg $0x9  }
0xb0: {  	_ =	task.clear_ibuf [dreg:s6], $0x4FFFF;
	_ =	strace $0x90000046  }
0xb1: {  	s29 =	simm.s32 $0x9;
	_ =	strace $0x80000048  }
0xb2: {  	_ =	swait.ge [sflag:s29], $0x1  }
0xb3: {  	[sflag:s29] =	ssyncadd.s32 $0xFFFFFFFF  }
0xb4: {  	_ =	strace $0x90000048  }
0xb5: {  	_ =	sfence  }
0xb6: {  	s30 =	sld [smem:$0x0];
	_ =	sdelay $0x2  }
0xb7: {  	s31 =	sshll.u32 s1, $0xD;
	s1 =	sshrl.u32 s1, $0x2  }
0xb8: {  	s3 =	sand.u32 $0x4000, s31;
	s1 =	sadd.s32 s1, s30  }
0xb9: {  	s0 =	sor.u32 s3, s0;
	s1 =	sshll.u32 s1, $0x11  }
0xba: {  	s0 =	sor.u32 s1, s0  }
0xbb: {  	s0 =	sadd.s32 $0x8F2B, s0  }
0xbc: {  	[sflag:s0] =	ssyncadd.remote.s32 $0x1  }
0xbd: {  	_ =	sfence.sel $0xFFFF  }
0xbe: {  	[dreg:$0x0] =	wrdreg $0xFFFFFFFF;
	(pc) =	sbr.abs _section_cstart, $3  }
0xbf: {  	[dreg:$0x1] =	wrdreg $0xFFFFFFFF  }
0xc0: {  	_ =	task.clear_ibuf [dreg:s6], $0x2FFFF;
	_ =	strace $0x9FFFFFFF  }
0xc1: {  	(tm) =	ssettm $0x7FFFFFFF  }
tec
execute0_lowered:
.L_overlay_start_1:
0x0: {  	(tag) =	ssettag $0x1  }
0x1: {  	v0 =	vimm.s32 $0xBCAB9A89;
	v1 =	vimm.s32 $0xF0EFDECD  }
0x2: {  	v2 =	vimm.s32 $0x34231201;
	v3 =	vimm.s32 $0x78675645;
	v4 =	vimm.s32 $0xBDAC9B8A  }
0x3: {  	v5 =	vimm.s32 $0xF1E0DFCE;
	vm0 =	vcmask $0x1F10;
	v7 =	vimm.s32 $0x7A695847  }
0x4: {  	v9 =	vimm.s32 $0xB0AF9E8D;
	v12 =	vimm.s32 $0x7C6B5A49;
	v15 =	vimm.s32 $0x71605F4E  }
0x5: {  	v18 =	vimm.s32 $0x74635241;
	v19 =	vimm.s32 $0xB9A89786;
	v20 =	vimm.s32 $0xFDECDBCA  }
0x6: {  	v0 =	vunpack.c.0.s8.s32 v0;
	v1 =	vunpack.c.0.s8.s32 v1;
	v2 =	vunpack.c.0.s8.s32 v2  }
0x7: {  	v3 =	vunpack.c.0.s8.s32 v3;
	v6 =	vunpack.c.0.s8.s32 v4;
	v5 =	vunpack.c.0.s8.s32 v5  }
0x8: {  	v9 =	vunpack.c.0.s8.s32 v9;
	v12 =	vunpack.c.0.s8.s32 v12;
	v15 =	vunpack.c.0.s8.s32 v15  }
0x9: {  	v18 =	vunpack.c.0.s8.s32 v18;
	v0 =	vsel vm0, v1, v0;
	v1 =	vsel vm0, v3, v2  }
0xa: {  	v2 =	vimm.s32 $0x79685746;
	v3 =	vimm.s32 $0xBEAD9C8B;
	v4 =	vcombine.low v1, v0  }
0xb: {  	v0 =	vsel vm0, v5, v6;
	v1 =	vimm.s32 $0x35241302;
	v2 =	vunpack.c.0.s8.s32 v2  }
0xc: {  	v3 =	vunpack.c.0.s8.s32 v3;
	v5 =	vimm.s32 $0xF2E1D0CF;
	v1 =	vunpack.c.0.s8.s32 v1  }
0xd: {  	v6 =	vimm.s32 $0x36251403;
	v5 =	vunpack.c.0.s8.s32 v5;
	v4 =	vand.u32 $0xFF, v4  }
0xe: {  	v1 =	vsel vm0, v2, v1;
	v2 =	vunpack.c.0.s8.s32 v6;
	v6 =	vunpack.c.0.s8.s32 v7  }
0xf: {  	v3 =	vsel vm0, v5, v3;
	v5 =	vimm.s32 $0xBFAE9D8C;
	v7 =	vimm.s32 $0xF3E2D1C0  }
0x10: {  	v8 =	vunpack.c.0.s8.s32 v5;
	v7 =	vunpack.c.0.s8.s32 v7;
	v5 =	vimm.s32 $0x37261504  }
0x11: {  	v2 =	vsel vm0, v6, v2;
	v6 =	vimm.s32 $0x7B6A5948;
	v10 =	vunpack.c.0.s8.s32 v5  }
0x12: {  	v5 =	vimm.s32 $0xF4E3D2C1;
	v11 =	vunpack.c.0.s8.s32 v6;
	v6 =	vimm.s32 $0x38271605  }
0x13: {  	v13 =	vunpack.c.0.s8.s32 v5;
	v5 =	vcombine.low v1, v0;
	v0 =	vsel vm0, v7, v8  }
0x14: {  	v7 =	vimm.s32 $0xB1A09F8E;
	v8 =	vimm.s32 $0xF5E4D3C2;
	v14 =	vunpack.c.0.s8.s32 v6  }
0x15: {  	v6 =	vcombine.low v2, v3;
	v1 =	vsel vm0, v11, v10;
	v2 =	vsel vm0, v13, v9  }
0x16: {  	v9 =	vimm.s32 $0x39281706;
	v10 =	vunpack.c.0.s8.s32 v7;
	v11 =	vunpack.c.0.s8.s32 v8  }
0x17: {  	v7 =	vimm.s32 $0x7D6C5B4A;
	v8 =	vimm.s32 $0xB2A1908F;
	v5 =	vand.u32 $0xFF, v5  }
0x18: {  	v3 =	vsel vm0, v12, v14;
	v9 =	vunpack.c.0.s8.s32 v9;
	v12 =	vimm.s32 $0xF6E5D4C3  }
0x19: {  	v13 =	vunpack.c.0.s8.s32 v7;
	v14 =	vunpack.c.0.s8.s32 v8;
	v7 =	vcombine.low v1, v0  }
0x1a: {  	v6 =	vand.u32 $0xFF, v6;
	v12 =	vunpack.c.0.s8.s32 v12;
	v8 =	vcombine.low v3, v2  }
0x1b: {  	v0 =	vsel vm0, v11, v10;
	v3 =	vimm.s32 $0x3A291807;
	v10 =	vimm.s32 $0xB3A29180  }
0x1c: {  	v11 =	vimm.s32 $0xF7E6D5C4;
	v1 =	vsel vm0, v13, v9;
	v3 =	vunpack.c.0.s8.s32 v3  }
0x1d: {  	v9 =	vimm.s32 $0x7E6D5C4B;
	v10 =	vunpack.c.0.s8.s32 v10;
	v11 =	vunpack.c.0.s8.s32 v11  }
0x1e: {  	v13 =	vimm.s32 $0x7F6E5D4C;
	v7 =	vand.u32 $0xFF, v7;
	v9 =	vunpack.c.0.s8.s32 v9  }
0x1f: {  	v2 =	vsel vm0, v12, v14;
	v12 =	vimm.s32 $0x3B2A1908;
	v8 =	vand.u32 $0xFF, v8  }
0x20: {  	v3 =	vsel vm0, v9, v3;
	v9 =	vunpack.c.0.s8.s32 v12;
	v12 =	vunpack.c.0.s8.s32 v13  }
0x21: {  	v13 =	vcombine.low v1, v0;
	v0 =	vsel vm0, v11, v10;
	v10 =	vimm.s32 $0xF9E8D7C6  }
0x22: {  	v14 =	vcombine.low v3, v2;
	v2 =	vimm.s32 $0xB4A39281;
	v3 =	vimm.s32 $0xF8E7D6C5  }
0x23: {  	v10 =	vunpack.c.0.s8.s32 v10;
	v1 =	vsel vm0, v12, v9;
	v9 =	vimm.s32 $0xB5A49382  }
0x24: {  	v12 =	vimm.s32 $0x3D2C1B0A;
	v11 =	vcombine.low v1, v0;
	v0 =	vunpack.c.0.s8.s32 v2  }
0x25: {  	v1 =	vunpack.c.0.s8.s32 v3;
	v2 =	vimm.s32 $0x3C2B1A09;
	v3 =	vimm.s32 $0x706F5E4D  }
0x26: {  	v9 =	vunpack.c.0.s8.s32 v9;
	v2 =	vunpack.c.0.s8.s32 v2;
	v3 =	vunpack.c.0.s8.s32 v3  }
0x27: {  	v12 =	vunpack.c.0.s8.s32 v12;
	v0 =	vsel vm0, v1, v0;
	v11 =	vand.u32 $0xFF, v11  }
0x28: {  	v1 =	vsel vm0, v3, v2;
	v2 =	vimm.s32 $0xB6A59483;
	v3 =	vsel vm0, v10, v9  }
0x29: {  	v9 =	vsel vm0, v15, v12;
	v10 =	vimm.s32 $0xFAE9D8C7;
	v12 =	vimm.s32 $0x3E2D1C0B  }
0x2a: {  	v15 =	vimm.s32 $0x7261504F;
	v2 =	vunpack.c.0.s8.s32 v2;
	v10 =	vunpack.c.0.s8.s32 v10  }
0x2b: {  	v12 =	vunpack.c.0.s8.s32 v12;
	v15 =	vunpack.c.0.s8.s32 v15;
	v16 =	vcombine.low v1, v0  }
0x2c: {  	v17 =	vcombine.low v9, v3;
	v3 =	vimm.s32 $0x73625140;
	v9 =	vimm.s32 $0xB8A79685  }
0x2d: {  	v3 =	vunpack.c.0.s8.s32 v3;
	v9 =	vunpack.c.0.s8.s32 v9;
	v0 =	vsel vm0, v10, v2  }
0x2e: {  	v1 =	vsel vm0, v15, v12;
	v2 =	vimm.s32 $0xB7A69584;
	v10 =	vimm.s32 $0xFCEBDAC9  }
0x2f: {  	v12 =	vimm.s32 $0x302F1E0D;
	v15 =	vcombine.low v1, v0;
	v1 =	vimm.s32 $0xFBEAD9C8  }
0x30: {  	v0 =	vunpack.c.0.s8.s32 v2;
	v2 =	vimm.s32 $0x3F2E1D0C;
	v1 =	vunpack.c.0.s8.s32 v1  }
0x31: {  	v10 =	vunpack.c.0.s8.s32 v10;
	v12 =	vunpack.c.0.s8.s32 v12;
	v2 =	vunpack.c.0.s8.s32 v2  }
0x32: {  	v0 =	vsel vm0, v1, v0;
	v1 =	vunpack.c.0.s8.s32 v19;
	v19 =	vunpack.c.0.s8.s32 v20  }
0x33: {  	s4 =	rddreg [dreg:$0x0];
	s1 =	simm.s32 $0x0;
	s0 =	stileid.u32;
	v2 =	vsel vm0, v3, v2;
	v3 =	vsel vm0, v10, v9;
	v9 =	vsel vm0, v18, v12  }
0x34: {  	s2 =	rddreg [dreg:$0x1];
	s11 =	simm.s32 $0x400;
	s12 =	simm.s32 $0x10000;
	v10 =	vimm.s32 $0x76655443;
	v18 =	vcombine.low v2, v0;
	v20 =	vcombine.low v9, v3  }
0x35: {  	s5 =	srdreg.scid;
	s10 =	simm.s32 $0x80;
	s13 =	simm.s32 $0x0;
	v0 =	vimm.s32 $0x31201F0E;
	v2 =	vimm.s32 $0xBAA99887;
	v9 =	vimm.s32 $0x3221100F  }
0x36: {  	[smem:$0x7FF] =	sst s1;
	s3 =	sshll.u32 s0, $0xE;
	s6 =	sshll.u32 s0, $0x9;
	v10 =	vunpack.c.0.s8.s32 v10;
	v19 =	vsel vm0, v19, v1;
	v1 =	vimm.s32 $0x75645342  }
0x37: {  	s5 =	sand.u32 $0x1, s5;
	s7 =	sshll.u32 s0, $0x1;
	_ =	strace $0x80000047;
	v3 =	vunpack.c.0.s8.s32 v0;
	v0 =	vimm.s32 $0xFEEDDCCB;
	v9 =	vunpack.c.0.s8.s32 v9  }
0x38: {  	s3 =	sand.u32 $0x38000, s3;
	s6 =	sand.u32 $0x1800, s6;
	s7 =	sor.u32 s5, s7;
	v2 =	vunpack.c.0.s8.s32 v2;
	v1 =	vunpack.c.0.s8.s32 v1;
	v12 =	vunpack.c.0.s8.s32 v0  }
0x39: {  	s5 =	ssub.s32 $0x2, s5;
	s8 =	sadd.s32 s3, s4;
	s3 =	sadd.s32 $0x44C00, s4;
	v0 =	vimm.f32 $0.0e+00;
	v23 =	vsel vm0, v10, v9;
	v9 =	vand.u32 $0xFF, v13  }
0x3a: {  	s6 =	sadd.s32 s6, s4;
	s29 =	sshll.u32 s7, $0xD;
	s7 =	sshll.u32 s7, $0x4;
	v10 =	vand.u32 $0xFF, v14;
	v13 =	vand.u32 $0xFF, v17;
	v14 =	vand.u32 $0xFF, v15  }
0x3b: {  	s9 =	sshrl.u32 s5, $0x1;
	s4 =	sand.u32 $0x6000, s29;
	s7 =	sand.u32 $0x70, s7;
	v15 =	vand.u32 $0xFF, v18;
	v21 =	vsel vm0, v1, v3;
	v22 =	vsel vm0, v12, v2  }
0x3c: {  	s30 =	ssub.s32 s5, s9;
	s9 =	simm.s32 $0x8000;
	s4 =	sadd.s32 s4, s8;
	v1 =	vlaneseq.u32;
	v19 =	vcombine.low v21, v19;
	v63 =	vcombine.low v23, v22  }
0x3d: {  	s31 =	sadd.s32 s7, s6;
	s6 =	smax.u32 s30, $0x1;
	s7 =	simm.s32 $0x10800;
	v2 =	vimm.f32 $1.000000000e+00;
	v12 =	vand.u32 $0xFF, v16;
	v3 =	vmul.u32 $0x11, v1  }
0x3e: {  	s8 =	simm.s32 $0x1;
	s4 =	sadd.s32 $0x2200, s4;
	s5 =	sadd.s32 $0x44E00, s31;
	v16 =	vand.u32 $0xFF, v20;
	v17 =	vand.u32 $0xFF, v19;
	v18 =	vand.u32 $0xFF, v63  }
.LBB2_1:
0x3f: {  	[tilespmem:s7], [sflag:$0x1] =	stream.linear.gather [hbm4b:s3+s1], $0x80, $0x38;
	[tilespmem:$0x10880] =	vst v63  }
0x40: {  	_ =	swait.ge [sflag:s8], $0x80  }
0x41: {  	[sflag:s8] =	ssyncset.done $0x0  }
0x42: {  	s14 =	simm.s32 $0x8040;
	[sflag:s8] =	ssyncadd.s32 $0xFFFFFF80  }
0x43: {  	v19 =	vld [tilespmem:$0x10800];
	[tilespmem:s14+$0xFFFFFFC0] =	vst v0  }
0x44: {  	[tilespmem:s14+$0x30] =	vst v0  }
0x45: {  	[tilespmem:s14+$0x20] =	vst v0  }
0x46: {  	[tilespmem:s14+$0x10] =	vst v0  }
0x47: {  	[tilespmem:s14+$0x0] =	vst v0  }
0x48: {  	[tilespmem:s14+$0xFFFFFFF0] =	vst v0  }
0x49: {  	s15 =	simm.s32 $0x0;
	p1 =	por $0x1, $0x1;
	[tilespmem:s14+$0xFFFFFFE0] =	vst v0  }
.LBB2_2:
0x4a: {  	s15 =	sadd.s32 $0x8, s15;
	[tilespmem:s14+$0xFFFFFFD0] =	vst v0;
	s14 =	sadd.s32 $0x80, s14  }
0x4b: {  	[tilespmem:s14+$0xFFFFFFC0] =	vst v0;
	p0 =	slt.u32 s15, $0x7F8  }
0x4c: {  	[tilespmem:s14+$0x30] =	vst v0  }
.Ltmp0:
0x4d: {  	[tilespmem:s14+$0x20] =	vst v0;
	(pc) =	sbr.rel @p0 .LBB2_2-.Ltmp0, $4  }
0x4e: {  	[tilespmem:s14+$0x10] =	vst v0  }
0x4f: {  	[tilespmem:s14+$0x0] =	vst v0  }
0x50: {  	[tilespmem:s14+$0xFFFFFFF0] =	vst v0  }
0x51: {  	[tilespmem:s14+$0xFFFFFFE0] =	vst v0  }
0x52: {  	[tilespmem:s14+$0xFFFFFFD0] =	vst v0;
	s15 =	simm.s32 $0x0;
	s18 =	simm.s32 $0x0  }
.LBB2_4:
0x53: {  	s14 =	sadd.s32 s18, s4  }
0x54: {  	[tilespmem:s15], [sflag:$0x1] =	stream.linear.gather [hbm4b:s14+s15], $0x8000, $0x38;
	[tilespmem:$0x10880] =	vst v63  }
0x55: {  	s31 =	sand.u32 $0x7000, s15;
	s16 =	sand.u32 $0xC00, s15;
	_ =	swait.ge [sflag:s8], $0x8000  }
0x56: {  	s17 =	sand.u32 $0x380, s15;
	s14 =	sor.u32 s16, s31;
	[sflag:s8] =	ssyncset.done $0x0  }
0x57: {  	s14 =	sor.u32 s17, s14;
	[sflag:s8] =	ssyncadd.s32 $0xFFFF8000  }
0x58: {  	v26 =	vld [tilespmem:s14+$0x70]  }
0x59: {  	v24 =	vld [tilespmem:s14+$0x0]  }
0x5a: {  	v21 =	vld [tilespmem:s14+$0x30]  }
0x5b: {  	v23 =	vld [tilespmem:s14+$0x40]  }
0x5c: {  	v25 =	vld [tilespmem:s14+$0x50]  }
0x5d: {  	v20 =	vld [tilespmem:s14+$0x10];
	_ =	sdelay $0x1  }
0x5e: {  	v27 =	vmax.f32 v26, $0.0e+00  }
0x5f: {  	v22 =	vld [tilespmem:s14+$0x20];
	v28 =	vmax.f32 v24, $0.0e+00;
	vm0 =	vlt.f32 v24, $3.566749690e-01;
	vm2 =	vlt.f32 v26, $3.566749690e-01  }
0x60: {  	v30 =	vmax.f32 v21, $0.0e+00;
	v31 =	vmax.f32 v23, $0.0e+00;
	v32 =	vmax.f32 v25, $0.0e+00  }
0x61: {  	v29 =	vshrl.u32 v27, $0x13;
	v26 =	vshrl.u32 v27, $0x4;
	v27 =	vmax.f32 v20, $0.0e+00  }
0x62: {  	v36 =	vshrl.u32 v30, $0x13;
	v37 =	vshrl.u32 v31, $0x13;
	v38 =	vshrl.u32 v32, $0x13  }
0x63: {  	v30 =	vshrl.u32 v30, $0x4;
	v31 =	vshrl.u32 v31, $0x4;
	v32 =	vshrl.u32 v32, $0x4  }
0x64: {  	v24 =	vld [tilespmem:s14+$0x60];
	vm1 =	veq.s32 v29, v19;
	v26 =	vand.u32 $0x7FF0, v26;
	v29 =	vmax.f32 v22, $0.0e+00  }
0x65: {  	v34 =	vshrl.u32 v27, $0x13;
	v27 =	vshrl.u32 v27, $0x4;
	vm8 =	vmand vm2, vm1  }
0x66: {  	vm3 =	veq.s32 v36, v19;
	vm4 =	veq.s32 v37, v19;
	v33 =	vor.u32 v1, v26  }
0x67: {  	v26 =	vshrl.u32 v28, $0x13;
	v35 =	vshrl.u32 v29, $0x13;
	v28 =	vshrl.u32 v28, $0x4  }
0x68: {  	v41 =	vshrl.u32 v29, $0x4;
	vm7 =	veq.s32 v34, v19;
	vm2 =	veq.s32 v38, v19  }
0x69: {  	vm5 =	veq.s32 v26, v19;
	vm6 =	veq.s32 v35, v19;
	v39 =	vmax.f32 v24, $0.0e+00  }
0x6a: {  	p0 =	por p1, p1;
	s18 =	simm.s32 $0x80;
	v29 =	vand.u32 $0x7FF0, v28;
	v28 =	vand.u32 $0x7FF0, v27;
	v40 =	vshrl.u32 v39, $0x13  }
0x6b: {  	s16 =	simm.s32 $0x20;
	s17 =	simm.s32 $0x400;
	s14 =	simm.s32 $0x0;
	v27 =	vand.u32 $0x7FF0, v41;
	v26 =	vshrl.u32 v39, $0x4;
	vm1 =	veq.s32 v40, v19;
	[tilespmem:v33+s9+$0x0] =	vst.idx.add.f32.msk vm8, v2  }
.LBB2_5:
0x6c: {  	s19 =	sand.u32 $0x7000, s18;
	s20 =	sand.u32 $0xC00, s17;
	s14 =	sadd.s32 $0x8, s14;
	v30 =	vand.u32 $0x7FF0, v30;
	v31 =	vand.u32 $0x7FF0, v31;
	v32 =	vand.u32 $0x7FF0, v32  }
0x6d: {  	s21 =	sand.u32 $0x380, s16;
	vm9 =	vlt.f32 v20, $3.566749690e-01;
	vm10 =	vlt.f32 v22, $3.566749690e-01;
	v26 =	vand.u32 $0x7FF0, v26;
	s19 =	sor.u32 s20, s19;
	p1 =	slt.u32 s14, $0x7F8  }
0x6e: {  	vm11 =	vlt.f32 v21, $3.566749690e-01;
	vm12 =	vlt.f32 v23, $3.566749690e-01;
	vm13 =	vlt.f32 v25, $3.566749690e-01;
	s19 =	sor.u32 s21, s19  }
0x6f: {  	vm8 =	vmand vm0, vm5;
	vm0 =	vlt.f32 v24, $3.566749690e-01;
	vm7 =	vmand vm9, vm7;
	v33 =	vld [tilespmem:s19+$0x70]  }
0x70: {  	vm6 =	vmand vm10, vm6;
	vm5 =	vmand vm11, vm3;
	vm3 =	vmand vm12, vm4;
	v24 =	vld [tilespmem:s19+$0x0]  }
0x71: {  	v29 =	vor.u32 v1, v29;
	vm2 =	vmand vm13, vm2;
	vm1 =	vmand vm0, vm1;
	v20 =	vld [tilespmem:s19+$0x10]  }
0x72: {  	v28 =	vor.u32 v1, v28;
	v27 =	vor.u32 v1, v27;
	v30 =	vor.u32 v1, v30;
	v22 =	vld [tilespmem:s19+$0x20]  }
0x73: {  	v31 =	vor.u32 v1, v31;
	v32 =	vor.u32 v1, v32;
	v34 =	vor.u32 v1, v26;
	v21 =	vld [tilespmem:s19+$0x30]  }
0x74: {  	v23 =	vld [tilespmem:s19+$0x40];
	v26 =	vmax.f32 v33, $0.0e+00  }
0x75: {  	v35 =	vmax.f32 v24, $0.0e+00;
	vm0 =	vlt.f32 v24, $3.566749690e-01;
	v25 =	vld [tilespmem:s19+$0x50];
	v36 =	vshrl.u32 v26, $0x13  }
0x76: {  	vm9 =	vlt.f32 v33, $3.566749690e-01;
	v26 =	vshrl.u32 v26, $0x4;
	v24 =	vld [tilespmem:s19+$0x60];
	vm4 =	veq.s32 v36, v19  }
0x77: {  	v33 =	vmax.f32 v20, $0.0e+00;
	v26 =	vand.u32 $0x7FF0, v26;
	vm4 =	vmand vm9, vm4;
	[tilespmem:v29+s9+$0x0] =	vst.idx.add.f32.msk vm8, v2  }
0x78: {  	v29 =	vmax.f32 v22, $0.0e+00;
	v26 =	vor.u32 v1, v26;
	v36 =	vmax.f32 v21, $0.0e+00;
	[tilespmem:v28+s9+$0x0] =	vst.idx.add.f32.msk vm7, v2  }
0x79: {  	v37 =	vshrl.u32 v33, $0x13;
	v28 =	vshrl.u32 v35, $0x13;
	v38 =	vmax.f32 v23, $0.0e+00;
	[tilespmem:v27+s9+$0x0] =	vst.idx.add.f32.msk vm6, v2  }
0x7a: {  	v27 =	vshrl.u32 v29, $0x13;
	v39 =	vshrl.u32 v36, $0x13;
	v40 =	vmax.f32 v25, $0.0e+00;
	[tilespmem:v30+s9+$0x0] =	vst.idx.add.f32.msk vm5, v2  }
0x7b: {  	v41 =	vshrl.u32 v38, $0x13;
	v42 =	vshrl.u32 v40, $0x13;
	v43 =	vmax.f32 v24, $0.0e+00;
	[tilespmem:v31+s9+$0x0] =	vst.idx.add.f32.msk vm3, v2  }
0x7c: {  	v33 =	vshrl.u32 v33, $0x4;
	v35 =	vshrl.u32 v35, $0x4;
	v44 =	vshrl.u32 v43, $0x13;
	[tilespmem:v32+s9+$0x0] =	vst.idx.add.f32.msk vm2, v2  }
.Ltmp1:
0x7d: {  	v45 =	vshrl.u32 v29, $0x4;
	v30 =	vshrl.u32 v36, $0x4;
	v31 =	vshrl.u32 v38, $0x4;
	[tilespmem:v26+s9+$0x0] =	vst.idx.add.f32.msk vm4, v2;
	(pc) =	sbr.rel @p1 .LBB2_5-.Ltmp1, $4  }
0x7e: {  	vm5 =	veq.s32 v28, v19;
	v32 =	vshrl.u32 v40, $0x4;
	v26 =	vshrl.u32 v43, $0x4;
	[tilespmem:v34+s9+$0x0] =	vst.idx.add.f32.msk vm1, v2  }
0x7f: {  	vm7 =	veq.s32 v37, v19;
	vm6 =	veq.s32 v27, v19;
	vm3 =	veq.s32 v39, v19  }
0x80: {  	vm2 =	veq.s32 v42, v19;
	vm4 =	veq.s32 v41, v19;
	vm1 =	veq.s32 v44, v19  }
0x81: {  	s16 =	sadd.s32 $0x20, s16;
	s17 =	sadd.s32 $0x400, s17;
	s18 =	sadd.s32 $0x80, s18;
	v29 =	vand.u32 $0x7FF0, v35;
	v28 =	vand.u32 $0x7FF0, v33;
	v27 =	vand.u32 $0x7FF0, v45  }
0x82: {  	v30 =	vand.u32 $0x7FF0, v30;
	v31 =	vand.u32 $0x7FF0, v31  }
0x83: {  	v32 =	vand.u32 $0x7FF0, v32;
	vm8 =	vlt.f32 v20, $3.566749690e-01;
	vm0 =	vmand vm0, vm5  }
0x84: {  	vm15 =	vlt.f32 v22, $3.566749690e-01;
	v20 =	vor.u32 v1, v29;
	vm7 =	vmand vm8, vm7  }
0x85: {  	vm12 =	vlt.f32 v21, $3.566749690e-01;
	v58 =	vor.u32 v1, v28;
	vm5 =	vmand vm15, vm6  }
0x86: {  	vm13 =	vlt.f32 v23, $3.566749690e-01;
	v59 =	vor.u32 v1, v27;
	vm3 =	vmand vm12, vm3  }
0x87: {  	vm14 =	vlt.f32 v25, $3.566749690e-01;
	vm4 =	vmand vm13, vm4;
	v60 =	vor.u32 v1, v30  }
0x88: {  	vm15 =	vlt.f32 v24, $3.566749690e-01;
	vm2 =	vmand vm14, vm2;
	v61 =	vor.u32 v1, v31  }
0x89: {  	v62 =	vand.u32 $0x7FF0, v26;
	v63 =	vor.u32 v1, v32;
	vm1 =	vmand vm15, vm1;
	[tilespmem:v20+s9+$0x0] =	vst.idx.add.f32.msk vm0, v2  }
0x8a: {  	v20 =	vor.u32 v1, v62;
	[tilespmem:v58+s9+$0x0] =	vst.idx.add.f32.msk vm7, v2  }
.Ltmp2:
0x8b: {  	[tilespmem:v59+s9+$0x0] =	vst.idx.add.f32.msk vm5, v2;
	(pc) =	sbr.rel @p0 .LBB2_4-.Ltmp2, $4  }
0x8c: {  	[tilespmem:v60+s9+$0x0] =	vst.idx.add.f32.msk vm3, v2  }
0x8d: {  	[tilespmem:v61+s9+$0x0] =	vst.idx.add.f32.msk vm4, v2  }
0x8e: {  	s16 =	simm.s32 $0xFFFFFFFE;
	s14 =	simm.s32 $0x10010;
	[tilespmem:v63+s9+$0x0] =	vst.idx.add.f32.msk vm2, v2  }
0x8f: {  	s17 =	simm.s32 $0x100;
	s18 =	simm.s32 $0x1000;
	p1 =	por $0x0, $0x0;
	[tilespmem:v20+s9+$0x0] =	vst.idx.add.f32.msk vm1, v2  }
0x90: {  	v19 =	vor.u32 s17, v3  }
0x91: {  	v21 =	vor.u32 s17, v4  }
0x92: {  	v23 =	vor.u32 s17, v5  }
0x93: {  	v25 =	vor.u32 s17, v6  }
0x94: {  	v27 =	vor.u32 s17, v7  }
0x95: {  	v29 =	vor.u32 s17, v8;
	v19 =	vld.idx.msk [tilespmem:v19+s9+$0x0], $0xffff  }
0x96: {  	v31 =	vor.u32 s17, v9;
	v21 =	vld.idx.msk [tilespmem:v21+s9+$0x0], $0xffff  }
0x97: {  	v33 =	vor.u32 s17, v10;
	v23 =	vld.idx.msk [tilespmem:v23+s9+$0x0], $0xffff  }
0x98: {  	v35 =	vor.u32 s17, v11;
	v25 =	vld.idx.msk [tilespmem:v25+s9+$0x0], $0xffff  }
0x99: {  	v37 =	vor.u32 s17, v12;
	v27 =	vld.idx.msk [tilespmem:v27+s9+$0x0], $0xffff  }
0x9a: {  	v39 =	vor.u32 s17, v13;
	v29 =	vld.idx.msk [tilespmem:v29+s9+$0x0], $0xffff  }
0x9b: {  	v41 =	vor.u32 s17, v14;
	v31 =	vld.idx.msk [tilespmem:v31+s9+$0x0], $0xffff  }
0x9c: {  	v43 =	vor.u32 s17, v15;
	v33 =	vld.idx.msk [tilespmem:v33+s9+$0x0], $0xffff  }
0x9d: {  	v45 =	vor.u32 s17, v16;
	v35 =	vld.idx.msk [tilespmem:v35+s9+$0x0], $0xffff  }
0x9e: {  	v47 =	vor.u32 s17, v17;
	v37 =	vld.idx.msk [tilespmem:v37+s9+$0x0], $0xffff  }
0x9f: {  	s15 =	sadd.s32 $0xFFFFFF00, s17;
	v49 =	vor.u32 s17, v18;
	v39 =	vld.idx.msk [tilespmem:v39+s9+$0x0], $0xffff  }
0xa0: {  	v20 =	vor.u32 s15, v3;
	v41 =	vld.idx.msk [tilespmem:v41+s9+$0x0], $0xffff  }
0xa1: {  	v22 =	vor.u32 s15, v4;
	v43 =	vld.idx.msk [tilespmem:v43+s9+$0x0], $0xffff  }
0xa2: {  	v24 =	vor.u32 s15, v5;
	v45 =	vld.idx.msk [tilespmem:v45+s9+$0x0], $0xffff  }
0xa3: {  	v26 =	vor.u32 s15, v6;
	v47 =	vld.idx.msk [tilespmem:v47+s9+$0x0], $0xffff  }
0xa4: {  	v28 =	vor.u32 s15, v7;
	v49 =	vld.idx.msk [tilespmem:v49+s9+$0x0], $0xffff  }
0xa5: {  	v30 =	vor.u32 s15, v8;
	v20 =	vld.idx.msk [tilespmem:v20+s9+$0x0], $0xffff  }
0xa6: {  	v32 =	vor.u32 s15, v9;
	v22 =	vld.idx.msk [tilespmem:v22+s9+$0x0], $0xffff  }
0xa7: {  	v34 =	vor.u32 s15, v10;
	v24 =	vld.idx.msk [tilespmem:v24+s9+$0x0], $0xffff  }
0xa8: {  	v36 =	vor.u32 s15, v11;
	v26 =	vld.idx.msk [tilespmem:v26+s9+$0x0], $0xffff  }
0xa9: {  	v38 =	vor.u32 s15, v12;
	v28 =	vld.idx.msk [tilespmem:v28+s9+$0x0], $0xffff  }
0xaa: {  	v40 =	vor.u32 s15, v13;
	v30 =	vld.idx.msk [tilespmem:v30+s9+$0x0], $0xffff  }
0xab: {  	s30 =	sadd.s32 $0x200, s17;
	v42 =	vor.u32 s15, v14;
	v32 =	vld.idx.msk [tilespmem:v32+s9+$0x0], $0xffff  }
0xac: {  	v44 =	vor.u32 s15, v15;
	s18 =	sadd.s32 $0xFFFFFF00, s30;
	v34 =	vld.idx.msk [tilespmem:v34+s9+$0x0], $0xffff  }
0xad: {  	v59 =	vor.u32 s18, v5;
	v36 =	vld.idx.msk [tilespmem:v36+s9+$0x0], $0xffff;
	v19 =	vadd.f32 $0.0e+00, v19  }
0xae: {  	v60 =	vor.u32 s18, v6;
	v38 =	vld.idx.msk [tilespmem:v38+s9+$0x0], $0xffff;
	v20 =	vadd.f32 $0.0e+00, v20  }
0xaf: {  	v61 =	vor.u32 s18, v7;
	v40 =	vld.idx.msk [tilespmem:v40+s9+$0x0], $0xffff;
	v19 =	vadd.f32 v21, v19  }
0xb0: {  	v63 =	vor.u32 s18, v8;
	v42 =	vld.idx.msk [tilespmem:v42+s9+$0x0], $0xffff;
	v20 =	vadd.f32 v22, v20  }
0xb1: {  	v44 =	vld.idx.msk [tilespmem:v44+s9+$0x0], $0xffff;
	v21 =	vor.u32 s30, v3;
	v19 =	vadd.f32 v23, v19  }
0xb2: {  	v57 =	vor.u32 s18, v3;
	v62 =	vld.idx.msk [tilespmem:v59+s9+$0x0], $0xffff;
	v20 =	vadd.f32 v24, v20  }
0xb3: {  	v52 =	vld.idx.msk [tilespmem:v60+s9+$0x0], $0xffff;
	v23 =	vor.u32 s30, v4;
	v19 =	vadd.f32 v25, v19  }
0xb4: {  	v58 =	vor.u32 s18, v4;
	v54 =	vld.idx.msk [tilespmem:v61+s9+$0x0], $0xffff;
	v20 =	vadd.f32 v26, v20  }
0xb5: {  	v55 =	vld.idx.msk [tilespmem:v63+s9+$0x0], $0xffff;
	v25 =	vor.u32 s30, v5;
	v19 =	vadd.f32 v27, v19  }
0xb6: {  	v46 =	vor.u32 s15, v16;
	v21 =	vld.idx.msk [tilespmem:v21+s9+$0x0], $0xffff;
	v20 =	vadd.f32 v28, v20  }
0xb7: {  	v27 =	vor.u32 s30, v6;
	v28 =	vld.idx.msk [tilespmem:v57+s9+$0x0], $0xffff;
	v19 =	vadd.f32 v29, v19  }
0xb8: {  	v48 =	vor.u32 s15, v17;
	v23 =	vld.idx.msk [tilespmem:v23+s9+$0x0], $0xffff;
	v20 =	vadd.f32 v30, v20  }
0xb9: {  	v29 =	vor.u32 s30, v7;
	v30 =	vld.idx.msk [tilespmem:v58+s9+$0x0], $0xffff;
	v19 =	vadd.f32 v31, v19  }
0xba: {  	v50 =	vor.u32 s15, v18;
	v25 =	vld.idx.msk [tilespmem:v25+s9+$0x0], $0xffff;
	v20 =	vadd.f32 v32, v20  }
0xbb: {  	v22 =	vld.idx.msk [tilespmem:v46+s9+$0x0], $0xffff;
	v31 =	vor.u32 s30, v8;
	v21 =	vadd.f32 $0.0e+00, v21;
	v19 =	vadd.f32 v33, v19  }
0xbc: {  	v51 =	vor.u32 s30, v9;
	v27 =	vld.idx.msk [tilespmem:v27+s9+$0x0], $0xffff;
	v28 =	vadd.f32 $0.0e+00, v28;
	v20 =	vadd.f32 v34, v20  }
0xbd: {  	v24 =	vld.idx.msk [tilespmem:v48+s9+$0x0], $0xffff;
	v21 =	vadd.f32 v23, v21;
	v23 =	vor.u32 s18, v9;
	v19 =	vadd.f32 v35, v19  }
0xbe: {  	v53 =	vor.u32 s30, v10;
	v29 =	vld.idx.msk [tilespmem:v29+s9+$0x0], $0xffff;
	v28 =	vadd.f32 v30, v28;
	v20 =	vadd.f32 v36, v20  }
0xbf: {  	v26 =	vld.idx.msk [tilespmem:v50+s9+$0x0], $0xffff;
	v21 =	vadd.f32 v25, v21;
	v25 =	vor.u32 s18, v10;
	v19 =	vadd.f32 v37, v19  }
0xc0: {  	v56 =	vor.u32 s18, v11;
	v30 =	vld.idx.msk [tilespmem:v31+s9+$0x0], $0xffff;
	v28 =	vadd.f32 v62, v28;
	v20 =	vadd.f32 v38, v20  }
0xc1: {  	v31 =	vor.u32 s30, v11;
	v21 =	vadd.f32 v27, v21;
	v27 =	vld.idx.msk [tilespmem:v51+s9+$0x0], $0xffff;
	v19 =	vadd.f32 v39, v19  }
0xc2: {  	v58 =	vor.u32 s18, v12;
	v23 =	vld.idx.msk [tilespmem:v23+s9+$0x0], $0xffff;
	v28 =	vadd.f32 v52, v28;
	v20 =	vadd.f32 v40, v20  }
0xc3: {  	v57 =	vor.u32 s30, v12;
	v21 =	vadd.f32 v29, v21;
	v29 =	vld.idx.msk [tilespmem:v53+s9+$0x0], $0xffff;
	v19 =	vadd.f32 v41, v19  }
0xc4: {  	v59 =	vor.u32 s30, v13;
	v60 =	vld.idx.msk [tilespmem:v25+s9+$0x0], $0xffff;
	v25 =	vadd.f32 v54, v28;
	v20 =	vadd.f32 v42, v20  }
0xc5: {  	v32 =	vld.idx.msk [tilespmem:v56+s9+$0x0], $0xffff;
	v28 =	vor.u32 s18, v13;
	v21 =	vadd.f32 v30, v21;
	v19 =	vadd.f32 v43, v19  }
0xc6: {  	v30 =	vld.idx.msk [tilespmem:v31+s9+$0x0], $0xffff;
	v31 =	vor.u32 s30, v14;
	v25 =	vadd.f32 v55, v25;
	v20 =	vadd.f32 v44, v20  }
0xc7: {  	v61 =	vor.u32 s18, v14;
	v34 =	vld.idx.msk [tilespmem:v58+s9+$0x0], $0xffff;
	v21 =	vadd.f32 v27, v21;
	v19 =	vadd.f32 v45, v19  }
0xc8: {  	v62 =	vor.u32 s30, v15;
	v27 =	vld.idx.msk [tilespmem:v57+s9+$0x0], $0xffff;
	v20 =	vadd.f32 v22, v20;
	v22 =	vadd.f32 v23, v25  }
0xc9: {  	v35 =	vld.idx.msk [tilespmem:v59+s9+$0x0], $0xffff;
	v21 =	vadd.f32 v29, v21;
	v23 =	vor.u32 s18, v15;
	v19 =	vadd.f32 v47, v19  }
0xca: {  	v63 =	vor.u32 s30, v16;
	v25 =	vld.idx.msk [tilespmem:v28+s9+$0x0], $0xffff;
	v20 =	vadd.f32 v24, v20;
	v22 =	vadd.f32 v60, v22  }
0xcb: {  	v24 =	vadd.f32 v30, v21;
	v21 =	vld.idx.msk [tilespmem:v31+s9+$0x0], $0xffff;
	v30 =	vor.u32 s18, v16;
	v31 =	vadd.f32 v49, v19  }
0xcc: {  	v28 =	vadd.f32 v26, v20;
	v26 =	vld.idx.msk [tilespmem:v61+s9+$0x0], $0xffff;
	v20 =	vor.u32 s30, v17;
	v32 =	vadd.f32 v32, v22  }
0xcd: {  	v29 =	vor.u32 s18, v17;
	v24 =	vadd.f32 v27, v24;
	v22 =	vld.idx.msk [tilespmem:v62+s9+$0x0], $0xffff  }
0xce: {  	s31 =	sadd.s32 $0x2, s16;
	v19 =	vor.u32 s30, v18;
	v27 =	vld.idx.msk [tilespmem:v23+s9+$0x0], $0xffff;
	[tilespmem:s14+$0x0] =	vst v31;
	v31 =	vadd.f32 v34, v32  }
0xcf: {  	s15 =	sadd.s32 $0x2, s31;
	s16 =	sadd.s32 $0x200, s30;
	v23 =	vld.idx.msk [tilespmem:v63+s9+$0x0], $0xffff;
	[tilespmem:s14+$0xFFFFFFF0] =	vst v28;
	v28 =	vor.u32 s18, v18;
	v24 =	vadd.f32 v35, v24  }
.LBB2_8:
0xd0: {  	s17 =	sadd.s32 $0xFFFFFF00, s16;
	v32 =	vor.u32 s16, v3;
	v33 =	vor.u32 s16, v4;
	s15 =	sadd.s32 $0x2, s15;
	v25 =	vadd.f32 v25, v31;
	v30 =	vld.idx.msk [tilespmem:v30+s9+$0x0], $0xffff  }
0xd1: {  	v34 =	vor.u32 s16, v5;
	v35 =	vor.u32 s16, v6;
	v31 =	vor.u32 s17, v3;
	p0 =	slt.u32 s15, $0x7E;
	v36 =	vld.idx.msk [tilespmem:v20+s9+$0x0], $0xffff  }
0xd2: {  	v37 =	vor.u32 s16, v7;
	v38 =	vor.u32 s16, v8;
	v20 =	vadd.f32 v26, v25;
	v25 =	vld.idx.msk [tilespmem:v29+s9+$0x0], $0xffff  }
0xd3: {  	v39 =	vor.u32 s16, v10;
	v26 =	vor.u32 s17, v4;
	v29 =	vor.u32 s16, v9;
	v40 =	vld.idx.msk [tilespmem:v19+s9+$0x0], $0xffff  }
0xd4: {  	v41 =	vor.u32 s16, v11;
	v42 =	vor.u32 s16, v12;
	v19 =	vadd.f32 v27, v20;
	v27 =	vld.idx.msk [tilespmem:v28+s9+$0x0], $0xffff  }
0xd5: {  	v43 =	vor.u32 s16, v13;
	v44 =	vor.u32 s16, v14;
	v28 =	vor.u32 s17, v5;
	v32 =	vld.idx.msk [tilespmem:v32+s9+$0x0], $0xffff  }
0xd6: {  	v45 =	vor.u32 s16, v15;
	v46 =	vor.u32 s16, v16;
	v31 =	vld.idx.msk [tilespmem:v31+s9+$0x0], $0xffff;
	v30 =	vadd.f32 v30, v19  }
0xd7: {  	v47 =	vor.u32 s17, v6;
	v21 =	vadd.f32 v21, v24;
	v20 =	vor.u32 s16, v17;
	v33 =	vld.idx.msk [tilespmem:v33+s9+$0x0], $0xffff  }
0xd8: {  	v19 =	vor.u32 s16, v18;
	v24 =	vld.idx.msk [tilespmem:v26+s9+$0x0], $0xffff;
	v25 =	vadd.f32 v25, v30  }
0xd9: {  	v21 =	vadd.f32 v22, v21;
	v26 =	vor.u32 s17, v7;
	v30 =	vld.idx.msk [tilespmem:v34+s9+$0x0], $0xffff  }
0xda: {  	v22 =	vld.idx.msk [tilespmem:v28+s9+$0x0], $0xffff;
	v25 =	vadd.f32 v27, v25  }
0xdb: {  	s14 =	sadd.s32 $0x20, s14;
	v21 =	vadd.f32 v23, v21;
	v27 =	vor.u32 s17, v8;
	v28 =	vadd.f32 $0.0e+00, v32;
	v32 =	vld.idx.msk [tilespmem:v35+s9+$0x0], $0xffff  }
0xdc: {  	v23 =	vadd.f32 $0.0e+00, v31;
	v31 =	vld.idx.msk [tilespmem:v47+s9+$0x0], $0xffff;
	[tilespmem:s14+$0xFFFFFFF0] =	vst v25  }
0xdd: {  	v21 =	vadd.f32 v36, v21;
	v25 =	vor.u32 s17, v9;
	v28 =	vadd.f32 v33, v28;
	v33 =	vld.idx.msk [tilespmem:v37+s9+$0x0], $0xffff  }
0xde: {  	v23 =	vadd.f32 v24, v23;
	v24 =	vld.idx.msk [tilespmem:v26+s9+$0x0], $0xffff  }
0xdf: {  	v21 =	vadd.f32 v40, v21;
	v26 =	vor.u32 s17, v10;
	v28 =	vadd.f32 v30, v28;
	v30 =	vld.idx.msk [tilespmem:v38+s9+$0x0], $0xffff  }
0xe0: {  	v22 =	vadd.f32 v22, v23;
	v23 =	vld.idx.msk [tilespmem:v27+s9+$0x0], $0xffff  }
0xe1: {  	v27 =	vor.u32 s17, v11;
	v28 =	vadd.f32 v32, v28;
	v29 =	vld.idx.msk [tilespmem:v29+s9+$0x0], $0xffff;
	[tilespmem:s14+$0x0] =	vst v21  }
0xe2: {  	v21 =	vadd.f32 v31, v22;
	v22 =	vld.idx.msk [tilespmem:v25+s9+$0x0], $0xffff  }
0xe3: {  	v25 =	vor.u32 s17, v12;
	v28 =	vadd.f32 v33, v28;
	v31 =	vld.idx.msk [tilespmem:v39+s9+$0x0], $0xffff  }
0xe4: {  	v21 =	vadd.f32 v24, v21;
	v24 =	vld.idx.msk [tilespmem:v26+s9+$0x0], $0xffff  }
0xe5: {  	v26 =	vor.u32 s17, v13;
	v28 =	vadd.f32 v30, v28;
	v32 =	vld.idx.msk [tilespmem:v41+s9+$0x0], $0xffff  }
0xe6: {  	v21 =	vadd.f32 v23, v21;
	v23 =	vld.idx.msk [tilespmem:v27+s9+$0x0], $0xffff  }
0xe7: {  	v27 =	vor.u32 s17, v14;
	v28 =	vadd.f32 v29, v28;
	v33 =	vld.idx.msk [tilespmem:v42+s9+$0x0], $0xffff  }
0xe8: {  	v21 =	vadd.f32 v22, v21;
	v34 =	vld.idx.msk [tilespmem:v25+s9+$0x0], $0xffff  }
0xe9: {  	v35 =	vor.u32 s17, v15;
	v22 =	vadd.f32 v31, v28;
	v36 =	vld.idx.msk [tilespmem:v43+s9+$0x0], $0xffff  }
0xea: {  	v24 =	vadd.f32 v24, v21;
	v25 =	vld.idx.msk [tilespmem:v26+s9+$0x0], $0xffff  }
.Ltmp3:
0xeb: {  	v30 =	vor.u32 s17, v16;
	v22 =	vadd.f32 v32, v22;
	v21 =	vld.idx.msk [tilespmem:v44+s9+$0x0], $0xffff;
	(pc) =	sbr.rel @p0 .LBB2_8-.Ltmp3, $4  }
0xec: {  	v23 =	vadd.f32 v23, v24;
	v26 =	vld.idx.msk [tilespmem:v27+s9+$0x0], $0xffff  }
0xed: {  	v29 =	vor.u32 s17, v17;
	v24 =	vadd.f32 v33, v22;
	v22 =	vld.idx.msk [tilespmem:v45+s9+$0x0], $0xffff  }
0xee: {  	v31 =	vadd.f32 v34, v23;
	v27 =	vld.idx.msk [tilespmem:v35+s9+$0x0], $0xffff  }
0xef: {  	s16 =	sadd.s32 $0x200, s16;
	v28 =	vor.u32 s17, v18;
	v24 =	vadd.f32 v36, v24;
	v23 =	vld.idx.msk [tilespmem:v46+s9+$0x0], $0xffff  }
0xf0: {  	_ =	sdelay $0x2  }
0xf1: {  	v25 =	vadd.f32 v25, v31  }
0xf2: {  	v30 =	vld.idx.msk [tilespmem:v30+s9+$0x0], $0xffff;
	v21 =	vadd.f32 v21, v24  }
0xf3: {  	v20 =	vld.idx.msk [tilespmem:v20+s9+$0x0], $0xffff;
	v25 =	vadd.f32 v26, v25  }
0xf4: {  	v59 =	vld.idx.msk [tilespmem:v29+s9+$0x0], $0xffff;
	v21 =	vadd.f32 v22, v21  }
0xf5: {  	v19 =	vld.idx.msk [tilespmem:v19+s9+$0x0], $0xffff;
	v60 =	vadd.f32 v27, v25  }
0xf6: {  	v61 =	vld.idx.msk [tilespmem:v28+s9+$0x0], $0xffff;
	v21 =	vadd.f32 v23, v21  }
0xf7: {  	v62 =	vadd.f32 v30, v60  }
0xf8: {  	v20 =	vadd.f32 v20, v21  }
0xf9: {  	v22 =	vadd.f32 v59, v62  }
0xfa: {  	v19 =	vadd.f32 v19, v20  }
0xfb: {  	s14 =	sadd.s32 $0x20, s14;
	s13 =	sadd.s32 $0x1, s13;
	v63 =	vadd.f32 v61, v22  }
0xfc: {  	p0 =	sne.s32 s13, s6;
	[tilespmem:s14+$0x0] =	vst v19  }
.Ltmp4:
0xfd: {  	[tilespmem:s14+$0xFFFFFFF0] =	vst v63;
	(pc) =	sbr.rel @p0 .LBB2_1-.Ltmp4, $4  }
0xfe: {  	[hbm4b:s5+s10] =	stream.strided.scatter [tilespmem:s12], [sflag:$0x1], $0x800, s11, s10, $0x38;
	[tilespmem:$0x10880] =	vst v63  }
0xff: {  	_ =	swait.ge [sflag:s8], $0x800  }
0x100: {  	[sflag:s8] =	ssyncset.done $0x0  }
0x101: {  	[sflag:s8] =	ssyncadd.s32 $0xFFFFF800  }
0x102: {  	_ =	sfence.sel $0x180000  }
0x103: {  	[bflag:$0x0] =	sbarrier.arrive $0xFFFF  }
0x104: {  	p0 =	sne.s32 s0, $0x0;
	_ =	strace $0x90000047  }
0x105: {  	s0 =	sadd.s32 @!p0 $0x100000, s2;
	[bflag:$0x2] =	sbarrier.arrive $0xFFFF  }
0x106: {  	[sflag:s0] =	ssyncadd.tile.s32 @!p0 $0x1;
	_ =	shalt  }
.Lfunc_end2:
_tile_overlayer_lowered:
.L_overlay_start_2:
0x107: {  	(tag) =	ssettag $0x2  }
0x108: {  	s0 =	rddreg [dreg:$0x0];
	s2 =	stileid.u32  }
0x109: {  	s1 =	rddreg [dreg:$0x1];
	p0 =	sne.s32 s2, $0x0  }
0x10a: {  	s3 =	rddreg [dreg:$0x2];
	[bflag:$0x3] =	sbarrier.arrive $0xFFFF;
	s2 =	simm.s32 @!p0 $0x1C01  }
0x10b: {  	[timem:s3], [sflag:s2] =	dma.local @!p0 [hbm:s0], s1  }
0x10c: {  	s0 =	simm.s32 @!p0 $0x1  }
0x10d: {  	_ =	swait.ge @!p0 [sflag:s0], s1  }
0x10e: {  	s1 =	ssub.s32 @!p0 $0x0, s1;
	[sflag:s0] =	ssyncset.done @!p0 $0x0  }
0x10f: {  	[sflag:s0] =	ssyncadd.s32 @!p0 s1  }
0x110: {  	[bflag:$0x3] =	sbarrier.arrive $0xFFFF  }
0x111: {  	_ =	shalt  }

// kernel: kernel.4.cloned.1.call-start
scs
__scs_entry_jumppad:
0x0: {  	(pc) =	sbr.rel $0x88, $3  }
0x1: {  	(tag) =	ssettag $0x0;
	lr =	simm.s32 $0x1  }
0x2: {  	[smem:$0x3F9F] =	sst lr;
	_ =	strace $0xD0000000  }
0x3: {  	_ = 	snop  }
0x4: {  	_ = 	snop  }
0x5: {  	_ = 	snop  }
0x6: {  	_ = 	snop  }
0x7: {  	_ = 	snop  }
__scs_overlays_trampoline_lowered:
0x8: {  	[smem:$0x3FAE] =	sst s0  }
0x9: {  	[smem:$0x3FAF] =	sst s1  }
0xa: {  	[smem:$0x3FB0] =	sst s2  }
0xb: {  	[smem:$0x3FB1] =	sst s3  }
0xc: {  	[smem:$0x3FB2] =	sst s4  }
0xd: {  	[smem:$0x3FB3] =	sst s5  }
0xe: {  	[smem:$0x3FB4] =	sst s6  }
0xf: {  	[smem:$0x3FB5] =	sst s7  }
0x10: {  	[smem:$0x3FB6] =	sst s8  }
0x11: {  	[smem:$0x3FB7] =	sst s9;
	s0 =	simm.s32 @!p0 $0x0  }
0x12: {  	s1 =	sld [smem:$0x3F9D];
	s0 =	simm.s32 @p0 $0x1  }
0x13: {  	[smem:$0x3FB8] =	sst s0;
	s0 =	simm.s32 @!p1 $0x0  }
0x14: {  	s2 =	sld [smem:$0x3F9C];
	s0 =	simm.s32 @p1 $0x1  }
0x15: {  	[smem:$0x3FB9] =	sst s0;
	s0 =	simm.s32 @!p2 $0x0  }
0x16: {  	s3 =	sld [smem:$0x3FDB];
	s0 =	simm.s32 @p2 $0x1  }
0x17: {  	s4 =	simm.s32 $0x1BF5;
	[smem:$0x3FBB] =	sst s0  }
0x18: {  	s0 =	sld [smem:$0x3F9E];
	_ =	swait.ge [sflag:s4], $0x0  }
0x19: {  	s7 =	sld [smem:$0x3F9F]  }
0x1a: {  	s8 =	sadd.s32 $0xFFFFE003, lr  }
0x1b: {  	s9 =	sadd.s32 $0xFFFFFEF7, lr;
	s5 =	simm.s32 $0xFFFFFFFF;
	p2 =	slt.u32 s8, $0xFFFFF086  }
0x1c: {  	p1 =	slt.u32 s9, $0xF7A;
	s5 =	simm.s32 @!p2 $0x0  }
0x1d: {  	s5 =	simm.s32 @p1 $0x1;
	p0 =	seq.s32 s7, s2  }
0x1e: {  	s7 =	smul.u32 @!p0 $0xF7A, s2;
	p2 =	seq.s32 @!p0 s5, $0x0  }
0x1f: {  	s9 =	smul.u32 $0xF7A, s1;
	s8 =	simm.s32 @!p0 $0x1BF5;
	p2 =	por !p2, p0  }
0x20: {  	[sflag:s8] =	ssyncset.s32 @!p0 $0xFFFFF086;
	s6 =	sadd.s32 @!p0 s3, s7;
	s7 =	simm.s32 @!p0 $0x108  }
0x21: {  	s3 =	sadd.s32 s3, s9;
	s6 =	sadd.s32 @!p0 $0x88, s6;
	s7 =	simm.s32 @p2 $0x1082  }
0x22: {  	[simem:s7], [sflag:s8] =	dma.local @!p0 [hbm:s6], $0xF7A  }
0x23: {  	s9 =	sor.u32 $0xD0000000, s2;
	s6 =	simm.s32 $0x108;
	_ =	swait.ge @!p0 [sflag:s8], $0x0  }
0x24: {  	s3 =	sadd.s32 $0x88, s3;
	s6 =	simm.s32 @!p1 $0x1082;
	[sflag:s4] =	ssyncset.s32 $0xFFFFF086  }
0x25: {  	[simem:s6], [sflag:s4] =	dma.local [hbm:s3], $0xF7A  }
0x26: {  	[smem:$0x3F9F] =	sst s1;
	(tag) =	ssettag s2;
	_ =	strace s9  }
0x27: {  	s1 =	sld [smem:$0x3FAF]  }
0x28: {  	s2 =	sld [smem:$0x3FB0]  }
0x29: {  	s4 =	sld [smem:$0x3FB2]  }
0x2a: {  	p0 =	seq.s32 s5, $0x0;
	s5 =	sld [smem:$0x3FB3]  }
0x2b: {  	s6 =	sld [smem:$0x3FB4]  }
0x2c: {  	s7 =	sld [smem:$0x3FB5]  }
0x2d: {  	s3 =	simm.s32 $0x108;
	s8 =	sld [smem:$0x3FB6]  }
0x2e: {  	s3 =	simm.s32 @!p0 $0x1082;
	s9 =	sld [smem:$0x3FB7]  }
0x2f: {  	lr =	sadd.s32 s0, s3;
	s0 =	sld [smem:$0x3FAE]  }
0x30: {  	s3 =	sld [smem:$0x3FB1]  }
0x31: {  	[smem:$0x3FBA] =	sst s10  }
0x32: {  	s10 =	sld [smem:$0x3FB8];
	_ =	sdelay $0x3  }
0x33: {  	p0 =	seq.s32 s10, $0x1;
	s10 =	sld [smem:$0x3FBA];
	_ =	sdelay $0x3  }
0x34: {  	[smem:$0x3FBA] =	sst s10  }
0x35: {  	s10 =	sld [smem:$0x3FB9];
	_ =	sdelay $0x3  }
0x36: {  	p1 =	seq.s32 s10, $0x1;
	s10 =	sld [smem:$0x3FBA];
	_ =	sdelay $0x3  }
0x37: {  	[smem:$0x3FBA] =	sst s10  }
0x38: {  	s10 =	sld [smem:$0x3FBB]  }
0x39: {  	_ = 	snop;
	(pc) =	sbr.ind lr, $3  }
0x3a: {  	_ = 	snop  }
0x3b: {  	_ = 	snop  }
0x3c: {  	p2 =	seq.s32 s10, $0x1;
	s10 =	sld [smem:$0x3FBA]  }
0x3d: {  	_ =	shalt  }
0x3e: {  	_ =	shalt  }
0x3f: {  	_ =	shalt  }
0x40: {  	_ =	shalt  }
0x41: {  	_ =	shalt  }
0x42: {  	_ =	shalt  }
0x43: {  	_ =	shalt  }
0x44: {  	_ =	shalt  }
0x45: {  	_ =	shalt  }
0x46: {  	_ =	shalt  }
0x47: {  	_ =	shalt  }
0x48: {  	_ =	shalt  }
0x49: {  	_ =	shalt  }
0x4a: {  	_ =	shalt  }
0x4b: {  	_ =	shalt  }
0x4c: {  	_ =	shalt  }
0x4d: {  	_ =	shalt  }
0x4e: {  	_ =	shalt  }
0x4f: {  	_ =	shalt  }
0x50: {  	_ =	shalt  }
0x51: {  	_ =	shalt  }
0x52: {  	_ =	shalt  }
0x53: {  	_ =	shalt  }
0x54: {  	_ =	shalt  }
0x55: {  	_ =	shalt  }
0x56: {  	_ =	shalt  }
0x57: {  	_ =	shalt  }
0x58: {  	_ =	shalt  }
0x59: {  	_ =	shalt  }
0x5a: {  	_ =	shalt  }
0x5b: {  	_ =	shalt  }
0x5c: {  	_ =	shalt  }
0x5d: {  	_ =	shalt  }
0x5e: {  	_ =	shalt  }
0x5f: {  	_ =	shalt  }
0x60: {  	_ =	shalt  }
0x61: {  	_ =	shalt  }
0x62: {  	_ =	shalt  }
0x63: {  	_ =	shalt  }
0x64: {  	_ =	shalt  }
0x65: {  	_ =	shalt  }
0x66: {  	_ =	shalt  }
0x67: {  	_ =	shalt  }
0x68: {  	_ =	shalt  }
0x69: {  	_ =	shalt  }
0x6a: {  	_ =	shalt  }
0x6b: {  	_ =	shalt  }
0x6c: {  	_ =	shalt  }
0x6d: {  	_ =	shalt  }
0x6e: {  	_ =	shalt  }
0x6f: {  	_ =	shalt  }
0x70: {  	_ =	shalt  }
0x71: {  	_ =	shalt  }
0x72: {  	_ =	shalt  }
0x73: {  	_ =	shalt  }
0x74: {  	_ =	shalt  }
0x75: {  	_ =	shalt  }
0x76: {  	_ =	shalt  }
0x77: {  	_ =	shalt  }
0x78: {  	_ =	shalt  }
0x79: {  	_ =	shalt  }
0x7a: {  	_ =	shalt  }
0x7b: {  	_ =	shalt  }
0x7c: {  	_ =	shalt  }
0x7d: {  	_ =	shalt  }
0x7e: {  	_ =	shalt  }
0x7f: {  	_ =	shalt  }
0x80: {  	_ =	shalt  }
0x81: {  	_ =	shalt  }
0x82: {  	_ =	shalt  }
0x83: {  	_ =	shalt  }
0x84: {  	_ =	shalt  }
0x85: {  	_ =	shalt  }
0x86: {  	_ =	shalt  }
0x87: {  	_ =	shalt  }
.Lfunc_end0:
.L_simem_size_0:
called_computation.2_lowered:
.L_overlay_start_0:
0x88: {  	s2 =	sld [smem:$0x3FD9]  }
0x89: {  	s3 =	sld [smem:$0x3FFE];
	_ =	sdelay $0x1  }
0x8a: {  	s1 =	srdreg.scid  }
0x8b: {  	s0 =	sand.u32 $0x1, s1  }
0x8c: {  	s16 =	sshll.u32 s0, $0xA;
	s2 =	sadd.s32 s3, s2  }
0x8d: {  	s2 =	sadd.s32 s2, s16  }
0x8e: {  	[smem:$0x3FC6] =	sst s2  }
0x8f: {  	_ = 	snop  }
0x90: {  	(tm) =	ssettm $0x1  }
0x91: {  	s17 =	sld [smem:$0x3FFB];
	_ =	sdelay $0x3  }
0x92: {  	_ =	strace s17  }
0x93: {  	s2 =	sld [smem:$0x3FFC];
	_ =	sdelay $0x3  }
0x94: {  	_ =	strace s2  }
0x95: {  	s2 =	sld [smem:$0x3FFD];
	_ =	sdelay $0x3  }
0x96: {  	_ =	strace s2  }
0x97: {  	_ =	strace $0x8FFFFFFF  }
0x98: {  	s18 =	sld [smem:$0x3FDB];
	_ =	sdelay $0x1  }
0x99: {  	s19 =	simm.s32 $_scs_section_size  }
0x9a: {  	s4 =	simm.s32 $_size__tile_overlayer_lowered;
	s5 =	simm.s32 $_tile_overlayer_lowered  }
0x9b: {  	s22 =	simm.s32 $0x1BFF;
	s21 =	sshll.u32 s5, $0x1;
	s2 =	sadd.s32 s19, s18  }
0x9c: {  	s6 =	simm.s32 $0x0;
	s20 =	sshll.u32 s4, $0x1;
	s4 =	sadd.s32 s21, s2  }
0x9d: {  	[timem:s6], [sflag:s22] =	dma.local [hbm:s4], s20  }
0x9e: {  	_ =	swait.ge [sflag:s22], s20  }
0x9f: {  	s3 =	ssub.s32 $0x0, s20;
	[sflag:s22] =	ssyncset.done $0x0  }
0xa0: {  	[sflag:s22] =	ssyncadd.s32 s3;
	_ =	sdelay $0x1  }
0xa1: {  	s23 =	simm.s32 $0x1B8B  }
0xa2: {  	_ =	swait.ge [sflag:s23], $0x1  }
0xa3: {  	[sflag:s23] =	ssyncset.done $0x0  }
0xa4: {  	s25 =	simm.s32 $0x1B8E;
	s24 =	sld [smem:$0x3FFE];
	[sflag:s23] =	ssyncadd.s32 $0xFFFFFFFF  }
0xa5: {  	s26 =	simm.s32 $execute0_lowered;
	[smem:$0x3FD2] =	sst s25  }
0xa6: {  	s4 =	sshll.u32 s26, $0x1;
	_ =	strace $0x8000004C;
	[dreg:$0x1] =	wrdreg $0xFFFFFFFF  }
0xa7: {  	s28 =	simm.s32 $_size_execute0_lowered;
	s2 =	sadd.s32 s2, s4;
	[dreg:$0x0] =	wrdreg $0x0  }
0xa8: {  	s4 =	sshll.u32 s28, $0x1;
	[dreg:$0x2] =	wrdreg s2  }
0xa9: {  	[dreg:$0x3] =	wrdreg s4  }
0xaa: {  	[dreg:$0x4] =	wrdreg $0xC0  }
0xab: {  	_ =	task [dreg:s6], $0x5FFFF  }
0xac: {  	[dreg:$0x1] =	wrdreg $0xFFFFFFFF  }
0xad: {  	[dreg:$0x0] =	wrdreg $0x60  }
0xae: {  	[dreg:$0x2] =	wrdreg s24  }
0xaf: {  	[dreg:$0x3] =	wrdreg $0x9  }
0xb0: {  	_ =	task.clear_ibuf [dreg:s6], $0x4FFFF;
	_ =	strace $0x9000004C  }
0xb1: {  	s29 =	simm.s32 $0x9;
	_ =	strace $0x8000004E  }
0xb2: {  	_ =	swait.ge [sflag:s29], $0x1  }
0xb3: {  	[sflag:s29] =	ssyncadd.s32 $0xFFFFFFFF  }
0xb4: {  	_ =	strace $0x9000004E  }
0xb5: {  	_ =	sfence  }
0xb6: {  	s30 =	sld [smem:$0x0];
	_ =	sdelay $0x2  }
0xb7: {  	s31 =	sshll.u32 s1, $0xD;
	s1 =	sshrl.u32 s1, $0x2  }
0xb8: {  	s3 =	sand.u32 $0x4000, s31;
	s1 =	sadd.s32 s1, s30  }
0xb9: {  	s0 =	sor.u32 s3, s0;
	s1 =	sshll.u32 s1, $0x11  }
0xba: {  	s0 =	sor.u32 s1, s0  }
0xbb: {  	s0 =	sadd.s32 $0x8F2B, s0  }
0xbc: {  	[sflag:s0] =	ssyncadd.remote.s32 $0x1  }
0xbd: {  	_ =	sfence.sel $0xFFFF  }
0xbe: {  	[dreg:$0x0] =	wrdreg $0xFFFFFFFF;
	(pc) =	sbr.abs _section_cstart, $3  }
0xbf: {  	[dreg:$0x1] =	wrdreg $0xFFFFFFFF  }
0xc0: {  	_ =	task.clear_ibuf [dreg:s6], $0x2FFFF;
	_ =	strace $0x9FFFFFFF  }
0xc1: {  	(tm) =	ssettm $0x7FFFFFFF  }
tec
execute0_lowered:
.L_overlay_start_1:
0x0: {  	(tag) =	ssettag $0x1  }
0x1: {  	v0 =	vimm.s32 $0xBCAB9A89;
	v1 =	vimm.s32 $0xF0EFDECD  }
0x2: {  	v2 =	vimm.s32 $0x34231201;
	v3 =	vimm.s32 $0x78675645;
	v4 =	vimm.s32 $0xBDAC9B8A  }
0x3: {  	v5 =	vimm.s32 $0xF1E0DFCE;
	vm0 =	vcmask $0x1F10;
	v7 =	vimm.s32 $0x7A695847  }
0x4: {  	v9 =	vimm.s32 $0xB0AF9E8D;
	v12 =	vimm.s32 $0x7C6B5A49;
	v19 =	vimm.s32 $0xB9A89786  }
0x5: {  	v20 =	vimm.s32 $0xFDECDBCA;
	v0 =	vunpack.c.0.s8.s32 v0;
	v1 =	vunpack.c.0.s8.s32 v1  }
0x6: {  	v2 =	vunpack.c.0.s8.s32 v2;
	v3 =	vunpack.c.0.s8.s32 v3;
	v6 =	vunpack.c.0.s8.s32 v4  }
0x7: {  	v5 =	vunpack.c.0.s8.s32 v5;
	v9 =	vunpack.c.0.s8.s32 v9;
	v0 =	vsel vm0, v1, v0  }
0x8: {  	v1 =	vsel vm0, v3, v2;
	v2 =	vimm.s32 $0x79685746;
	v3 =	vimm.s32 $0xBEAD9C8B  }
0x9: {  	v4 =	vcombine.low v1, v0;
	v0 =	vsel vm0, v5, v6;
	v1 =	vimm.s32 $0x35241302  }
0xa: {  	v2 =	vunpack.c.0.s8.s32 v2;
	v5 =	vimm.s32 $0xF2E1D0CF;
	v1 =	vunpack.c.0.s8.s32 v1  }
0xb: {  	v3 =	vunpack.c.0.s8.s32 v3;
	v6 =	vimm.s32 $0x36251403;
	v5 =	vunpack.c.0.s8.s32 v5  }
0xc: {  	v12 =	vunpack.c.0.s8.s32 v12;
	v1 =	vsel vm0, v2, v1;
	v2 =	vunpack.c.0.s8.s32 v6  }
0xd: {  	v6 =	vunpack.c.0.s8.s32 v7;
	v3 =	vsel vm0, v5, v3;
	v5 =	vimm.s32 $0xBFAE9D8C  }
0xe: {  	v4 =	vand.u32 $0xFF, v4;
	v7 =	vimm.s32 $0xF3E2D1C0;
	v8 =	vunpack.c.0.s8.s32 v5  }
0xf: {  	v7 =	vunpack.c.0.s8.s32 v7;
	v5 =	vimm.s32 $0x37261504;
	v2 =	vsel vm0, v6, v2  }
0x10: {  	v6 =	vimm.s32 $0x7B6A5948;
	v10 =	vunpack.c.0.s8.s32 v5;
	v5 =	vimm.s32 $0xF4E3D2C1  }
0x11: {  	v11 =	vunpack.c.0.s8.s32 v6;
	v6 =	vimm.s32 $0x38271605;
	v13 =	vunpack.c.0.s8.s32 v5  }
0x12: {  	v5 =	vcombine.low v1, v0;
	v0 =	vsel vm0, v7, v8;
	v7 =	vimm.s32 $0xB1A09F8E  }
0x13: {  	v8 =	vimm.s32 $0xF5E4D3C2;
	v14 =	vunpack.c.0.s8.s32 v6;
	v6 =	vcombine.low v2, v3  }
0x14: {  	v7 =	vunpack.c.0.s8.s32 v7;
	v8 =	vunpack.c.0.s8.s32 v8;
	v1 =	vsel vm0, v11, v10  }
0x15: {  	v2 =	vsel vm0, v13, v9;
	v9 =	vimm.s32 $0x39281706;
	v10 =	vimm.s32 $0x7D6C5B4A  }
0x16: {  	v11 =	vimm.s32 $0xB2A1908F;
	v5 =	vand.u32 $0xFF, v5;
	v3 =	vsel vm0, v12, v14  }
0x17: {  	v9 =	vunpack.c.0.s8.s32 v9;
	v12 =	vimm.s32 $0xF6E5D4C3;
	v10 =	vunpack.c.0.s8.s32 v10  }
0x18: {  	v11 =	vunpack.c.0.s8.s32 v11;
	v13 =	vcombine.low v1, v0;
	v0 =	vsel vm0, v8, v7  }
0x19: {  	v7 =	vimm.s32 $0x7E6D5C4B;
	v8 =	vimm.s32 $0xB3A29180;
	v6 =	vand.u32 $0xFF, v6  }
0x1a: {  	v12 =	vunpack.c.0.s8.s32 v12;
	v14 =	vcombine.low v3, v2;
	v3 =	vimm.s32 $0x3A291807  }
0x1b: {  	v7 =	vunpack.c.0.s8.s32 v7;
	v8 =	vunpack.c.0.s8.s32 v8;
	v1 =	vsel vm0, v10, v9  }
0x1c: {  	v3 =	vunpack.c.0.s8.s32 v3;
	v9 =	vimm.s32 $0xF7E6D5C4;
	v10 =	vimm.s32 $0x3B2A1908  }
0x1d: {  	v2 =	vsel vm0, v12, v11;
	v9 =	vunpack.c.0.s8.s32 v9;
	v11 =	vimm.s32 $0x7F6E5D4C  }
0x1e: {  	v3 =	vsel vm0, v7, v3;
	v7 =	vunpack.c.0.s8.s32 v10;
	v10 =	vunpack.c.0.s8.s32 v11  }
0x1f: {  	v11 =	vcombine.low v1, v0;
	v12 =	vcombine.low v3, v2;
	v0 =	vsel vm0, v9, v8  }
0x20: {  	v2 =	vimm.s32 $0xB4A39281;
	v3 =	vimm.s32 $0xF8E7D6C5;
	v8 =	vimm.s32 $0xF9E8D7C6  }
0x21: {  	v9 =	vimm.s32 $0x3D2C1B0A;
	v1 =	vsel vm0, v10, v7;
	v7 =	vimm.s32 $0xB5A49382  }
0x22: {  	v10 =	vimm.s32 $0x71605F4E;
	v15 =	vcombine.low v1, v0;
	v0 =	vunpack.c.0.s8.s32 v2  }
0x23: {  	v1 =	vunpack.c.0.s8.s32 v3;
	v2 =	vimm.s32 $0x3C2B1A09;
	v3 =	vimm.s32 $0x706F5E4D  }
0x24: {  	v8 =	vunpack.c.0.s8.s32 v8;
	v2 =	vunpack.c.0.s8.s32 v2;
	v3 =	vunpack.c.0.s8.s32 v3  }
0x25: {  	v9 =	vunpack.c.0.s8.s32 v9;
	v7 =	vunpack.c.0.s8.s32 v7;
	v10 =	vunpack.c.0.s8.s32 v10  }
0x26: {  	v0 =	vsel vm0, v1, v0;
	v1 =	vsel vm0, v3, v2;
	v2 =	vimm.s32 $0xB6A59483  }
0x27: {  	v3 =	vsel vm0, v8, v7;
	v7 =	vsel vm0, v10, v9;
	v8 =	vimm.s32 $0xFAE9D8C7  }
0x28: {  	v9 =	vimm.s32 $0x3E2D1C0B;
	v10 =	vimm.s32 $0x7261504F;
	v2 =	vunpack.c.0.s8.s32 v2  }
0x29: {  	v8 =	vunpack.c.0.s8.s32 v8;
	v9 =	vunpack.c.0.s8.s32 v9;
	v10 =	vunpack.c.0.s8.s32 v10  }
0x2a: {  	v17 =	vcombine.low v7, v3;
	v3 =	vimm.s32 $0x73625140;
	v7 =	vimm.s32 $0xB8A79685  }
0x2b: {  	v16 =	vcombine.low v1, v0;
	v3 =	vunpack.c.0.s8.s32 v3;
	v7 =	vunpack.c.0.s8.s32 v7  }
0x2c: {  	v0 =	vsel vm0, v8, v2;
	v1 =	vsel vm0, v10, v9;
	v2 =	vimm.s32 $0xB7A69584  }
0x2d: {  	v8 =	vimm.s32 $0xFCEBDAC9;
	v9 =	vimm.s32 $0x302F1E0D;
	v10 =	vimm.s32 $0x74635241  }
0x2e: {  	v18 =	vcombine.low v1, v0;
	v0 =	vunpack.c.0.s8.s32 v2;
	v1 =	vimm.s32 $0xFBEAD9C8  }
0x2f: {  	v2 =	vimm.s32 $0x3F2E1D0C;
	v8 =	vunpack.c.0.s8.s32 v8;
	v1 =	vunpack.c.0.s8.s32 v1  }
0x30: {  	v9 =	vunpack.c.0.s8.s32 v9;
	v10 =	vunpack.c.0.s8.s32 v10;
	v2 =	vunpack.c.0.s8.s32 v2  }
0x31: {  	v0 =	vsel vm0, v1, v0;
	v1 =	vunpack.c.0.s8.s32 v19;
	v19 =	vunpack.c.0.s8.s32 v20  }
0x32: {  	v2 =	vsel vm0, v3, v2;
	v3 =	vsel vm0, v8, v7;
	v7 =	vsel vm0, v10, v9  }
0x33: {  	v8 =	vimm.s32 $0x76655443;
	v10 =	vand.u32 $0xFF, v12;
	v12 =	vand.u32 $0xFF, v16  }
0x34: {  	s3 =	rddreg [dreg:$0x0];
	s1 =	simm.s32 $0x0;
	s0 =	stileid.u32;
	v20 =	vcombine.low v2, v0;
	v21 =	vcombine.low v7, v3;
	v0 =	vimm.s32 $0x31201F0E  }
0x35: {  	s2 =	rddreg [dreg:$0x1];
	s5 =	srdreg.scid;
	s9 =	simm.s32 $0x400;
	v2 =	vimm.s32 $0xBAA99887;
	v7 =	vimm.s32 $0x3221100F;
	v8 =	vunpack.c.0.s8.s32 v8  }
0x36: {  	s10 =	simm.s32 $0x10000;
	[smem:$0x7FF] =	sst s1;
	s4 =	sshll.u32 s0, $0xE;
	v19 =	vsel vm0, v19, v1;
	v1 =	vimm.s32 $0x75645342;
	v3 =	vunpack.c.0.s8.s32 v0  }
0x37: {  	s6 =	sshll.u32 s0, $0x9;
	s5 =	sand.u32 $0x1, s5;
	s7 =	sshll.u32 s0, $0x1;
	v2 =	vunpack.c.0.s8.s32 v2;
	v0 =	vimm.s32 $0xFEEDDCCB;
	v7 =	vunpack.c.0.s8.s32 v7  }
0x38: {  	_ =	strace $0x8000004D;
	s4 =	sand.u32 $0x38000, s4;
	s6 =	sand.u32 $0x1800, s6;
	v1 =	vunpack.c.0.s8.s32 v1;
	v9 =	vunpack.c.0.s8.s32 v0;
	v0 =	vimm.f32 $0.0e+00  }
0x39: {  	s7 =	sor.u32 s5, s7;
	s5 =	ssub.s32 $0x2, s5;
	s4 =	sadd.s32 s4, s3;
	v16 =	vand.u32 $0xFF, v21;
	v24 =	vsel vm0, v8, v7;
	v7 =	vand.u32 $0xFF, v13  }
0x3a: {  	s3 =	sadd.s32 s6, s3;
	s30 =	sshll.u32 s7, $0xD;
	s7 =	sshll.u32 s7, $0x4;
	v8 =	vand.u32 $0xFF, v14;
	v13 =	vand.u32 $0xFF, v17;
	v14 =	vand.u32 $0xFF, v18  }
0x3b: {  	s8 =	sshrl.u32 s5, $0x1;
	s6 =	sand.u32 $0x6000, s30;
	s7 =	sand.u32 $0x70, s7;
	v22 =	vsel vm0, v1, v3;
	v1 =	vlaneseq.u32;
	v23 =	vsel vm0, v9, v2  }
0x3c: {  	s5 =	ssub.s32 s5, s8;
	s8 =	simm.s32 $0x80;
	s4 =	sadd.s32 s6, s4;
	v2 =	vimm.f32 $1.000000000e+00;
	v19 =	vcombine.low v22, v19;
	v63 =	vcombine.low v24, v23  }
0x3d: {  	s31 =	sadd.s32 s7, s3;
	s5 =	smax.u32 s5, $0x1;
	s6 =	simm.s32 $0x1;
	v9 =	vand.u32 $0xFF, v11;
	v11 =	vand.u32 $0xFF, v15;
	v3 =	vmul.u32 $0x11, v1  }
0x3e: {  	s7 =	simm.s32 $0x8000;
	s3 =	sadd.s32 $0x2200, s4;
	s4 =	sadd.s32 $0x42600, s31;
	v15 =	vand.u32 $0xFF, v20;
	v17 =	vand.u32 $0xFF, v19;
	v18 =	vand.u32 $0xFF, v63  }
.LBB2_1:
0x3f: {  	s11 =	simm.s32 $0x8040  }
0x40: {  	[tilespmem:s11+$0xFFFFFFC0] =	vst v0  }
0x41: {  	[tilespmem:s11+$0x30] =	vst v0  }
0x42: {  	[tilespmem:s11+$0x20] =	vst v0  }
0x43: {  	[tilespmem:s11+$0x10] =	vst v0  }
0x44: {  	[tilespmem:s11+$0x0] =	vst v0  }
0x45: {  	[tilespmem:s11+$0xFFFFFFF0] =	vst v0  }
0x46: {  	s12 =	simm.s32 $0x0;
	p1 =	por $0x1, $0x1;
	[tilespmem:s11+$0xFFFFFFE0] =	vst v0  }
.LBB2_2:
0x47: {  	s12 =	sadd.s32 $0x8, s12;
	[tilespmem:s11+$0xFFFFFFD0] =	vst v0;
	s11 =	sadd.s32 $0x80, s11  }
0x48: {  	[tilespmem:s11+$0xFFFFFFC0] =	vst v0;
	p0 =	slt.u32 s12, $0x7F8  }
0x49: {  	[tilespmem:s11+$0x30] =	vst v0  }
.Ltmp0:
0x4a: {  	[tilespmem:s11+$0x20] =	vst v0;
	(pc) =	sbr.rel @p0 .LBB2_2-.Ltmp0, $4  }
0x4b: {  	[tilespmem:s11+$0x10] =	vst v0  }
0x4c: {  	[tilespmem:s11+$0x0] =	vst v0  }
0x4d: {  	[tilespmem:s11+$0xFFFFFFF0] =	vst v0  }
0x4e: {  	[tilespmem:s11+$0xFFFFFFE0] =	vst v0  }
0x4f: {  	[tilespmem:s11+$0xFFFFFFD0] =	vst v0;
	s12 =	simm.s32 $0x0;
	s15 =	simm.s32 $0x0  }
.LBB2_4:
0x50: {  	s11 =	sadd.s32 s15, s3  }
0x51: {  	[tilespmem:s12], [sflag:$0x1] =	stream.linear.gather [hbm4b:s11+s12], $0x8000, $0x38;
	[tilespmem:$0x10800] =	vst v63  }
0x52: {  	s28 =	sand.u32 $0x7000, s12;
	s13 =	sand.u32 $0xC00, s12;
	_ =	swait.ge [sflag:s6], $0x8000  }
0x53: {  	s14 =	sand.u32 $0x380, s12;
	s11 =	sor.u32 s13, s28;
	[sflag:s6] =	ssyncset.done $0x0  }
0x54: {  	s11 =	sor.u32 s14, s11;
	[sflag:s6] =	ssyncadd.s32 $0xFFFF8000  }
0x55: {  	v19 =	vld [tilespmem:s11+$0x70]  }
0x56: {  	v20 =	vld [tilespmem:s11+$0x0]  }
0x57: {  	v21 =	vld [tilespmem:s11+$0x10]  }
0x58: {  	v22 =	vld [tilespmem:s11+$0x20]  }
0x59: {  	v28 =	vld [tilespmem:s11+$0x40]  }
0x5a: {  	v29 =	vld [tilespmem:s11+$0x50]  }
0x5b: {  	v30 =	vld [tilespmem:s11+$0x60]  }
0x5c: {  	v27 =	vld [tilespmem:s11+$0x30];
	_ =	sdelay $0x1  }
0x5d: {  	v23 =	vmax.f32 v19, $0.0e+00;
	v24 =	vmax.f32 v20, $0.0e+00  }
0x5e: {  	s29 =	simm.s32 $0x400;
	s30 =	simm.s32 $0x80;
	vm0 =	vlt.f32 v20, $3.566749690e-01;
	v25 =	vmax.f32 v22, $0.0e+00;
	vm1 =	vlt.f32 v19, $3.566749690e-01  }
0x5f: {  	s31 =	simm.s32 $0x20;
	s13 =	sand.u32 $0x7000, s30;
	s11 =	sand.u32 $0xC00, s29;
	v26 =	vmax.f32 v28, $0.0e+00;
	v31 =	vmax.f32 v29, $0.0e+00;
	v32 =	vmax.f32 v30, $0.0e+00  }
0x60: {  	s14 =	sand.u32 $0x380, s31;
	s11 =	sor.u32 s11, s13;
	vm6 =	vlt.f32 v21, $3.566749690e-01;
	vm7 =	vlt.f32 v22, $3.566749690e-01;
	vm8 =	vlt.f32 v27, $3.566749690e-01  }
0x61: {  	s11 =	sor.u32 s14, s11;
	vm5 =	vlt.f32 v28, $3.566749690e-01;
	v20 =	vshrl.u32 v23, $0x13;
	v23 =	vshrl.u32 v24, $0x13  }
0x62: {  	v33 =	vld [tilespmem:s11+$0x70];
	v24 =	vmax.f32 v21, $0.0e+00;
	v25 =	vshrl.u32 v25, $0x13;
	v26 =	vshrl.u32 v26, $0x13  }
0x63: {  	v34 =	vld [tilespmem:s11+$0x0];
	v31 =	vshrl.u32 v31, $0x13;
	v32 =	vshrl.u32 v32, $0x13;
	v20 =	vmin.u32 v20, $0x7FF  }
0x64: {  	vm4 =	vmmov vm0;
	vm0 =	vlt.f32 v30, $3.566749690e-01;
	v19 =	vshll.u32 v20, $0x4  }
0x65: {  	v23 =	vmin.u32 v23, $0x7FF;
	v25 =	vmin.u32 v25, $0x7FF;
	v19 =	vor.u32 v1, v19  }
0x66: {  	v26 =	vmin.u32 v26, $0x7FF;
	v31 =	vmin.u32 v31, $0x7FF;
	v32 =	vmin.u32 v32, $0x7FF  }
0x67: {  	v20 =	vshrl.u32 v24, $0x13;
	v24 =	vmax.f32 v27, $0.0e+00;
	v26 =	vshll.u32 v26, $0x4  }
0x68: {  	v21 =	vld [tilespmem:s11+$0x50];
	v31 =	vshll.u32 v31, $0x4;
	v22 =	vmax.f32 v33, $0.0e+00;
	v27 =	vmax.f32 v34, $0.0e+00  }
0x69: {  	v24 =	vshrl.u32 v24, $0x13;
	v20 =	vmin.u32 v20, $0x7FF;
	v28 =	vshrl.u32 v22, $0x13;
	v22 =	vld [tilespmem:s11+$0x60]  }
0x6a: {  	v39 =	vor.u32 v1, v26;
	v24 =	vmin.u32 v24, $0x7FF;
	v20 =	vshll.u32 v20, $0x4;
	[tilespmem:v19+s7+$0x0] =	vst.idx.add.f32.msk vm1, v2  }
0x6b: {  	v19 =	vshll.u32 v23, $0x4;
	v23 =	vshll.u32 v25, $0x4;
	v25 =	vshll.u32 v24, $0x4;
	v24 =	vld [tilespmem:s11+$0x10]  }
0x6c: {  	vm3 =	vlt.f32 v34, $3.566749690e-01;
	v36 =	vor.u32 v1, v20;
	v38 =	vor.u32 v1, v25;
	v25 =	vld [tilespmem:s11+$0x20]  }
0x6d: {  	vm2 =	vlt.f32 v33, $3.566749690e-01;
	v20 =	vld [tilespmem:s11+$0x40];
	v35 =	vor.u32 v1, v19;
	v19 =	vshll.u32 v32, $0x4  }
0x6e: {  	v28 =	vmin.u32 v28, $0x7FF;
	v37 =	vor.u32 v1, v23;
	v23 =	vor.u32 v1, v19;
	v19 =	vld [tilespmem:s11+$0x30]  }
0x6f: {  	v26 =	vor.u32 v1, v31;
	v28 =	vshll.u32 v28, $0x4;
	v63 =	vmax.f32 v21, $0.0e+00  }
0x70: {  	v33 =	vshrl.u32 v63, $0x13;
	vm1 =	vlt.f32 v29, $3.566749690e-01;
	v29 =	vshrl.u32 v27, $0x13;
	[tilespmem:v39+s7+$0x0] =	vst.idx.add.f32.msk vm5, v2  }
0x71: {  	v34 =	vmax.f32 v22, $0.0e+00;
	[tilespmem:v36+s7+$0x0] =	vst.idx.add.f32.msk vm6, v2;
	v27 =	vmax.f32 v24, $0.0e+00;
	v30 =	vmax.f32 v25, $0.0e+00  }
0x72: {  	[tilespmem:v35+s7+$0x0] =	vst.idx.add.f32.msk vm4, v2;
	v61 =	vshrl.u32 v27, $0x13;
	v27 =	vor.u32 v1, v28;
	v28 =	vmin.u32 v29, $0x7FF  }
0x73: {  	p0 =	por p1, p1;
	s15 =	simm.s32 $0x100;
	[tilespmem:v37+s7+$0x0] =	vst.idx.add.f32.msk vm7, v2;
	v62 =	vmax.f32 v19, $0.0e+00;
	v31 =	vshrl.u32 v30, $0x13;
	v30 =	vmax.f32 v20, $0.0e+00  }
0x74: {  	s13 =	simm.s32 $0x40;
	s14 =	simm.s32 $0x800;
	s11 =	simm.s32 $0x8;
	[tilespmem:v38+s7+$0x0] =	vst.idx.add.f32.msk vm8, v2;
	v29 =	vmin.u32 v61, $0x7FF;
	v32 =	vshrl.u32 v62, $0x13;
	v30 =	vshrl.u32 v30, $0x13  }
.LBB2_5:
0x75: {  	v31 =	vmin.u32 v31, $0x7FF  }
0x76: {  	s16 =	sand.u32 $0x7000, s15;
	s17 =	sand.u32 $0xC00, s14;
	s11 =	sadd.s32 $0x8, s11;
	v32 =	vmin.u32 v32, $0x7FF;
	v34 =	vshrl.u32 v34, $0x13;
	[tilespmem:v26+s7+$0x0] =	vst.idx.add.f32.msk vm1, v2;
	vm4 =	vmmov vm3  }
0x77: {  	s18 =	sand.u32 $0x380, s13;
	v26 =	vmin.u32 v30, $0x7FF;
	v30 =	vmin.u32 v33, $0x7FF;
	s16 =	sor.u32 s17, s16;
	p1 =	slt.u32 s11, $0x7F8;
	v33 =	vmin.u32 v34, $0x7FF;
	[tilespmem:v27+s7+$0x0] =	vst.idx.add.f32.msk vm2, v2  }
0x78: {  	v27 =	vshll.u32 v28, $0x4;
	v28 =	vshll.u32 v29, $0x4;
	v29 =	vshll.u32 v31, $0x4;
	s16 =	sor.u32 s18, s16;
	[tilespmem:v23+s7+$0x0] =	vst.idx.add.f32.msk vm0, v2  }
0x79: {  	v26 =	vshll.u32 v26, $0x4;
	v30 =	vshll.u32 v30, $0x4;
	v23 =	vshll.u32 v32, $0x4;
	v31 =	vld [tilespmem:s16+$0x70]  }
0x7a: {  	v27 =	vor.u32 v1, v27;
	v28 =	vor.u32 v1, v28;
	v33 =	vshll.u32 v33, $0x4;
	v32 =	vld [tilespmem:s16+$0x0]  }
0x7b: {  	v29 =	vor.u32 v1, v29;
	v36 =	vor.u32 v1, v26;
	v35 =	vor.u32 v1, v23;
	v34 =	vld [tilespmem:s16+$0x10]  }
0x7c: {  	vm8 =	vlt.f32 v24, $3.566749690e-01;
	v26 =	vor.u32 v1, v30;
	v23 =	vor.u32 v1, v33;
	v37 =	vld [tilespmem:s16+$0x20]  }
0x7d: {  	vm7 =	vlt.f32 v25, $3.566749690e-01;
	vm6 =	vlt.f32 v19, $3.566749690e-01;
	vm5 =	vlt.f32 v20, $3.566749690e-01;
	v19 =	vld [tilespmem:s16+$0x30]  }
0x7e: {  	vm1 =	vlt.f32 v21, $3.566749690e-01;
	vm0 =	vlt.f32 v22, $3.566749690e-01;
	v20 =	vld [tilespmem:s16+$0x40];
	v25 =	vmax.f32 v31, $0.0e+00  }
0x7f: {  	v22 =	vmax.f32 v32, $0.0e+00;
	vm3 =	vlt.f32 v32, $3.566749690e-01;
	v21 =	vld [tilespmem:s16+$0x50];
	v33 =	vshrl.u32 v25, $0x13  }
0x80: {  	v30 =	vshrl.u32 v22, $0x13;
	v32 =	vmax.f32 v34, $0.0e+00;
	v22 =	vld [tilespmem:s16+$0x60];
	v38 =	vmin.u32 v33, $0x7FF;
	v24 =	vmovc v34  }
.Ltmp1:
0x81: {  	vm2 =	vlt.f32 v31, $3.566749690e-01;
	v33 =	vmax.f32 v37, $0.0e+00;
	v31 =	vshll.u32 v38, $0x4;
	[tilespmem:v27+s7+$0x0] =	vst.idx.add.f32.msk vm4, v2;
	v25 =	vmovc v37;
	(pc) =	sbr.rel @p1 .LBB2_5-.Ltmp1, $4  }
0x82: {  	v34 =	vshrl.u32 v32, $0x13;
	v32 =	vmax.f32 v19, $0.0e+00;
	v27 =	vor.u32 v1, v31;
	[tilespmem:v28+s7+$0x0] =	vst.idx.add.f32.msk vm8, v2  }
0x83: {  	v31 =	vshrl.u32 v33, $0x13;
	v32 =	vshrl.u32 v32, $0x13;
	v33 =	vmax.f32 v20, $0.0e+00;
	[tilespmem:v29+s7+$0x0] =	vst.idx.add.f32.msk vm7, v2  }
0x84: {  	v28 =	vmin.u32 v30, $0x7FF;
	v30 =	vshrl.u32 v33, $0x13;
	v33 =	vmax.f32 v21, $0.0e+00;
	[tilespmem:v35+s7+$0x0] =	vst.idx.add.f32.msk vm6, v2  }
0x85: {  	s13 =	sadd.s32 $0x20, s13;
	s14 =	sadd.s32 $0x400, s14;
	s15 =	sadd.s32 $0x80, s15;
	v29 =	vmin.u32 v34, $0x7FF;
	v33 =	vshrl.u32 v33, $0x13;
	v34 =	vmax.f32 v22, $0.0e+00;
	[tilespmem:v36+s7+$0x0] =	vst.idx.add.f32.msk vm5, v2  }
0x86: {  	v31 =	vmin.u32 v31, $0x7FF;
	v32 =	vmin.u32 v32, $0x7FF  }
0x87: {  	v34 =	vshrl.u32 v34, $0x13;
	vm3 =	vmmov vm3;
	v30 =	vmin.u32 v30, $0x7FF  }
0x88: {  	v33 =	vmin.u32 v33, $0x7FF;
	v28 =	vshll.u32 v28, $0x4;
	v29 =	vshll.u32 v29, $0x4  }
0x89: {  	vm4 =	vlt.f32 v24, $3.566749690e-01;
	vm5 =	vlt.f32 v25, $3.566749690e-01;
	v28 =	vor.u32 v1, v28  }
0x8a: {  	vm13 =	vlt.f32 v19, $3.566749690e-01;
	v61 =	vshll.u32 v31, $0x4;
	v29 =	vor.u32 v1, v29  }
0x8b: {  	[tilespmem:v26+s7+$0x0] =	vst.idx.add.f32.msk vm1, v2;
	vm14 =	vlt.f32 v20, $3.566749690e-01;
	v62 =	vshll.u32 v32, $0x4;
	v24 =	vor.u32 v1, v61  }
0x8c: {  	[tilespmem:v27+s7+$0x0] =	vst.idx.add.f32.msk vm2, v2;
	vm15 =	vlt.f32 v21, $3.566749690e-01;
	v19 =	vshll.u32 v30, $0x4;
	v25 =	vor.u32 v1, v62  }
0x8d: {  	[tilespmem:v23+s7+$0x0] =	vst.idx.add.f32.msk vm0, v2;
	v34 =	vmin.u32 v34, $0x7FF;
	v20 =	vshll.u32 v33, $0x4;
	v19 =	vor.u32 v1, v19  }
0x8e: {  	vm6 =	vlt.f32 v22, $3.566749690e-01;
	v63 =	vshll.u32 v34, $0x4;
	v20 =	vor.u32 v1, v20;
	[tilespmem:v28+s7+$0x0] =	vst.idx.add.f32.msk vm3, v2  }
0x8f: {  	v21 =	vor.u32 v1, v63;
	[tilespmem:v29+s7+$0x0] =	vst.idx.add.f32.msk vm4, v2  }
.Ltmp2:
0x90: {  	[tilespmem:v24+s7+$0x0] =	vst.idx.add.f32.msk vm5, v2;
	(pc) =	sbr.rel @p0 .LBB2_4-.Ltmp2, $4  }
0x91: {  	[tilespmem:v25+s7+$0x0] =	vst.idx.add.f32.msk vm13, v2  }
0x92: {  	[tilespmem:v19+s7+$0x0] =	vst.idx.add.f32.msk vm14, v2  }
0x93: {  	s13 =	simm.s32 $0xFFFFFFFE;
	s11 =	simm.s32 $0x10010;
	[tilespmem:v20+s7+$0x0] =	vst.idx.add.f32.msk vm15, v2  }
0x94: {  	s14 =	simm.s32 $0x100;
	s15 =	simm.s32 $0x1000;
	p1 =	por $0x0, $0x0;
	[tilespmem:v21+s7+$0x0] =	vst.idx.add.f32.msk vm6, v2  }
0x95: {  	v19 =	vor.u32 s14, v3  }
0x96: {  	v21 =	vor.u32 s14, v4  }
0x97: {  	v23 =	vor.u32 s14, v5  }
0x98: {  	v25 =	vor.u32 s14, v6  }
0x99: {  	v27 =	vor.u32 s14, v7  }
0x9a: {  	v29 =	vor.u32 s14, v8;
	v19 =	vld.idx.msk [tilespmem:v19+s7+$0x0], $0xffff  }
0x9b: {  	v31 =	vor.u32 s14, v9;
	v21 =	vld.idx.msk [tilespmem:v21+s7+$0x0], $0xffff  }
0x9c: {  	v33 =	vor.u32 s14, v10;
	v23 =	vld.idx.msk [tilespmem:v23+s7+$0x0], $0xffff  }
0x9d: {  	v35 =	vor.u32 s14, v11;
	v25 =	vld.idx.msk [tilespmem:v25+s7+$0x0], $0xffff  }
0x9e: {  	v37 =	vor.u32 s14, v12;
	v27 =	vld.idx.msk [tilespmem:v27+s7+$0x0], $0xffff  }
0x9f: {  	v39 =	vor.u32 s14, v13;
	v29 =	vld.idx.msk [tilespmem:v29+s7+$0x0], $0xffff  }
0xa0: {  	v41 =	vor.u32 s14, v14;
	v31 =	vld.idx.msk [tilespmem:v31+s7+$0x0], $0xffff  }
0xa1: {  	v43 =	vor.u32 s14, v15;
	v33 =	vld.idx.msk [tilespmem:v33+s7+$0x0], $0xffff  }
0xa2: {  	v45 =	vor.u32 s14, v16;
	v35 =	vld.idx.msk [tilespmem:v35+s7+$0x0], $0xffff  }
0xa3: {  	v47 =	vor.u32 s14, v17;
	v37 =	vld.idx.msk [tilespmem:v37+s7+$0x0], $0xffff  }
0xa4: {  	s12 =	sadd.s32 $0xFFFFFF00, s14;
	v49 =	vor.u32 s14, v18;
	v39 =	vld.idx.msk [tilespmem:v39+s7+$0x0], $0xffff  }
0xa5: {  	v20 =	vor.u32 s12, v3;
	v41 =	vld.idx.msk [tilespmem:v41+s7+$0x0], $0xffff  }
0xa6: {  	v22 =	vor.u32 s12, v4;
	v43 =	vld.idx.msk [tilespmem:v43+s7+$0x0], $0xffff  }
0xa7: {  	v24 =	vor.u32 s12, v5;
	v45 =	vld.idx.msk [tilespmem:v45+s7+$0x0], $0xffff  }
0xa8: {  	v26 =	vor.u32 s12, v6;
	v47 =	vld.idx.msk [tilespmem:v47+s7+$0x0], $0xffff  }
0xa9: {  	v28 =	vor.u32 s12, v7;
	v49 =	vld.idx.msk [tilespmem:v49+s7+$0x0], $0xffff  }
0xaa: {  	v30 =	vor.u32 s12, v8;
	v20 =	vld.idx.msk [tilespmem:v20+s7+$0x0], $0xffff  }
0xab: {  	v32 =	vor.u32 s12, v9;
	v22 =	vld.idx.msk [tilespmem:v22+s7+$0x0], $0xffff  }
0xac: {  	v34 =	vor.u32 s12, v10;
	v24 =	vld.idx.msk [tilespmem:v24+s7+$0x0], $0xffff  }
0xad: {  	v36 =	vor.u32 s12, v11;
	v26 =	vld.idx.msk [tilespmem:v26+s7+$0x0], $0xffff  }
0xae: {  	v38 =	vor.u32 s12, v12;
	v28 =	vld.idx.msk [tilespmem:v28+s7+$0x0], $0xffff  }
0xaf: {  	v40 =	vor.u32 s12, v13;
	v30 =	vld.idx.msk [tilespmem:v30+s7+$0x0], $0xffff  }
0xb0: {  	s30 =	sadd.s32 $0x200, s14;
	v42 =	vor.u32 s12, v14;
	v32 =	vld.idx.msk [tilespmem:v32+s7+$0x0], $0xffff  }
0xb1: {  	v44 =	vor.u32 s12, v15;
	s15 =	sadd.s32 $0xFFFFFF00, s30;
	v34 =	vld.idx.msk [tilespmem:v34+s7+$0x0], $0xffff  }
0xb2: {  	v59 =	vor.u32 s15, v5;
	v36 =	vld.idx.msk [tilespmem:v36+s7+$0x0], $0xffff;
	v19 =	vadd.f32 $0.0e+00, v19  }
0xb3: {  	v60 =	vor.u32 s15, v6;
	v38 =	vld.idx.msk [tilespmem:v38+s7+$0x0], $0xffff;
	v20 =	vadd.f32 $0.0e+00, v20  }
0xb4: {  	v61 =	vor.u32 s15, v7;
	v40 =	vld.idx.msk [tilespmem:v40+s7+$0x0], $0xffff;
	v19 =	vadd.f32 v21, v19  }
0xb5: {  	v63 =	vor.u32 s15, v8;
	v42 =	vld.idx.msk [tilespmem:v42+s7+$0x0], $0xffff;
	v20 =	vadd.f32 v22, v20  }
0xb6: {  	v44 =	vld.idx.msk [tilespmem:v44+s7+$0x0], $0xffff;
	v21 =	vor.u32 s30, v3;
	v19 =	vadd.f32 v23, v19  }
0xb7: {  	v57 =	vor.u32 s15, v3;
	v62 =	vld.idx.msk [tilespmem:v59+s7+$0x0], $0xffff;
	v20 =	vadd.f32 v24, v20  }
0xb8: {  	v52 =	vld.idx.msk [tilespmem:v60+s7+$0x0], $0xffff;
	v23 =	vor.u32 s30, v4;
	v19 =	vadd.f32 v25, v19  }
0xb9: {  	v58 =	vor.u32 s15, v4;
	v54 =	vld.idx.msk [tilespmem:v61+s7+$0x0], $0xffff;
	v20 =	vadd.f32 v26, v20  }
0xba: {  	v55 =	vld.idx.msk [tilespmem:v63+s7+$0x0], $0xffff;
	v25 =	vor.u32 s30, v5;
	v19 =	vadd.f32 v27, v19  }
0xbb: {  	v46 =	vor.u32 s12, v16;
	v21 =	vld.idx.msk [tilespmem:v21+s7+$0x0], $0xffff;
	v20 =	vadd.f32 v28, v20  }
0xbc: {  	v27 =	vor.u32 s30, v6;
	v28 =	vld.idx.msk [tilespmem:v57+s7+$0x0], $0xffff;
	v19 =	vadd.f32 v29, v19  }
0xbd: {  	v48 =	vor.u32 s12, v17;
	v23 =	vld.idx.msk [tilespmem:v23+s7+$0x0], $0xffff;
	v20 =	vadd.f32 v30, v20  }
0xbe: {  	v29 =	vor.u32 s30, v7;
	v30 =	vld.idx.msk [tilespmem:v58+s7+$0x0], $0xffff;
	v19 =	vadd.f32 v31, v19  }
0xbf: {  	v50 =	vor.u32 s12, v18;
	v25 =	vld.idx.msk [tilespmem:v25+s7+$0x0], $0xffff;
	v20 =	vadd.f32 v32, v20  }
0xc0: {  	v22 =	vld.idx.msk [tilespmem:v46+s7+$0x0], $0xffff;
	v31 =	vor.u32 s30, v8;
	v21 =	vadd.f32 $0.0e+00, v21;
	v19 =	vadd.f32 v33, v19  }
0xc1: {  	v51 =	vor.u32 s30, v9;
	v27 =	vld.idx.msk [tilespmem:v27+s7+$0x0], $0xffff;
	v28 =	vadd.f32 $0.0e+00, v28;
	v20 =	vadd.f32 v34, v20  }
0xc2: {  	v24 =	vld.idx.msk [tilespmem:v48+s7+$0x0], $0xffff;
	v21 =	vadd.f32 v23, v21;
	v23 =	vor.u32 s15, v9;
	v19 =	vadd.f32 v35, v19  }
0xc3: {  	v53 =	vor.u32 s30, v10;
	v29 =	vld.idx.msk [tilespmem:v29+s7+$0x0], $0xffff;
	v28 =	vadd.f32 v30, v28;
	v20 =	vadd.f32 v36, v20  }
0xc4: {  	v26 =	vld.idx.msk [tilespmem:v50+s7+$0x0], $0xffff;
	v21 =	vadd.f32 v25, v21;
	v25 =	vor.u32 s15, v10;
	v19 =	vadd.f32 v37, v19  }
0xc5: {  	v56 =	vor.u32 s15, v11;
	v30 =	vld.idx.msk [tilespmem:v31+s7+$0x0], $0xffff;
	v28 =	vadd.f32 v62, v28;
	v20 =	vadd.f32 v38, v20  }
0xc6: {  	v31 =	vor.u32 s30, v11;
	v21 =	vadd.f32 v27, v21;
	v27 =	vld.idx.msk [tilespmem:v51+s7+$0x0], $0xffff;
	v19 =	vadd.f32 v39, v19  }
0xc7: {  	v58 =	vor.u32 s15, v12;
	v23 =	vld.idx.msk [tilespmem:v23+s7+$0x0], $0xffff;
	v28 =	vadd.f32 v52, v28;
	v20 =	vadd.f32 v40, v20  }
0xc8: {  	v57 =	vor.u32 s30, v12;
	v21 =	vadd.f32 v29, v21;
	v29 =	vld.idx.msk [tilespmem:v53+s7+$0x0], $0xffff;
	v19 =	vadd.f32 v41, v19  }
0xc9: {  	v59 =	vor.u32 s30, v13;
	v60 =	vld.idx.msk [tilespmem:v25+s7+$0x0], $0xffff;
	v25 =	vadd.f32 v54, v28;
	v20 =	vadd.f32 v42, v20  }
0xca: {  	v32 =	vld.idx.msk [tilespmem:v56+s7+$0x0], $0xffff;
	v28 =	vor.u32 s15, v13;
	v21 =	vadd.f32 v30, v21;
	v19 =	vadd.f32 v43, v19  }
0xcb: {  	v30 =	vld.idx.msk [tilespmem:v31+s7+$0x0], $0xffff;
	v31 =	vor.u32 s30, v14;
	v25 =	vadd.f32 v55, v25;
	v20 =	vadd.f32 v44, v20  }
0xcc: {  	v61 =	vor.u32 s15, v14;
	v34 =	vld.idx.msk [tilespmem:v58+s7+$0x0], $0xffff;
	v21 =	vadd.f32 v27, v21;
	v19 =	vadd.f32 v45, v19  }
0xcd: {  	v62 =	vor.u32 s30, v15;
	v27 =	vld.idx.msk [tilespmem:v57+s7+$0x0], $0xffff;
	v20 =	vadd.f32 v22, v20;
	v22 =	vadd.f32 v23, v25  }
0xce: {  	v35 =	vld.idx.msk [tilespmem:v59+s7+$0x0], $0xffff;
	v21 =	vadd.f32 v29, v21;
	v23 =	vor.u32 s15, v15;
	v19 =	vadd.f32 v47, v19  }
0xcf: {  	v63 =	vor.u32 s30, v16;
	v25 =	vld.idx.msk [tilespmem:v28+s7+$0x0], $0xffff;
	v20 =	vadd.f32 v24, v20;
	v22 =	vadd.f32 v60, v22  }
0xd0: {  	v24 =	vadd.f32 v30, v21;
	v21 =	vld.idx.msk [tilespmem:v31+s7+$0x0], $0xffff;
	v30 =	vor.u32 s15, v16;
	v31 =	vadd.f32 v49, v19  }
0xd1: {  	v28 =	vadd.f32 v26, v20;
	v26 =	vld.idx.msk [tilespmem:v61+s7+$0x0], $0xffff;
	v20 =	vor.u32 s30, v17;
	v32 =	vadd.f32 v32, v22  }
0xd2: {  	v29 =	vor.u32 s15, v17;
	v24 =	vadd.f32 v27, v24;
	v22 =	vld.idx.msk [tilespmem:v62+s7+$0x0], $0xffff  }
0xd3: {  	s31 =	sadd.s32 $0x2, s13;
	v19 =	vor.u32 s30, v18;
	v27 =	vld.idx.msk [tilespmem:v23+s7+$0x0], $0xffff;
	[tilespmem:s11+$0x0] =	vst v31;
	v31 =	vadd.f32 v34, v32  }
0xd4: {  	s12 =	sadd.s32 $0x2, s31;
	s13 =	sadd.s32 $0x200, s30;
	v23 =	vld.idx.msk [tilespmem:v63+s7+$0x0], $0xffff;
	[tilespmem:s11+$0xFFFFFFF0] =	vst v28;
	v28 =	vor.u32 s15, v18;
	v24 =	vadd.f32 v35, v24  }
.LBB2_8:
0xd5: {  	s14 =	sadd.s32 $0xFFFFFF00, s13;
	v32 =	vor.u32 s13, v3;
	v33 =	vor.u32 s13, v4;
	s12 =	sadd.s32 $0x2, s12;
	v25 =	vadd.f32 v25, v31;
	v30 =	vld.idx.msk [tilespmem:v30+s7+$0x0], $0xffff  }
0xd6: {  	v34 =	vor.u32 s13, v5;
	v35 =	vor.u32 s13, v6;
	v31 =	vor.u32 s14, v3;
	p0 =	slt.u32 s12, $0x7E;
	v36 =	vld.idx.msk [tilespmem:v20+s7+$0x0], $0xffff  }
0xd7: {  	v37 =	vor.u32 s13, v7;
	v38 =	vor.u32 s13, v8;
	v20 =	vadd.f32 v26, v25;
	v25 =	vld.idx.msk [tilespmem:v29+s7+$0x0], $0xffff  }
0xd8: {  	v39 =	vor.u32 s13, v10;
	v26 =	vor.u32 s14, v4;
	v29 =	vor.u32 s13, v9;
	v40 =	vld.idx.msk [tilespmem:v19+s7+$0x0], $0xffff  }
0xd9: {  	v41 =	vor.u32 s13, v11;
	v42 =	vor.u32 s13, v12;
	v19 =	vadd.f32 v27, v20;
	v27 =	vld.idx.msk [tilespmem:v28+s7+$0x0], $0xffff  }
0xda: {  	v43 =	vor.u32 s13, v13;
	v44 =	vor.u32 s13, v14;
	v28 =	vor.u32 s14, v5;
	v32 =	vld.idx.msk [tilespmem:v32+s7+$0x0], $0xffff  }
0xdb: {  	v45 =	vor.u32 s13, v15;
	v46 =	vor.u32 s13, v16;
	v31 =	vld.idx.msk [tilespmem:v31+s7+$0x0], $0xffff;
	v30 =	vadd.f32 v30, v19  }
0xdc: {  	v47 =	vor.u32 s14, v6;
	v21 =	vadd.f32 v21, v24;
	v20 =	vor.u32 s13, v17;
	v33 =	vld.idx.msk [tilespmem:v33+s7+$0x0], $0xffff  }
0xdd: {  	v19 =	vor.u32 s13, v18;
	v24 =	vld.idx.msk [tilespmem:v26+s7+$0x0], $0xffff;
	v25 =	vadd.f32 v25, v30  }
0xde: {  	v21 =	vadd.f32 v22, v21;
	v26 =	vor.u32 s14, v7;
	v30 =	vld.idx.msk [tilespmem:v34+s7+$0x0], $0xffff  }
0xdf: {  	v22 =	vld.idx.msk [tilespmem:v28+s7+$0x0], $0xffff;
	v25 =	vadd.f32 v27, v25  }
0xe0: {  	s11 =	sadd.s32 $0x20, s11;
	v21 =	vadd.f32 v23, v21;
	v27 =	vor.u32 s14, v8;
	v28 =	vadd.f32 $0.0e+00, v32;
	v32 =	vld.idx.msk [tilespmem:v35+s7+$0x0], $0xffff  }
0xe1: {  	v23 =	vadd.f32 $0.0e+00, v31;
	v31 =	vld.idx.msk [tilespmem:v47+s7+$0x0], $0xffff;
	[tilespmem:s11+$0xFFFFFFF0] =	vst v25  }
0xe2: {  	v21 =	vadd.f32 v36, v21;
	v25 =	vor.u32 s14, v9;
	v28 =	vadd.f32 v33, v28;
	v33 =	vld.idx.msk [tilespmem:v37+s7+$0x0], $0xffff  }
0xe3: {  	v23 =	vadd.f32 v24, v23;
	v24 =	vld.idx.msk [tilespmem:v26+s7+$0x0], $0xffff  }
0xe4: {  	v21 =	vadd.f32 v40, v21;
	v26 =	vor.u32 s14, v10;
	v28 =	vadd.f32 v30, v28;
	v30 =	vld.idx.msk [tilespmem:v38+s7+$0x0], $0xffff  }
0xe5: {  	v22 =	vadd.f32 v22, v23;
	v23 =	vld.idx.msk [tilespmem:v27+s7+$0x0], $0xffff  }
0xe6: {  	v27 =	vor.u32 s14, v11;
	v28 =	vadd.f32 v32, v28;
	v29 =	vld.idx.msk [tilespmem:v29+s7+$0x0], $0xffff;
	[tilespmem:s11+$0x0] =	vst v21  }
0xe7: {  	v21 =	vadd.f32 v31, v22;
	v22 =	vld.idx.msk [tilespmem:v25+s7+$0x0], $0xffff  }
0xe8: {  	v25 =	vor.u32 s14, v12;
	v28 =	vadd.f32 v33, v28;
	v31 =	vld.idx.msk [tilespmem:v39+s7+$0x0], $0xffff  }
0xe9: {  	v21 =	vadd.f32 v24, v21;
	v24 =	vld.idx.msk [tilespmem:v26+s7+$0x0], $0xffff  }
0xea: {  	v26 =	vor.u32 s14, v13;
	v28 =	vadd.f32 v30, v28;
	v32 =	vld.idx.msk [tilespmem:v41+s7+$0x0], $0xffff  }
0xeb: {  	v21 =	vadd.f32 v23, v21;
	v23 =	vld.idx.msk [tilespmem:v27+s7+$0x0], $0xffff  }
0xec: {  	v27 =	vor.u32 s14, v14;
	v28 =	vadd.f32 v29, v28;
	v33 =	vld.idx.msk [tilespmem:v42+s7+$0x0], $0xffff  }
0xed: {  	v21 =	vadd.f32 v22, v21;
	v34 =	vld.idx.msk [tilespmem:v25+s7+$0x0], $0xffff  }
0xee: {  	v35 =	vor.u32 s14, v15;
	v22 =	vadd.f32 v31, v28;
	v36 =	vld.idx.msk [tilespmem:v43+s7+$0x0], $0xffff  }
0xef: {  	v24 =	vadd.f32 v24, v21;
	v25 =	vld.idx.msk [tilespmem:v26+s7+$0x0], $0xffff  }
.Ltmp3:
0xf0: {  	v30 =	vor.u32 s14, v16;
	v22 =	vadd.f32 v32, v22;
	v21 =	vld.idx.msk [tilespmem:v44+s7+$0x0], $0xffff;
	(pc) =	sbr.rel @p0 .LBB2_8-.Ltmp3, $4  }
0xf1: {  	v23 =	vadd.f32 v23, v24;
	v26 =	vld.idx.msk [tilespmem:v27+s7+$0x0], $0xffff  }
0xf2: {  	v29 =	vor.u32 s14, v17;
	v24 =	vadd.f32 v33, v22;
	v22 =	vld.idx.msk [tilespmem:v45+s7+$0x0], $0xffff  }
0xf3: {  	v31 =	vadd.f32 v34, v23;
	v27 =	vld.idx.msk [tilespmem:v35+s7+$0x0], $0xffff  }
0xf4: {  	s13 =	sadd.s32 $0x200, s13;
	v28 =	vor.u32 s14, v18;
	v24 =	vadd.f32 v36, v24;
	v23 =	vld.idx.msk [tilespmem:v46+s7+$0x0], $0xffff  }
0xf5: {  	_ =	sdelay $0x2  }
0xf6: {  	v25 =	vadd.f32 v25, v31  }
0xf7: {  	v30 =	vld.idx.msk [tilespmem:v30+s7+$0x0], $0xffff;
	v21 =	vadd.f32 v21, v24  }
0xf8: {  	v20 =	vld.idx.msk [tilespmem:v20+s7+$0x0], $0xffff;
	v25 =	vadd.f32 v26, v25  }
0xf9: {  	v59 =	vld.idx.msk [tilespmem:v29+s7+$0x0], $0xffff;
	v21 =	vadd.f32 v22, v21  }
0xfa: {  	v19 =	vld.idx.msk [tilespmem:v19+s7+$0x0], $0xffff;
	v60 =	vadd.f32 v27, v25  }
0xfb: {  	v61 =	vld.idx.msk [tilespmem:v28+s7+$0x0], $0xffff;
	v21 =	vadd.f32 v23, v21  }
0xfc: {  	v62 =	vadd.f32 v30, v60  }
0xfd: {  	v20 =	vadd.f32 v20, v21  }
0xfe: {  	v22 =	vadd.f32 v59, v62  }
0xff: {  	v19 =	vadd.f32 v19, v20  }
0x100: {  	s11 =	sadd.s32 $0x20, s11;
	s1 =	sadd.s32 $0x1, s1;
	v63 =	vadd.f32 v61, v22  }
0x101: {  	p0 =	sne.s32 s1, s5;
	[tilespmem:s11+$0x0] =	vst v19  }
.Ltmp4:
0x102: {  	[tilespmem:s11+$0xFFFFFFF0] =	vst v63;
	(pc) =	sbr.rel @p0 .LBB2_1-.Ltmp4, $4  }
0x103: {  	[hbm4b:s4+s8] =	stream.strided.scatter [tilespmem:s10], [sflag:$0x1], $0x800, s9, s8, $0x38;
	[tilespmem:$0x10800] =	vst v63  }
0x104: {  	_ =	swait.ge [sflag:s6], $0x800  }
0x105: {  	[sflag:s6] =	ssyncset.done $0x0  }
0x106: {  	[sflag:s6] =	ssyncadd.s32 $0xFFFFF800  }
0x107: {  	_ =	sfence.sel $0x180000  }
0x108: {  	[bflag:$0x0] =	sbarrier.arrive $0xFFFF  }
0x109: {  	p0 =	sne.s32 s0, $0x0;
	_ =	strace $0x9000004D  }
0x10a: {  	s0 =	sadd.s32 @!p0 $0x100000, s2;
	[bflag:$0x2] =	sbarrier.arrive $0xFFFF  }
0x10b: {  	[sflag:s0] =	ssyncadd.tile.s32 @!p0 $0x1;
	_ =	shalt  }
.Lfunc_end2:
_tile_overlayer_lowered:
.L_overlay_start_2:
0x10c: {  	(tag) =	ssettag $0x2  }
0x10d: {  	s0 =	rddreg [dreg:$0x0];
	s2 =	stileid.u32  }
0x10e: {  	s1 =	rddreg [dreg:$0x1];
	p0 =	sne.s32 s2, $0x0  }
0x10f: {  	s3 =	rddreg [dreg:$0x2];
	[bflag:$0x3] =	sbarrier.arrive $0xFFFF;
	s2 =	simm.s32 @!p0 $0x1C01  }
0x110: {  	[timem:s3], [sflag:s2] =	dma.local @!p0 [hbm:s0], s1  }
0x111: {  	s0 =	simm.s32 @!p0 $0x1  }
0x112: {  	_ =	swait.ge @!p0 [sflag:s0], s1  }
0x113: {  	s1 =	ssub.s32 @!p0 $0x0, s1;
	[sflag:s0] =	ssyncset.done @!p0 $0x0  }
0x114: {  	[sflag:s0] =	ssyncadd.s32 @!p0 s1  }
0x115: {  	[bflag:$0x3] =	sbarrier.arrive $0xFFFF  }
0x116: {  	_ =	shalt  }

</sc_bundles>
